<compile_context>
chip_gen: v7x
topology: tpu7x:2x2x1
jax: 0.10.2.dev20260603
libtpu: 0.0.44.dev20260713+nightly
codegen_flags: <defaults>
</compile_context>

<pallas_src>
import jax
import jax.numpy as jnp
from jax import lax
from jax.experimental import pallas as pl
from jax.experimental.pallas import tpu as pltpu
from jax.experimental.pallas import tpu_sc as plsc

N = 10000
E = 320000
D = 128
NC, NS = 2, 16
NW = NC * NS
EPW = E // NW
K = 80
CHUNKS = EPW // K
SPAD = 10240
RPT = SPAD // NS
ZR = 32
DEGW = 16

_F32 = jnp.float32


def _make_sc_agg():
    mesh = plsc.VectorSubcoreMesh(core_axis_name="c", subcore_axis_name="s")
    scratch = [
        pltpu.VMEM((CHUNKS, K), jnp.int32),
        pltpu.VMEM((CHUNKS, K), jnp.int32),
        pltpu.VMEM((K, D), _F32),
        pltpu.VMEM((K, D), _F32),
        pltpu.VMEM((ZR, D), _F32),
        pltpu.VMEM_SHARED((SPAD, D), _F32),
        pltpu.SemaphoreType.DMA,
        pltpu.SemaphoreType.DMA,
    ]

    def body(h_hbm, src_hbm, dst_hbm, out_hbm, src_v, dst_v, rows0, rows1,
             z_v, acc, sem0, sem1):
        cid = lax.axis_index("c")
        sid = lax.axis_index("s")
        wid = cid * NS + sid

        pltpu.async_copy(src_hbm.at[pl.ds(wid * CHUNKS, CHUNKS)], src_v,
                         sem0)
        pltpu.async_copy(dst_hbm.at[pl.ds(wid * CHUNKS, CHUNKS)], dst_v,
                         sem1)

        @pl.loop(0, ZR)
        def _(r):
            @pl.loop(0, D, step=16)
            def _(c2):
                z_v[r, pl.ds(c2, 16)] = jnp.zeros((16,), _F32)

        pltpu.make_async_copy(src_hbm.at[pl.ds(wid * CHUNKS, CHUNKS)],
                              src_v, sem0).wait()
        pltpu.make_async_copy(dst_hbm.at[pl.ds(wid * CHUNKS, CHUNKS)],
                              dst_v, sem1).wait()

        @pl.loop(0, RPT, step=ZR)
        def _(r0):
            pltpu.async_copy(z_v, acc.at[pl.ds(sid * RPT + r0, ZR)], sem0)

        @pl.loop(0, RPT, step=ZR)
        def _(r0):
            pltpu.make_async_copy(z_v, acc.at[pl.ds(sid * RPT + r0, ZR)],
                                  sem0).wait()

        plsc.subcore_barrier()

        def gather(ci, buf, sem):
            pltpu.async_copy(h_hbm.at[src_v.at[ci]], buf, sem)

        def wait_gather(ci, buf, sem):
            pltpu.make_async_copy(h_hbm.at[src_v.at[ci]], buf, sem).wait()

        gather(0, rows0, sem0)
        gather(1, rows1, sem1)

        @pl.loop(0, CHUNKS - 1, step=2)
        def _(ci):
            wait_gather(ci, rows0, sem0)
            pltpu.sync_copy(rows0, acc.at[dst_v.at[ci]], add=True)

            @pl.when(ci + 2 < CHUNKS)
            def _():
                gather(ci + 2, rows0, sem0)

            wait_gather(ci + 1, rows1, sem1)
            pltpu.sync_copy(rows1, acc.at[dst_v.at[ci + 1]], add=True)

            @pl.when(ci + 3 < CHUNKS)
            def _():
                gather(ci + 3, rows1, sem1)

        wait_gather(CHUNKS - 1, rows0, sem0)
        pltpu.sync_copy(rows0, acc.at[dst_v.at[CHUNKS - 1]], add=True)

        plsc.subcore_barrier()

        @pl.when(sid == 0)
        def _():
            pltpu.sync_copy(acc.at[pl.ds(0, N)], out_hbm.at[cid])

    return pl.kernel(body,
                     out_type=jax.ShapeDtypeStruct((NC, N, D), _F32),
                     mesh=mesh, scratch_types=scratch,
                     compiler_params=pltpu.CompilerParams(
                         use_tc_tiling_on_sc=False))


def _make_sc_deg():
    mesh = plsc.VectorSubcoreMesh(core_axis_name="c", subcore_axis_name="s")
    scratch = [
        pltpu.VMEM((CHUNKS, K), jnp.int32),
        pltpu.VMEM((K, DEGW), _F32),
        pltpu.VMEM((RPT, DEGW), _F32),
        pltpu.VMEM_SHARED((SPAD, DEGW), _F32),
        pltpu.SemaphoreType.DMA,
    ]

    def body(dst_hbm, deg_hbm, dst_v, ones_v, dz_v, dacc, sem0):
        cid = lax.axis_index("c")
        sid = lax.axis_index("s")
        wid = cid * NS + sid

        pltpu.async_copy(dst_hbm.at[pl.ds(wid * CHUNKS, CHUNKS)], dst_v,
                         sem0)

        @pl.loop(0, K)
        def _(r):
            ones_v[r, :] = jnp.ones((DEGW,), _F32)

        @pl.loop(0, RPT)
        def _(r):
            dz_v[r, :] = jnp.zeros((DEGW,), _F32)

        pltpu.make_async_copy(dst_hbm.at[pl.ds(wid * CHUNKS, CHUNKS)],
                              dst_v, sem0).wait()
        pltpu.sync_copy(dz_v, dacc.at[pl.ds(sid * RPT, RPT)])
        plsc.subcore_barrier()

        @pl.loop(0, CHUNKS)
        def _(ci):
            pltpu.sync_copy(ones_v, dacc.at[dst_v.at[ci]], add=True)

        plsc.subcore_barrier()

        @pl.when(sid == 0)
        def _():
            pltpu.sync_copy(dacc.at[pl.ds(0, N)], deg_hbm.at[cid])

    return pl.kernel(body,
                     out_type=jax.ShapeDtypeStruct((NC, N, DEGW), _F32),
                     mesh=mesh, scratch_types=scratch,
                     compiler_params=pltpu.CompilerParams(
                         use_tc_tiling_on_sc=False))


_sc_agg = _make_sc_agg()
_sc_deg = _make_sc_deg()

BR = 2000


def _dot(a, b):
    return jnp.dot(a, b, preferred_element_type=_F32)


def _tc_layer0(x, W0, b0, W1):
    def body(x_ref, w0_ref, b0_ref, w1_ref, o_ref):
        h = jnp.maximum(_dot(x_ref[...], w0_ref[...]) + b0_ref[...], 0.0)
        o_ref[...] = _dot(h, w1_ref[...])

    return pl.pallas_call(
        body,
        grid=(N // BR,),
        in_specs=[pl.BlockSpec((BR, D), lambda i: (i, 0)),
                  pl.BlockSpec((D, D), lambda i: (0, 0)),
                  pl.BlockSpec((1, D), lambda i: (0, 0)),
                  pl.BlockSpec((D, D), lambda i: (0, 0))],
        out_specs=pl.BlockSpec((BR, D), lambda i: (i, 0)),
        out_shape=jax.ShapeDtypeStruct((N, D), _F32),
    )(x, W0, b0.reshape(1, D), W1)


def _tc_combine(p, pdeg, b, W, b_out):
    DO = W.shape[1]

    def body(p_ref, pd_ref, b_ref, w_ref, bo_ref, o_ref):
        agg = p_ref[0] + p_ref[1]
        deg = pd_ref[0, :, 0:1] + pd_ref[1, :, 0:1]
        deg_inv = 1.0 / jnp.maximum(deg, 1.0)
        h = jnp.maximum(agg * deg_inv + b_ref[...], 0.0)
        o_ref[...] = _dot(h, w_ref[...]) + bo_ref[...]

    return pl.pallas_call(
        body,
        grid=(N // BR,),
        in_specs=[pl.BlockSpec((NC, BR, D), lambda i: (0, i, 0)),
                  pl.BlockSpec((NC, BR, DEGW), lambda i: (0, i, 0)),
                  pl.BlockSpec((1, D), lambda i: (0, 0)),
                  pl.BlockSpec((D, DO), lambda i: (0, 0)),
                  pl.BlockSpec((1, DO), lambda i: (0, 0))],
        out_specs=pl.BlockSpec((BR, DO), lambda i: (i, 0)),
        out_shape=jax.ShapeDtypeStruct((N, DO), _F32),
    )(p, pdeg, b.reshape(1, D), W, b_out.reshape(1, DO))


def kernel(x, edge_index, W0, b0, W1, b1, W2, b2, W3, b3, W4, b4, Wp, bp):
    ei = edge_index.astype(jnp.int32)
    src, dst = ei[0].reshape(E // K, K), ei[1].reshape(E // K, K)
    zero_b = jnp.zeros((D,), _F32)
    Wp_pad = jnp.concatenate([Wp, jnp.zeros((D, D - Wp.shape[1]), _F32)],
                             axis=1)
    bp_pad = jnp.concatenate([bp, jnp.zeros((D - bp.shape[0],), _F32)])

    pdeg = _sc_deg(dst)
    h_lin = _tc_layer0(x, W0, b0, W1)
    h_lin, pdeg = lax.optimization_barrier((h_lin, pdeg))
    p = _sc_agg(h_lin, src, dst)
    h_lin = _tc_combine(p, pdeg, b1, W2, zero_b)
    p = _sc_agg(h_lin, src, dst)
    h_lin = _tc_combine(p, pdeg, b2, W3, zero_b)
    p = _sc_agg(h_lin, src, dst)
    h_lin = _tc_combine(p, pdeg, b3, W4, zero_b)
    p = _sc_agg(h_lin, src, dst)
    out = _tc_combine(p, pdeg, b4, Wp_pad, bp_pad)
    return out[:, :1]

# --- scband reference (transcript-rebuilt; emitter-appended) ---
"""Pipeline reference for scband-benchmark-model-4733053960389 (READ-ONLY COPY).

The authoritative reference and input builder live on the scoring server;
editing this copy changes nothing except your own understanding.
"""

import jax, jax.numpy as jnp
import numpy as np

N_NODES = 10000
N_EDGES = 320000
D = 128

def setup_inputs(seed: int = 0) -> dict:
    key = jax.random.key(seed)
    ks = jax.random.split(key, 16)
    scale = 1.0 / np.sqrt(D)
    inp = {}
    inp['x'] = jax.random.normal(ks[0], (N_NODES, D), dtype=jnp.float32)
    inp['edge_index'] = jax.random.randint(ks[1], (2, N_EDGES), 0, N_NODES, dtype=jnp.int64)
    inp['W0'] = jax.random.normal(ks[2], (D, D), dtype=jnp.float32) * scale
    inp['b0'] = jnp.zeros((D,), dtype=jnp.float32)
    inp['W1'] = jax.random.normal(ks[3], (D, D), dtype=jnp.float32) * scale
    inp['b1'] = jnp.zeros((D,), dtype=jnp.float32)
    inp['W2'] = jax.random.normal(ks[4], (D, D), dtype=jnp.float32) * scale
    inp['b2'] = jnp.zeros((D,), dtype=jnp.float32)
    inp['W3'] = jax.random.normal(ks[5], (D, D), dtype=jnp.float32) * scale
    inp['b3'] = jnp.zeros((D,), dtype=jnp.float32)
    inp['W4'] = jax.random.normal(ks[6], (D, D), dtype=jnp.float32) * scale
    inp['b4'] = jnp.zeros((D,), dtype=jnp.float32)
    inp['Wp'] = jax.random.normal(ks[7], (D, 1), dtype=jnp.float32) * scale
    inp['bp'] = jnp.zeros((1,), dtype=jnp.float32)
    return inp

def reference(x, edge_index, W0, b0, W1, b1, W2, b2, W3, b3, W4, b4, Wp, bp):
    # Faithful translation: pre_trained[0] is a dense embedding layer on x,
    # pre_trained[1..4] are graph-conv layers taking (h, adj), then Dense(1).
    N = x.shape[0]
    src = edge_index[0]
    dst = edge_index[1]
    deg = jnp.zeros((N,), dtype=jnp.float32).at[dst].add(1.0)
    deg_inv = 1.0 / jnp.maximum(deg, 1.0)
    # layer 0: dense on node features
    h = jax.nn.relu(x @ W0 + b0)
    # layers 1..4: GCN message passing (linear -> gather src -> scatter-add dst -> mean norm)
    for (W, b) in ((W1, b1), (W2, b2), (W3, b3), (W4, b4)):
        h_lin = h @ W
        msgs = jnp.take(h_lin, src, axis=0)
        agg = jax.ops.segment_sum(msgs, dst, num_segments=N)
        h = jax.nn.relu(agg * deg_inv[:, None] + b)
    # prediction head
    out = h @ Wp + bp
    return out

if __name__ == "__main__":
    import jax
    _d = setup_inputs()
    print(jax.jit(kernel)(*tuple(_d.values())))

</pallas_src>

<mosaic_0001>
#map = affine_map<(d0, d1) -> (0, 0)>
#map1 = affine_map<(d0, d1) -> (0, 0, 0)>
module attributes {stable_mosaic.version = 14 : i64} {
  func.func @body(%arg0: i32, %arg1: i32, %arg2: memref<4000x80xi32, #tpu.memory_space<hbm>>, %arg3: memref<2x10000x16xf32, #tpu.memory_space<hbm>>, %arg4: memref<125x80xi32, #tpu.memory_space<vmem>>, %arg5: memref<80x16xf32, #tpu.memory_space<vmem>>, %arg6: memref<640x16xf32, #tpu.memory_space<vmem>>, %arg7: memref<10240x16xf32, #tpu.memory_space<vmem_shared>>, %arg8: memref<!tpu.dma_semaphore, #tpu.memory_space<semaphore_mem>>) attributes {dimension_semantics = [#tpu.dimension_semantics<core_parallel>, #tpu.dimension_semantics<subcore_parallel>], iteration_bounds = array<i64: 2, 16>, scalar_prefetch = 0 : i64, scratch_operands = 5 : i64, tpu.core_type = #tpu.core_type<sc_vector_subcore>, window_params = [{transform_indices = #map}, {transform_indices = #map1}]} {
    %mul3A = arith.constant 16 : i32
    %mul3A_0 = arith.muli %arg0, %mul3A : i32
    %add3A = arith.addi %mul3A_0, %arg1 : i32
    %mul3A_1 = arith.constant 125 : i32
    %mul3A_2 = arith.muli %add3A, %mul3A_1 : i32
    %dma_start3A = arith.constant 0 : i32
    %dma_start3A_3 = tpu.memref_slice %arg2[%mul3A_2, %dma_start3A] : memref<4000x80xi32, #tpu.memory_space<hbm>> -> memref<125x80xi32, #tpu.memory_space<hbm>>
    %dma_start3A_4 = arith.constant 0 : i32
    %dma_start3A_5 = tpu.memref_slice %arg2[%mul3A_2, %dma_start3A_4] : memref<4000x80xi32, #tpu.memory_space<hbm>> -> memref<125x80xi32, #tpu.memory_space<hbm>>
    tpu.enqueue_dma source(%dma_start3A_5 : memref<125x80xi32, #tpu.memory_space<hbm>>) target(%arg4 : memref<125x80xi32, #tpu.memory_space<vmem>>) target_semaphore(%arg8 : memref<!tpu.dma_semaphore, #tpu.memory_space<semaphore_mem>>)
    %scan3A = arith.constant 0 : i32
    %scan3A_6 = arith.constant 80 : i32
    %scan3A_7 = arith.addi %scan3A, %scan3A_6 : i32
    %scan3A_8 = arith.constant 1 : i32
    scf.for %scan3A_30 = %scan3A to %scan3A_7 step %scan3A_8  : i32 {
      %mul3A_31 = arith.constant 1 : i32
      %mul3A_32 = arith.muli %scan3A_30, %mul3A_31 : i32
      %add3A_33 = arith.constant 0 : i32
      %add3A_34 = arith.addi %add3A_33, %mul3A_32 : i32
      %broadcast_in_dim3A = arith.constant 1.000000e+00 : f32
      %broadcast_in_dim3A_35 = vector.broadcast %broadcast_in_dim3A : f32 to vector<16xf32>
      %swap3A = arith.index_cast %add3A_34 : i32 to index
      %swap3A_36 = arith.constant 0 : index
      %swap3A_37 = tpu.vector_load %arg5[%swap3A, %swap3A_36] {strides = array<i32>} : memref<80x16xf32, #tpu.memory_space<vmem>>, vector<1x16xf32>,
      %swap3A_38 = vector.shape_cast %swap3A_37 : vector<1x16xf32> to vector<16xf32>
      %swap3A_39 = vector.shape_cast %broadcast_in_dim3A_35 : vector<16xf32> to vector<1x16xf32>
      tpu.vector_store %arg5[%swap3A, %swap3A_36], %swap3A_39 {strides = array<i32>} : memref<80x16xf32, #tpu.memory_space<vmem>>, vector<1x16xf32>,
    }
    %scan3A_9 = arith.constant 80 : i32
    %scan3A_10 = arith.constant 0 : i32
    %scan3A_11 = arith.constant 640 : i32
    %scan3A_12 = arith.addi %scan3A_10, %scan3A_11 : i32
    %scan3A_13 = arith.constant 1 : i32
    scf.for %scan3A_30 = %scan3A_10 to %scan3A_12 step %scan3A_13  : i32 {
      %mul3A_31 = arith.constant 1 : i32
      %mul3A_32 = arith.muli %scan3A_30, %mul3A_31 : i32
      %add3A_33 = arith.constant 0 : i32
      %add3A_34 = arith.addi %add3A_33, %mul3A_32 : i32
      %broadcast_in_dim3A = arith.constant 0.000000e+00 : f32
      %broadcast_in_dim3A_35 = vector.broadcast %broadcast_in_dim3A : f32 to vector<16xf32>
      %swap3A = arith.index_cast %add3A_34 : i32 to index
      %swap3A_36 = arith.constant 0 : index
      %swap3A_37 = tpu.vector_load %arg6[%swap3A, %swap3A_36] {strides = array<i32>} : memref<640x16xf32, #tpu.memory_space<vmem>>, vector<1x16xf32>,
      %swap3A_38 = vector.shape_cast %swap3A_37 : vector<1x16xf32> to vector<16xf32>
      %swap3A_39 = vector.shape_cast %broadcast_in_dim3A_35 : vector<16xf32> to vector<1x16xf32>
      tpu.vector_store %arg6[%swap3A, %swap3A_36], %swap3A_39 {strides = array<i32>} : memref<640x16xf32, #tpu.memory_space<vmem>>, vector<1x16xf32>,
    }
    %scan3A_14 = arith.constant 640 : i32
    %mul3A_15 = arith.constant 125 : i32
    %mul3A_16 = arith.muli %add3A, %mul3A_15 : i32
    %dma_wait3A = arith.constant 0 : i32
    %dma_wait3A_17 = tpu.memref_slice %arg2[%mul3A_16, %dma_wait3A] : memref<4000x80xi32, #tpu.memory_space<hbm>> -> memref<125x80xi32, #tpu.memory_space<hbm>>
    %dma_wait3A_18 = arith.constant 0 : i32
    %dma_wait3A_19 = tpu.memref_slice %arg2[%mul3A_16, %dma_wait3A_18] : memref<4000x80xi32, #tpu.memory_space<hbm>> -> memref<125x80xi32, #tpu.memory_space<hbm>>
    tpu.wait_dma2 semaphore(%arg8 : memref<!tpu.dma_semaphore, #tpu.memory_space<semaphore_mem>>) src(%dma_wait3A_19 : memref<125x80xi32, #tpu.memory_space<hbm>>) dst(%arg4 : memref<125x80xi32, #tpu.memory_space<vmem>>)
    %mul3A_20 = arith.constant 640 : i32
    %mul3A_21 = arith.muli %arg1, %mul3A_20 : i32
    "tpu.region"() ({
      %run_scoped3A = tpu.sem_alloc : memref<!tpu.dma_semaphore, #tpu.memory_space<semaphore_mem>>
      %dma_start3A_30 = arith.constant 0 : i32
      %dma_start3A_31 = tpu.memref_slice %arg7[%mul3A_21, %dma_start3A_30] : memref<10240x16xf32, #tpu.memory_space<vmem_shared>> -> memref<640x16xf32, #tpu.memory_space<vmem_shared>>
      %dma_start3A_32 = arith.constant 0 : i32
      %dma_start3A_33 = tpu.memref_slice %arg7[%mul3A_21, %dma_start3A_32] : memref<10240x16xf32, #tpu.memory_space<vmem_shared>> -> memref<640x16xf32, #tpu.memory_space<vmem_shared>>
      tpu.enqueue_dma source(%arg6 : memref<640x16xf32, #tpu.memory_space<vmem>>) target(%dma_start3A_33 : memref<640x16xf32, #tpu.memory_space<vmem_shared>>) target_semaphore(%run_scoped3A : memref<!tpu.dma_semaphore, #tpu.memory_space<semaphore_mem>>)
      %dma_wait3A_34 = arith.constant 0 : i32
      %dma_wait3A_35 = tpu.memref_slice %arg7[%mul3A_21, %dma_wait3A_34] : memref<10240x16xf32, #tpu.memory_space<vmem_shared>> -> memref<640x16xf32, #tpu.memory_space<vmem_shared>>
      %dma_wait3A_36 = arith.constant 0 : i32
      %dma_wait3A_37 = tpu.memref_slice %arg7[%mul3A_21, %dma_wait3A_36] : memref<10240x16xf32, #tpu.memory_space<vmem_shared>> -> memref<640x16xf32, #tpu.memory_space<vmem_shared>>
      tpu.wait_dma2 semaphore(%run_scoped3A : memref<!tpu.dma_semaphore, #tpu.memory_space<semaphore_mem>>) src(%arg6 : memref<640x16xf32, #tpu.memory_space<vmem>>) dst(%dma_wait3A_37 : memref<640x16xf32, #tpu.memory_space<vmem_shared>>)
      tpu.yield
    }) : () -> ()
    %barrier3A = arith.constant 0 : index
    tpu.barrier barrier_id(%barrier3A)
    %scan3A_22 = arith.constant 0 : i32
    %scan3A_23 = arith.constant 125 : i32
    %scan3A_24 = arith.addi %scan3A_22, %scan3A_23 : i32
    %scan3A_25 = arith.constant 1 : i32
    scf.for %scan3A_30 = %scan3A_22 to %scan3A_24 step %scan3A_25  : i32 {
      %mul3A_31 = arith.constant 1 : i32
      %mul3A_32 = arith.muli %scan3A_30, %mul3A_31 : i32
      %add3A_33 = arith.constant 0 : i32
      %add3A_34 = arith.addi %add3A_33, %mul3A_32 : i32
      "tpu.region"() ({
        %run_scoped3A = tpu.sem_alloc : memref<!tpu.dma_semaphore, #tpu.memory_space<semaphore_mem>>
        %dma_start3A_35 = arith.constant 0 : i32
        %dma_start3A_36 = tpu.memref_slice %arg4[%add3A_34, %dma_start3A_35] : memref<125x80xi32, #tpu.memory_space<vmem>> -> memref<1x80xi32, #tpu.memory_space<vmem>>
        %dma_start3A_37 = tpu.memref_squeeze %dma_start3A_36 : memref<1x80xi32, #tpu.memory_space<vmem>> -> memref<80xi32, #tpu.memory_space<vmem>>
        %dma_start3A_38 = arith.constant 0 : i32
        %dma_start3A_39 = arith.constant 0 : i32
        %dma_start3A_40 = tpu.memref_slice %arg7[%dma_start3A_38, %dma_start3A_39] : memref<10240x16xf32, #tpu.memory_space<vmem_shared>> -> memref<10240x16xf32, #tpu.memory_space<vmem_shared>>
        tpu.enqueue_indirect_dma source(%arg5 : memref<80x16xf32, #tpu.memory_space<vmem>>) target(%dma_start3A_40 : memref<10240x16xf32, #tpu.memory_space<vmem_shared>>) offsets(%dma_start3A_37 : memref<80xi32, #tpu.memory_space<vmem>>) semaphore(%run_scoped3A : memref<!tpu.dma_semaphore, #tpu.memory_space<semaphore_mem>>) {add = true}
        %dma_wait3A_41 = arith.constant 0 : i32
        %dma_wait3A_42 = tpu.memref_slice %arg4[%add3A_34, %dma_wait3A_41] : memref<125x80xi32, #tpu.memory_space<vmem>> -> memref<1x80xi32, #tpu.memory_space<vmem>>
        %dma_wait3A_43 = tpu.memref_squeeze %dma_wait3A_42 : memref<1x80xi32, #tpu.memory_space<vmem>> -> memref<80xi32, #tpu.memory_space<vmem>>
        %dma_wait3A_44 = arith.constant 0 : i32
        %dma_wait3A_45 = arith.constant 0 : i32
        %dma_wait3A_46 = tpu.memref_slice %arg7[%dma_wait3A_44, %dma_wait3A_45] : memref<10240x16xf32, #tpu.memory_space<vmem_shared>> -> memref<10240x16xf32, #tpu.memory_space<vmem_shared>>
        tpu.wait_indirect_dma semaphore(%run_scoped3A : memref<!tpu.dma_semaphore, #tpu.memory_space<semaphore_mem>>) src(%arg5 : memref<80x16xf32, #tpu.memory_space<vmem>>) dst(%dma_wait3A_46 : memref<10240x16xf32, #tpu.memory_space<vmem_shared>>)
        tpu.yield
      }) : () -> ()
    }
    %scan3A_26 = arith.constant 125 : i32
    %barrier3A_27 = arith.constant 0 : index
    tpu.barrier barrier_id(%barrier3A_27)
    %eq3A = arith.constant 0 : i32
    %eq3A_28 = arith.cmpi eq, %arg1, %eq3A : i32
    %convert_element_type3A = arith.extui %eq3A_28 : i1 to i32
    %cond3A = arith.constant 0 : i32
    %cond3A_29 = arith.cmpi ne, %convert_element_type3A, %cond3A : i32
    scf.if %cond3A_29 {
      "tpu.region"() ({
        %run_scoped3A = tpu.sem_alloc : memref<!tpu.dma_semaphore, #tpu.memory_space<semaphore_mem>>
        %dma_start3A_30 = arith.constant 0 : i32
        %dma_start3A_31 = arith.constant 0 : i32
        %dma_start3A_32 = tpu.memref_slice %arg3[%arg0, %dma_start3A_30, %dma_start3A_31] : memref<2x10000x16xf32, #tpu.memory_space<hbm>> -> memref<1x10000x16xf32, #tpu.memory_space<hbm>>
        %dma_start3A_33 = tpu.memref_squeeze %dma_start3A_32 : memref<1x10000x16xf32, #tpu.memory_space<hbm>> -> memref<10000x16xf32, #tpu.memory_space<hbm>>
        %dma_start3A_34 = arith.constant 0 : i32
        %dma_start3A_35 = arith.constant 0 : i32
        %dma_start3A_36 = tpu.memref_slice %arg7[%dma_start3A_34, %dma_start3A_35] : memref<10240x16xf32, #tpu.memory_space<vmem_shared>> -> memref<10000x16xf32, #tpu.memory_space<vmem_shared>>
        tpu.enqueue_dma source(%dma_start3A_36 : memref<10000x16xf32, #tpu.memory_space<vmem_shared>>) target(%dma_start3A_33 : memref<10000x16xf32, #tpu.memory_space<hbm>>) target_semaphore(%run_scoped3A : memref<!tpu.dma_semaphore, #tpu.memory_space<semaphore_mem>>)
        %dma_wait3A_37 = arith.constant 0 : i32
        %dma_wait3A_38 = arith.constant 0 : i32
        %dma_wait3A_39 = tpu.memref_slice %arg3[%arg0, %dma_wait3A_37, %dma_wait3A_38] : memref<2x10000x16xf32, #tpu.memory_space<hbm>> -> memref<1x10000x16xf32, #tpu.memory_space<hbm>>
        %dma_wait3A_40 = tpu.memref_squeeze %dma_wait3A_39 : memref<1x10000x16xf32, #tpu.memory_space<hbm>> -> memref<10000x16xf32, #tpu.memory_space<hbm>>
        %dma_wait3A_41 = arith.constant 0 : i32
        %dma_wait3A_42 = arith.constant 0 : i32
        %dma_wait3A_43 = tpu.memref_slice %arg7[%dma_wait3A_41, %dma_wait3A_42] : memref<10240x16xf32, #tpu.memory_space<vmem_shared>> -> memref<10000x16xf32, #tpu.memory_space<vmem_shared>>
        tpu.wait_dma2 semaphore(%run_scoped3A : memref<!tpu.dma_semaphore, #tpu.memory_space<semaphore_mem>>) src(%dma_wait3A_43 : memref<10000x16xf32, #tpu.memory_space<vmem_shared>>) dst(%dma_wait3A_40 : memref<10000x16xf32, #tpu.memory_space<hbm>>)
        tpu.yield
      }) : () -> ()
    } else {
    }
    return
  }
}

#map = affine_map<(d0, d1) -> (0, 0)>
#map1 = affine_map<(d0, d1) -> (0, 0, 0)>
module attributes {stable_mosaic.version = 14 : i64} {
  func.func @body(%arg0: i32, %arg1: i32, %arg2: memref<10000x128xf32, #tpu.memory_space<hbm>>, %arg3: memref<4000x80xi32, #tpu.memory_space<hbm>>, %arg4: memref<4000x80xi32, #tpu.memory_space<hbm>>, %arg5: memref<2x10000x128xf32, #tpu.memory_space<hbm>>, %arg6: memref<125x80xi32, #tpu.memory_space<vmem>>, %arg7: memref<125x80xi32, #tpu.memory_space<vmem>>, %arg8: memref<80x128xf32, #tpu.memory_space<vmem>>, %arg9: memref<80x128xf32, #tpu.memory_space<vmem>>, %arg10: memref<32x128xf32, #tpu.memory_space<vmem>>, %arg11: memref<10240x128xf32, #tpu.memory_space<vmem_shared>>, %arg12: memref<!tpu.dma_semaphore, #tpu.memory_space<semaphore_mem>>, %arg13: memref<!tpu.dma_semaphore, #tpu.memory_space<semaphore_mem>>) attributes {dimension_semantics = [#tpu.dimension_semantics<core_parallel>, #tpu.dimension_semantics<subcore_parallel>], iteration_bounds = array<i64: 2, 16>, scalar_prefetch = 0 : i64, scratch_operands = 8 : i64, tpu.core_type = #tpu.core_type<sc_vector_subcore>, window_params = [{transform_indices = #map}, {transform_indices = #map}, {transform_indices = #map}, {transform_indices = #map1}]} {
    %mul3A = arith.constant 16 : i32
    %mul3A_0 = arith.muli %arg0, %mul3A : i32
    %add3A = arith.addi %mul3A_0, %arg1 : i32
    %mul3A_1 = arith.constant 125 : i32
    %mul3A_2 = arith.muli %add3A, %mul3A_1 : i32
    %dma_start3A = arith.constant 0 : i32
    %dma_start3A_3 = tpu.memref_slice %arg3[%mul3A_2, %dma_start3A] : memref<4000x80xi32, #tpu.memory_space<hbm>> -> memref<125x80xi32, #tpu.memory_space<hbm>>
    %dma_start3A_4 = arith.constant 0 : i32
    %dma_start3A_5 = tpu.memref_slice %arg3[%mul3A_2, %dma_start3A_4] : memref<4000x80xi32, #tpu.memory_space<hbm>> -> memref<125x80xi32, #tpu.memory_space<hbm>>
    tpu.enqueue_dma source(%dma_start3A_5 : memref<125x80xi32, #tpu.memory_space<hbm>>) target(%arg6 : memref<125x80xi32, #tpu.memory_space<vmem>>) target_semaphore(%arg12 : memref<!tpu.dma_semaphore, #tpu.memory_space<semaphore_mem>>)
    %mul3A_6 = arith.constant 125 : i32
    %mul3A_7 = arith.muli %add3A, %mul3A_6 : i32
    %dma_start3A_8 = arith.constant 0 : i32
    %dma_start3A_9 = tpu.memref_slice %arg4[%mul3A_7, %dma_start3A_8] : memref<4000x80xi32, #tpu.memory_space<hbm>> -> memref<125x80xi32, #tpu.memory_space<hbm>>
    %dma_start3A_10 = arith.constant 0 : i32
    %dma_start3A_11 = tpu.memref_slice %arg4[%mul3A_7, %dma_start3A_10] : memref<4000x80xi32, #tpu.memory_space<hbm>> -> memref<125x80xi32, #tpu.memory_space<hbm>>
    tpu.enqueue_dma source(%dma_start3A_11 : memref<125x80xi32, #tpu.memory_space<hbm>>) target(%arg7 : memref<125x80xi32, #tpu.memory_space<vmem>>) target_semaphore(%arg13 : memref<!tpu.dma_semaphore, #tpu.memory_space<semaphore_mem>>)
    %scan3A = arith.constant 0 : i32
    %scan3A_12 = arith.constant 32 : i32
    %scan3A_13 = arith.addi %scan3A, %scan3A_12 : i32
    %scan3A_14 = arith.constant 1 : i32
    scf.for %scan3A_66 = %scan3A to %scan3A_13 step %scan3A_14  : i32 {
      %mul3A_67 = arith.constant 1 : i32
      %mul3A_68 = arith.muli %scan3A_66, %mul3A_67 : i32
      %add3A_69 = arith.constant 0 : i32
      %add3A_70 = arith.addi %add3A_69, %mul3A_68 : i32
      %scan3A_71 = arith.constant 0 : i32
      %scan3A_72 = arith.constant 8 : i32
      %scan3A_73 = arith.addi %scan3A_71, %scan3A_72 : i32
      %scan3A_74 = arith.constant 1 : i32
      scf.for %scan3A_76 = %scan3A_71 to %scan3A_73 step %scan3A_74  : i32 {
        %mul3A_77 = arith.constant 16 : i32
        %mul3A_78 = arith.muli %scan3A_76, %mul3A_77 : i32
        %add3A_79 = arith.constant 0 : i32
        %add3A_80 = arith.addi %add3A_79, %mul3A_78 : i32
        %broadcast_in_dim3A = arith.constant 0.000000e+00 : f32
        %broadcast_in_dim3A_81 = vector.broadcast %broadcast_in_dim3A : f32 to vector<16xf32>
        %swap3A = arith.index_cast %add3A_70 : i32 to index
        %swap3A_82 = arith.index_cast %add3A_80 : i32 to index
        %swap3A_83 = tpu.vector_load %arg10[%swap3A, %swap3A_82] {strides = array<i32>} : memref<32x128xf32, #tpu.memory_space<vmem>>, vector<1x16xf32>,
        %swap3A_84 = vector.shape_cast %swap3A_83 : vector<1x16xf32> to vector<16xf32>
        %swap3A_85 = vector.shape_cast %broadcast_in_dim3A_81 : vector<16xf32> to vector<1x16xf32>
        tpu.vector_store %arg10[%swap3A, %swap3A_82], %swap3A_85 {strides = array<i32>} : memref<32x128xf32, #tpu.memory_space<vmem>>, vector<1x16xf32>,
      }
      %scan3A_75 = arith.constant 8 : i32
    }
    %scan3A_15 = arith.constant 32 : i32
    %mul3A_16 = arith.constant 125 : i32
    %mul3A_17 = arith.muli %add3A, %mul3A_16 : i32
    %dma_wait3A = arith.constant 0 : i32
    %dma_wait3A_18 = tpu.memref_slice %arg3[%mul3A_17, %dma_wait3A] : memref<4000x80xi32, #tpu.memory_space<hbm>> -> memref<125x80xi32, #tpu.memory_space<hbm>>
    %dma_wait3A_19 = arith.constant 0 : i32
    %dma_wait3A_20 = tpu.memref_slice %arg3[%mul3A_17, %dma_wait3A_19] : memref<4000x80xi32, #tpu.memory_space<hbm>> -> memref<125x80xi32, #tpu.memory_space<hbm>>
    tpu.wait_dma2 semaphore(%arg12 : memref<!tpu.dma_semaphore, #tpu.memory_space<semaphore_mem>>) src(%dma_wait3A_20 : memref<125x80xi32, #tpu.memory_space<hbm>>) dst(%arg6 : memref<125x80xi32, #tpu.memory_space<vmem>>)
    %mul3A_21 = arith.constant 125 : i32
    %mul3A_22 = arith.muli %add3A, %mul3A_21 : i32
    %dma_wait3A_23 = arith.constant 0 : i32
    %dma_wait3A_24 = tpu.memref_slice %arg4[%mul3A_22, %dma_wait3A_23] : memref<4000x80xi32, #tpu.memory_space<hbm>> -> memref<125x80xi32, #tpu.memory_space<hbm>>
    %dma_wait3A_25 = arith.constant 0 : i32
    %dma_wait3A_26 = tpu.memref_slice %arg4[%mul3A_22, %dma_wait3A_25] : memref<4000x80xi32, #tpu.memory_space<hbm>> -> memref<125x80xi32, #tpu.memory_space<hbm>>
    tpu.wait_dma2 semaphore(%arg13 : memref<!tpu.dma_semaphore, #tpu.memory_space<semaphore_mem>>) src(%dma_wait3A_26 : memref<125x80xi32, #tpu.memory_space<hbm>>) dst(%arg7 : memref<125x80xi32, #tpu.memory_space<vmem>>)
    %scan3A_27 = arith.constant 0 : i32
    %scan3A_28 = arith.constant 20 : i32
    %scan3A_29 = arith.addi %scan3A_27, %scan3A_28 : i32
    %scan3A_30 = arith.constant 1 : i32
    scf.for %scan3A_66 = %scan3A_27 to %scan3A_29 step %scan3A_30  : i32 {
      %mul3A_67 = arith.constant 32 : i32
      %mul3A_68 = arith.muli %scan3A_66, %mul3A_67 : i32
      %add3A_69 = arith.constant 0 : i32
      %add3A_70 = arith.addi %add3A_69, %mul3A_68 : i32
      %mul3A_71 = arith.constant 640 : i32
      %mul3A_72 = arith.muli %arg1, %mul3A_71 : i32
      %add3A_73 = arith.addi %mul3A_72, %add3A_70 : i32
      %dma_start3A_74 = arith.constant 0 : i32
      %dma_start3A_75 = tpu.memref_slice %arg11[%add3A_73, %dma_start3A_74] : memref<10240x128xf32, #tpu.memory_space<vmem_shared>> -> memref<32x128xf32, #tpu.memory_space<vmem_shared>>
      %dma_start3A_76 = arith.constant 0 : i32
      %dma_start3A_77 = tpu.memref_slice %arg11[%add3A_73, %dma_start3A_76] : memref<10240x128xf32, #tpu.memory_space<vmem_shared>> -> memref<32x128xf32, #tpu.memory_space<vmem_shared>>
      tpu.enqueue_dma source(%arg10 : memref<32x128xf32, #tpu.memory_space<vmem>>) target(%dma_start3A_77 : memref<32x128xf32, #tpu.memory_space<vmem_shared>>) target_semaphore(%arg12 : memref<!tpu.dma_semaphore, #tpu.memory_space<semaphore_mem>>)
    }
    %scan3A_31 = arith.constant 20 : i32
    %scan3A_32 = arith.constant 0 : i32
    %scan3A_33 = arith.constant 20 : i32
    %scan3A_34 = arith.addi %scan3A_32, %scan3A_33 : i32
    %scan3A_35 = arith.constant 1 : i32
    scf.for %scan3A_66 = %scan3A_32 to %scan3A_34 step %scan3A_35  : i32 {
      %mul3A_67 = arith.constant 32 : i32
      %mul3A_68 = arith.muli %scan3A_66, %mul3A_67 : i32
      %add3A_69 = arith.constant 0 : i32
      %add3A_70 = arith.addi %add3A_69, %mul3A_68 : i32
      %mul3A_71 = arith.constant 640 : i32
      %mul3A_72 = arith.muli %arg1, %mul3A_71 : i32
      %add3A_73 = arith.addi %mul3A_72, %add3A_70 : i32
      %dma_wait3A_74 = arith.constant 0 : i32
      %dma_wait3A_75 = tpu.memref_slice %arg11[%add3A_73, %dma_wait3A_74] : memref<10240x128xf32, #tpu.memory_space<vmem_shared>> -> memref<32x128xf32, #tpu.memory_space<vmem_shared>>
      %dma_wait3A_76 = arith.constant 0 : i32
      %dma_wait3A_77 = tpu.memref_slice %arg11[%add3A_73, %dma_wait3A_76] : memref<10240x128xf32, #tpu.memory_space<vmem_shared>> -> memref<32x128xf32, #tpu.memory_space<vmem_shared>>
      tpu.wait_dma2 semaphore(%arg12 : memref<!tpu.dma_semaphore, #tpu.memory_space<semaphore_mem>>) src(%arg10 : memref<32x128xf32, #tpu.memory_space<vmem>>) dst(%dma_wait3A_77 : memref<32x128xf32, #tpu.memory_space<vmem_shared>>)
    }
    %scan3A_36 = arith.constant 20 : i32
    %barrier3A = arith.constant 0 : index
    tpu.barrier barrier_id(%barrier3A)
    %dma_start3A_37 = arith.constant 0 : i32
    %dma_start3A_38 = arith.constant 0 : i32
    %dma_start3A_39 = tpu.memref_slice %arg6[%dma_start3A_37, %dma_start3A_38] : memref<125x80xi32, #tpu.memory_space<vmem>> -> memref<1x80xi32, #tpu.memory_space<vmem>>
    %dma_start3A_40 = tpu.memref_squeeze %dma_start3A_39 : memref<1x80xi32, #tpu.memory_space<vmem>> -> memref<80xi32, #tpu.memory_space<vmem>>
    %dma_start3A_41 = arith.constant 0 : i32
    %dma_start3A_42 = arith.constant 0 : i32
    %dma_start3A_43 = tpu.memref_slice %arg2[%dma_start3A_41, %dma_start3A_42] : memref<10000x128xf32, #tpu.memory_space<hbm>> -> memref<10000x128xf32, #tpu.memory_space<hbm>>
    tpu.enqueue_indirect_dma source(%dma_start3A_43 : memref<10000x128xf32, #tpu.memory_space<hbm>>) target(%arg8 : memref<80x128xf32, #tpu.memory_space<vmem>>) offsets(%dma_start3A_40 : memref<80xi32, #tpu.memory_space<vmem>>) semaphore(%arg12 : memref<!tpu.dma_semaphore, #tpu.memory_space<semaphore_mem>>)
    %dma_start3A_44 = arith.constant 1 : i32
    %dma_start3A_45 = arith.constant 0 : i32
    %dma_start3A_46 = tpu.memref_slice %arg6[%dma_start3A_44, %dma_start3A_45] : memref<125x80xi32, #tpu.memory_space<vmem>> -> memref<1x80xi32, #tpu.memory_space<vmem>>
    %dma_start3A_47 = tpu.memref_squeeze %dma_start3A_46 : memref<1x80xi32, #tpu.memory_space<vmem>> -> memref<80xi32, #tpu.memory_space<vmem>>
    %dma_start3A_48 = arith.constant 0 : i32
    %dma_start3A_49 = arith.constant 0 : i32
    %dma_start3A_50 = tpu.memref_slice %arg2[%dma_start3A_48, %dma_start3A_49] : memref<10000x128xf32, #tpu.memory_space<hbm>> -> memref<10000x128xf32, #tpu.memory_space<hbm>>
    tpu.enqueue_indirect_dma source(%dma_start3A_50 : memref<10000x128xf32, #tpu.memory_space<hbm>>) target(%arg9 : memref<80x128xf32, #tpu.memory_space<vmem>>) offsets(%dma_start3A_47 : memref<80xi32, #tpu.memory_space<vmem>>) semaphore(%arg13 : memref<!tpu.dma_semaphore, #tpu.memory_space<semaphore_mem>>)
    %scan3A_51 = arith.constant 0 : i32
    %scan3A_52 = arith.constant 62 : i32
    %scan3A_53 = arith.addi %scan3A_51, %scan3A_52 : i32
    %scan3A_54 = arith.constant 1 : i32
    scf.for %scan3A_66 = %scan3A_51 to %scan3A_53 step %scan3A_54  : i32 {
      %mul3A_67 = arith.constant 2 : i32
      %mul3A_68 = arith.muli %scan3A_66, %mul3A_67 : i32
      %add3A_69 = arith.constant 0 : i32
      %add3A_70 = arith.addi %add3A_69, %mul3A_68 : i32
      %dma_wait3A_71 = arith.constant 0 : i32
      %dma_wait3A_72 = tpu.memref_slice %arg6[%add3A_70, %dma_wait3A_71] : memref<125x80xi32, #tpu.memory_space<vmem>> -> memref<1x80xi32, #tpu.memory_space<vmem>>
      %dma_wait3A_73 = tpu.memref_squeeze %dma_wait3A_72 : memref<1x80xi32, #tpu.memory_space<vmem>> -> memref<80xi32, #tpu.memory_space<vmem>>
      %dma_wait3A_74 = arith.constant 0 : i32
      %dma_wait3A_75 = arith.constant 0 : i32
      %dma_wait3A_76 = tpu.memref_slice %arg2[%dma_wait3A_74, %dma_wait3A_75] : memref<10000x128xf32, #tpu.memory_space<hbm>> -> memref<10000x128xf32, #tpu.memory_space<hbm>>
      tpu.wait_indirect_dma semaphore(%arg12 : memref<!tpu.dma_semaphore, #tpu.memory_space<semaphore_mem>>) src(%dma_wait3A_76 : memref<10000x128xf32, #tpu.memory_space<hbm>>) dst(%arg8 : memref<80x128xf32, #tpu.memory_space<vmem>>)
      "tpu.region"() ({
        %run_scoped3A_100 = tpu.sem_alloc : memref<!tpu.dma_semaphore, #tpu.memory_space<semaphore_mem>>
        %dma_start3A_101 = arith.constant 0 : i32
        %dma_start3A_102 = tpu.memref_slice %arg7[%add3A_70, %dma_start3A_101] : memref<125x80xi32, #tpu.memory_space<vmem>> -> memref<1x80xi32, #tpu.memory_space<vmem>>
        %dma_start3A_103 = tpu.memref_squeeze %dma_start3A_102 : memref<1x80xi32, #tpu.memory_space<vmem>> -> memref<80xi32, #tpu.memory_space<vmem>>
        %dma_start3A_104 = arith.constant 0 : i32
        %dma_start3A_105 = arith.constant 0 : i32
        %dma_start3A_106 = tpu.memref_slice %arg11[%dma_start3A_104, %dma_start3A_105] : memref<10240x128xf32, #tpu.memory_space<vmem_shared>> -> memref<10240x128xf32, #tpu.memory_space<vmem_shared>>
        tpu.enqueue_indirect_dma source(%arg8 : memref<80x128xf32, #tpu.memory_space<vmem>>) target(%dma_start3A_106 : memref<10240x128xf32, #tpu.memory_space<vmem_shared>>) offsets(%dma_start3A_103 : memref<80xi32, #tpu.memory_space<vmem>>) semaphore(%run_scoped3A_100 : memref<!tpu.dma_semaphore, #tpu.memory_space<semaphore_mem>>) {add = true}
        %dma_wait3A_107 = arith.constant 0 : i32
        %dma_wait3A_108 = tpu.memref_slice %arg7[%add3A_70, %dma_wait3A_107] : memref<125x80xi32, #tpu.memory_space<vmem>> -> memref<1x80xi32, #tpu.memory_space<vmem>>
        %dma_wait3A_109 = tpu.memref_squeeze %dma_wait3A_108 : memref<1x80xi32, #tpu.memory_space<vmem>> -> memref<80xi32, #tpu.memory_space<vmem>>
        %dma_wait3A_110 = arith.constant 0 : i32
        %dma_wait3A_111 = arith.constant 0 : i32
        %dma_wait3A_112 = tpu.memref_slice %arg11[%dma_wait3A_110, %dma_wait3A_111] : memref<10240x128xf32, #tpu.memory_space<vmem_shared>> -> memref<10240x128xf32, #tpu.memory_space<vmem_shared>>
        tpu.wait_indirect_dma semaphore(%run_scoped3A_100 : memref<!tpu.dma_semaphore, #tpu.memory_space<semaphore_mem>>) src(%arg8 : memref<80x128xf32, #tpu.memory_space<vmem>>) dst(%dma_wait3A_112 : memref<10240x128xf32, #tpu.memory_space<vmem_shared>>)
        tpu.yield
      }) : () -> ()
      %add3A_77 = arith.constant 2 : i32
      %add3A_78 = arith.addi %add3A_70, %add3A_77 : i32
      %lt3A = arith.constant 125 : i32
      %lt3A_79 = arith.cmpi slt, %add3A_78, %lt3A : i32
      %convert_element_type3A_80 = arith.extui %lt3A_79 : i1 to i32
      %cond3A_81 = arith.constant 0 : i32
      %cond3A_82 = arith.cmpi ne, %convert_element_type3A_80, %cond3A_81 : i32
      scf.if %cond3A_82 {
        %add3A_100 = arith.constant 2 : i32
        %add3A_101 = arith.addi %add3A_70, %add3A_100 : i32
        %dma_start3A_102 = arith.constant 0 : i32
        %dma_start3A_103 = tpu.memref_slice %arg6[%add3A_101, %dma_start3A_102] : memref<125x80xi32, #tpu.memory_space<vmem>> -> memref<1x80xi32, #tpu.memory_space<vmem>>
        %dma_start3A_104 = tpu.memref_squeeze %dma_start3A_103 : memref<1x80xi32, #tpu.memory_space<vmem>> -> memref<80xi32, #tpu.memory_space<vmem>>
        %dma_start3A_105 = arith.constant 0 : i32
        %dma_start3A_106 = arith.constant 0 : i32
        %dma_start3A_107 = tpu.memref_slice %arg2[%dma_start3A_105, %dma_start3A_106] : memref<10000x128xf32, #tpu.memory_space<hbm>> -> memref<10000x128xf32, #tpu.memory_space<hbm>>
        tpu.enqueue_indirect_dma source(%dma_start3A_107 : memref<10000x128xf32, #tpu.memory_space<hbm>>) target(%arg8 : memref<80x128xf32, #tpu.memory_space<vmem>>) offsets(%dma_start3A_104 : memref<80xi32, #tpu.memory_space<vmem>>) semaphore(%arg12 : memref<!tpu.dma_semaphore, #tpu.memory_space<semaphore_mem>>)
      } else {
      }
      %add3A_83 = arith.constant 1 : i32
      %add3A_84 = arith.addi %add3A_70, %add3A_83 : i32
      %dma_wait3A_85 = arith.constant 0 : i32
      %dma_wait3A_86 = tpu.memref_slice %arg6[%add3A_84, %dma_wait3A_85] : memref<125x80xi32, #tpu.memory_space<vmem>> -> memref<1x80xi32, #tpu.memory_space<vmem>>
      %dma_wait3A_87 = tpu.memref_squeeze %dma_wait3A_86 : memref<1x80xi32, #tpu.memory_space<vmem>> -> memref<80xi32, #tpu.memory_space<vmem>>
      %dma_wait3A_88 = arith.constant 0 : i32
      %dma_wait3A_89 = arith.constant 0 : i32
      %dma_wait3A_90 = tpu.memref_slice %arg2[%dma_wait3A_88, %dma_wait3A_89] : memref<10000x128xf32, #tpu.memory_space<hbm>> -> memref<10000x128xf32, #tpu.memory_space<hbm>>
      tpu.wait_indirect_dma semaphore(%arg13 : memref<!tpu.dma_semaphore, #tpu.memory_space<semaphore_mem>>) src(%dma_wait3A_90 : memref<10000x128xf32, #tpu.memory_space<hbm>>) dst(%arg9 : memref<80x128xf32, #tpu.memory_space<vmem>>)
      %add3A_91 = arith.constant 1 : i32
      %add3A_92 = arith.addi %add3A_70, %add3A_91 : i32
      "tpu.region"() ({
        %run_scoped3A_100 = tpu.sem_alloc : memref<!tpu.dma_semaphore, #tpu.memory_space<semaphore_mem>>
        %dma_start3A_101 = arith.constant 0 : i32
        %dma_start3A_102 = tpu.memref_slice %arg7[%add3A_92, %dma_start3A_101] : memref<125x80xi32, #tpu.memory_space<vmem>> -> memref<1x80xi32, #tpu.memory_space<vmem>>
        %dma_start3A_103 = tpu.memref_squeeze %dma_start3A_102 : memref<1x80xi32, #tpu.memory_space<vmem>> -> memref<80xi32, #tpu.memory_space<vmem>>
        %dma_start3A_104 = arith.constant 0 : i32
        %dma_start3A_105 = arith.constant 0 : i32
        %dma_start3A_106 = tpu.memref_slice %arg11[%dma_start3A_104, %dma_start3A_105] : memref<10240x128xf32, #tpu.memory_space<vmem_shared>> -> memref<10240x128xf32, #tpu.memory_space<vmem_shared>>
        tpu.enqueue_indirect_dma source(%arg9 : memref<80x128xf32, #tpu.memory_space<vmem>>) target(%dma_start3A_106 : memref<10240x128xf32, #tpu.memory_space<vmem_shared>>) offsets(%dma_start3A_103 : memref<80xi32, #tpu.memory_space<vmem>>) semaphore(%run_scoped3A_100 : memref<!tpu.dma_semaphore, #tpu.memory_space<semaphore_mem>>) {add = true}
        %dma_wait3A_107 = arith.constant 0 : i32
        %dma_wait3A_108 = tpu.memref_slice %arg7[%add3A_92, %dma_wait3A_107] : memref<125x80xi32, #tpu.memory_space<vmem>> -> memref<1x80xi32, #tpu.memory_space<vmem>>
        %dma_wait3A_109 = tpu.memref_squeeze %dma_wait3A_108 : memref<1x80xi32, #tpu.memory_space<vmem>> -> memref<80xi32, #tpu.memory_space<vmem>>
        %dma_wait3A_110 = arith.constant 0 : i32
        %dma_wait3A_111 = arith.constant 0 : i32
        %dma_wait3A_112 = tpu.memref_slice %arg11[%dma_wait3A_110, %dma_wait3A_111] : memref<10240x128xf32, #tpu.memory_space<vmem_shared>> -> memref<10240x128xf32, #tpu.memory_space<vmem_shared>>
        tpu.wait_indirect_dma semaphore(%run_scoped3A_100 : memref<!tpu.dma_semaphore, #tpu.memory_space<semaphore_mem>>) src(%arg9 : memref<80x128xf32, #tpu.memory_space<vmem>>) dst(%dma_wait3A_112 : memref<10240x128xf32, #tpu.memory_space<vmem_shared>>)
        tpu.yield
      }) : () -> ()
      %add3A_93 = arith.constant 3 : i32
      %add3A_94 = arith.addi %add3A_70, %add3A_93 : i32
      %lt3A_95 = arith.constant 125 : i32
      %lt3A_96 = arith.cmpi slt, %add3A_94, %lt3A_95 : i32
      %convert_element_type3A_97 = arith.extui %lt3A_96 : i1 to i32
      %cond3A_98 = arith.constant 0 : i32
      %cond3A_99 = arith.cmpi ne, %convert_element_type3A_97, %cond3A_98 : i32
      scf.if %cond3A_99 {
        %add3A_100 = arith.constant 3 : i32
        %add3A_101 = arith.addi %add3A_70, %add3A_100 : i32
        %dma_start3A_102 = arith.constant 0 : i32
        %dma_start3A_103 = tpu.memref_slice %arg6[%add3A_101, %dma_start3A_102] : memref<125x80xi32, #tpu.memory_space<vmem>> -> memref<1x80xi32, #tpu.memory_space<vmem>>
        %dma_start3A_104 = tpu.memref_squeeze %dma_start3A_103 : memref<1x80xi32, #tpu.memory_space<vmem>> -> memref<80xi32, #tpu.memory_space<vmem>>
        %dma_start3A_105 = arith.constant 0 : i32
        %dma_start3A_106 = arith.constant 0 : i32
        %dma_start3A_107 = tpu.memref_slice %arg2[%dma_start3A_105, %dma_start3A_106] : memref<10000x128xf32, #tpu.memory_space<hbm>> -> memref<10000x128xf32, #tpu.memory_space<hbm>>
        tpu.enqueue_indirect_dma source(%dma_start3A_107 : memref<10000x128xf32, #tpu.memory_space<hbm>>) target(%arg9 : memref<80x128xf32, #tpu.memory_space<vmem>>) offsets(%dma_start3A_104 : memref<80xi32, #tpu.memory_space<vmem>>) semaphore(%arg13 : memref<!tpu.dma_semaphore, #tpu.memory_space<semaphore_mem>>)
      } else {
      }
    }
    %scan3A_55 = arith.constant 62 : i32
    %dma_wait3A_56 = arith.constant 124 : i32
    %dma_wait3A_57 = arith.constant 0 : i32
    %dma_wait3A_58 = tpu.memref_slice %arg6[%dma_wait3A_56, %dma_wait3A_57] : memref<125x80xi32, #tpu.memory_space<vmem>> -> memref<1x80xi32, #tpu.memory_space<vmem>>
    %dma_wait3A_59 = tpu.memref_squeeze %dma_wait3A_58 : memref<1x80xi32, #tpu.memory_space<vmem>> -> memref<80xi32, #tpu.memory_space<vmem>>
    %dma_wait3A_60 = arith.constant 0 : i32
    %dma_wait3A_61 = arith.constant 0 : i32
    %dma_wait3A_62 = tpu.memref_slice %arg2[%dma_wait3A_60, %dma_wait3A_61] : memref<10000x128xf32, #tpu.memory_space<hbm>> -> memref<10000x128xf32, #tpu.memory_space<hbm>>
    tpu.wait_indirect_dma semaphore(%arg12 : memref<!tpu.dma_semaphore, #tpu.memory_space<semaphore_mem>>) src(%dma_wait3A_62 : memref<10000x128xf32, #tpu.memory_space<hbm>>) dst(%arg8 : memref<80x128xf32, #tpu.memory_space<vmem>>)
    %run_scoped3A = arith.constant 124 : i32
    "tpu.region"() ({
      %run_scoped3A_66 = tpu.sem_alloc : memref<!tpu.dma_semaphore, #tpu.memory_space<semaphore_mem>>
      %dma_start3A_67 = arith.constant 0 : i32
      %dma_start3A_68 = tpu.memref_slice %arg7[%run_scoped3A, %dma_start3A_67] : memref<125x80xi32, #tpu.memory_space<vmem>> -> memref<1x80xi32, #tpu.memory_space<vmem>>
      %dma_start3A_69 = tpu.memref_squeeze %dma_start3A_68 : memref<1x80xi32, #tpu.memory_space<vmem>> -> memref<80xi32, #tpu.memory_space<vmem>>
      %dma_start3A_70 = arith.constant 0 : i32
      %dma_start3A_71 = arith.constant 0 : i32
      %dma_start3A_72 = tpu.memref_slice %arg11[%dma_start3A_70, %dma_start3A_71] : memref<10240x128xf32, #tpu.memory_space<vmem_shared>> -> memref<10240x128xf32, #tpu.memory_space<vmem_shared>>
      tpu.enqueue_indirect_dma source(%arg8 : memref<80x128xf32, #tpu.memory_space<vmem>>) target(%dma_start3A_72 : memref<10240x128xf32, #tpu.memory_space<vmem_shared>>) offsets(%dma_start3A_69 : memref<80xi32, #tpu.memory_space<vmem>>) semaphore(%run_scoped3A_66 : memref<!tpu.dma_semaphore, #tpu.memory_space<semaphore_mem>>) {add = true}
      %dma_wait3A_73 = arith.constant 0 : i32
      %dma_wait3A_74 = tpu.memref_slice %arg7[%run_scoped3A, %dma_wait3A_73] : memref<125x80xi32, #tpu.memory_space<vmem>> -> memref<1x80xi32, #tpu.memory_space<vmem>>
      %dma_wait3A_75 = tpu.memref_squeeze %dma_wait3A_74 : memref<1x80xi32, #tpu.memory_space<vmem>> -> memref<80xi32, #tpu.memory_space<vmem>>
      %dma_wait3A_76 = arith.constant 0 : i32
      %dma_wait3A_77 = arith.constant 0 : i32
      %dma_wait3A_78 = tpu.memref_slice %arg11[%dma_wait3A_76, %dma_wait3A_77] : memref<10240x128xf32, #tpu.memory_space<vmem_shared>> -> memref<10240x128xf32, #tpu.memory_space<vmem_shared>>
      tpu.wait_indirect_dma semaphore(%run_scoped3A_66 : memref<!tpu.dma_semaphore, #tpu.memory_space<semaphore_mem>>) src(%arg8 : memref<80x128xf32, #tpu.memory_space<vmem>>) dst(%dma_wait3A_78 : memref<10240x128xf32, #tpu.memory_space<vmem_shared>>)
      tpu.yield
    }) : () -> ()
    %barrier3A_63 = arith.constant 0 : index
    tpu.barrier barrier_id(%barrier3A_63)
    %eq3A = arith.constant 0 : i32
    %eq3A_64 = arith.cmpi eq, %arg1, %eq3A : i32
    %convert_element_type3A = arith.extui %eq3A_64 : i1 to i32
    %cond3A = arith.constant 0 : i32
    %cond3A_65 = arith.cmpi ne, %convert_element_type3A, %cond3A : i32
    scf.if %cond3A_65 {
      "tpu.region"() ({
        %run_scoped3A_66 = tpu.sem_alloc : memref<!tpu.dma_semaphore, #tpu.memory_space<semaphore_mem>>
        %dma_start3A_67 = arith.constant 0 : i32
        %dma_start3A_68 = arith.constant 0 : i32
        %dma_start3A_69 = tpu.memref_slice %arg5[%arg0, %dma_start3A_67, %dma_start3A_68] : memref<2x10000x128xf32, #tpu.memory_space<hbm>> -> memref<1x10000x128xf32, #tpu.memory_space<hbm>>
        %dma_start3A_70 = tpu.memref_squeeze %dma_start3A_69 : memref<1x10000x128xf32, #tpu.memory_space<hbm>> -> memref<10000x128xf32, #tpu.memory_space<hbm>>
        %dma_start3A_71 = arith.constant 0 : i32
        %dma_start3A_72 = arith.constant 0 : i32
        %dma_start3A_73 = tpu.memref_slice %arg11[%dma_start3A_71, %dma_start3A_72] : memref<10240x128xf32, #tpu.memory_space<vmem_shared>> -> memref<10000x128xf32, #tpu.memory_space<vmem_shared>>
        tpu.enqueue_dma source(%dma_start3A_73 : memref<10000x128xf32, #tpu.memory_space<vmem_shared>>) target(%dma_start3A_70 : memref<10000x128xf32, #tpu.memory_space<hbm>>) target_semaphore(%run_scoped3A_66 : memref<!tpu.dma_semaphore, #tpu.memory_space<semaphore_mem>>)
        %dma_wait3A_74 = arith.constant 0 : i32
        %dma_wait3A_75 = arith.constant 0 : i32
        %dma_wait3A_76 = tpu.memref_slice %arg5[%arg0, %dma_wait3A_74, %dma_wait3A_75] : memref<2x10000x128xf32, #tpu.memory_space<hbm>> -> memref<1x10000x128xf32, #tpu.memory_space<hbm>>
        %dma_wait3A_77 = tpu.memref_squeeze %dma_wait3A_76 : memref<1x10000x128xf32, #tpu.memory_space<hbm>> -> memref<10000x128xf32, #tpu.memory_space<hbm>>
        %dma_wait3A_78 = arith.constant 0 : i32
        %dma_wait3A_79 = arith.constant 0 : i32
        %dma_wait3A_80 = tpu.memref_slice %arg11[%dma_wait3A_78, %dma_wait3A_79] : memref<10240x128xf32, #tpu.memory_space<vmem_shared>> -> memref<10000x128xf32, #tpu.memory_space<vmem_shared>>
        tpu.wait_dma2 semaphore(%run_scoped3A_66 : memref<!tpu.dma_semaphore, #tpu.memory_space<semaphore_mem>>) src(%dma_wait3A_80 : memref<10000x128xf32, #tpu.memory_space<vmem_shared>>) dst(%dma_wait3A_77 : memref<10000x128xf32, #tpu.memory_space<hbm>>)
        tpu.yield
      }) : () -> ()
    } else {
    }
    return
  }
}

#map = affine_map<(d0, d1) -> (0, 0)>
#map1 = affine_map<(d0, d1) -> (0, 0, 0)>
module attributes {stable_mosaic.version = 14 : i64} {
  func.func @body(%arg0: i32, %arg1: i32, %arg2: memref<10000x128xf32, #tpu.memory_space<hbm>>, %arg3: memref<4000x80xi32, #tpu.memory_space<hbm>>, %arg4: memref<4000x80xi32, #tpu.memory_space<hbm>>, %arg5: memref<2x10000x128xf32, #tpu.memory_space<hbm>>, %arg6: memref<125x80xi32, #tpu.memory_space<vmem>>, %arg7: memref<125x80xi32, #tpu.memory_space<vmem>>, %arg8: memref<80x128xf32, #tpu.memory_space<vmem>>, %arg9: memref<80x128xf32, #tpu.memory_space<vmem>>, %arg10: memref<32x128xf32, #tpu.memory_space<vmem>>, %arg11: memref<10240x128xf32, #tpu.memory_space<vmem_shared>>, %arg12: memref<!tpu.dma_semaphore, #tpu.memory_space<semaphore_mem>>, %arg13: memref<!tpu.dma_semaphore, #tpu.memory_space<semaphore_mem>>) attributes {dimension_semantics = [#tpu.dimension_semantics<core_parallel>, #tpu.dimension_semantics<subcore_parallel>], iteration_bounds = array<i64: 2, 16>, scalar_prefetch = 0 : i64, scratch_operands = 8 : i64, tpu.core_type = #tpu.core_type<sc_vector_subcore>, window_params = [{transform_indices = #map}, {transform_indices = #map}, {transform_indices = #map}, {transform_indices = #map1}]} {
    %mul3A = arith.constant 16 : i32
    %mul3A_0 = arith.muli %arg0, %mul3A : i32
    %add3A = arith.addi %mul3A_0, %arg1 : i32
    %mul3A_1 = arith.constant 125 : i32
    %mul3A_2 = arith.muli %add3A, %mul3A_1 : i32
    %dma_start3A = arith.constant 0 : i32
    %dma_start3A_3 = tpu.memref_slice %arg3[%mul3A_2, %dma_start3A] : memref<4000x80xi32, #tpu.memory_space<hbm>> -> memref<125x80xi32, #tpu.memory_space<hbm>>
    %dma_start3A_4 = arith.constant 0 : i32
    %dma_start3A_5 = tpu.memref_slice %arg3[%mul3A_2, %dma_start3A_4] : memref<4000x80xi32, #tpu.memory_space<hbm>> -> memref<125x80xi32, #tpu.memory_space<hbm>>
    tpu.enqueue_dma source(%dma_start3A_5 : memref<125x80xi32, #tpu.memory_space<hbm>>) target(%arg6 : memref<125x80xi32, #tpu.memory_space<vmem>>) target_semaphore(%arg12 : memref<!tpu.dma_semaphore, #tpu.memory_space<semaphore_mem>>)
    %mul3A_6 = arith.constant 125 : i32
    %mul3A_7 = arith.muli %add3A, %mul3A_6 : i32
    %dma_start3A_8 = arith.constant 0 : i32
    %dma_start3A_9 = tpu.memref_slice %arg4[%mul3A_7, %dma_start3A_8] : memref<4000x80xi32, #tpu.memory_space<hbm>> -> memref<125x80xi32, #tpu.memory_space<hbm>>
    %dma_start3A_10 = arith.constant 0 : i32
    %dma_start3A_11 = tpu.memref_slice %arg4[%mul3A_7, %dma_start3A_10] : memref<4000x80xi32, #tpu.memory_space<hbm>> -> memref<125x80xi32, #tpu.memory_space<hbm>>
    tpu.enqueue_dma source(%dma_start3A_11 : memref<125x80xi32, #tpu.memory_space<hbm>>) target(%arg7 : memref<125x80xi32, #tpu.memory_space<vmem>>) target_semaphore(%arg13 : memref<!tpu.dma_semaphore, #tpu.memory_space<semaphore_mem>>)
    %scan3A = arith.constant 0 : i32
    %scan3A_12 = arith.constant 32 : i32
    %scan3A_13 = arith.addi %scan3A, %scan3A_12 : i32
    %scan3A_14 = arith.constant 1 : i32
    scf.for %scan3A_66 = %scan3A to %scan3A_13 step %scan3A_14  : i32 {
      %mul3A_67 = arith.constant 1 : i32
      %mul3A_68 = arith.muli %scan3A_66, %mul3A_67 : i32
      %add3A_69 = arith.constant 0 : i32
      %add3A_70 = arith.addi %add3A_69, %mul3A_68 : i32
      %scan3A_71 = arith.constant 0 : i32
      %scan3A_72 = arith.constant 8 : i32
      %scan3A_73 = arith.addi %scan3A_71, %scan3A_72 : i32
      %scan3A_74 = arith.constant 1 : i32
      scf.for %scan3A_76 = %scan3A_71 to %scan3A_73 step %scan3A_74  : i32 {
        %mul3A_77 = arith.constant 16 : i32
        %mul3A_78 = arith.muli %scan3A_76, %mul3A_77 : i32
        %add3A_79 = arith.constant 0 : i32
        %add3A_80 = arith.addi %add3A_79, %mul3A_78 : i32
        %broadcast_in_dim3A = arith.constant 0.000000e+00 : f32
        %broadcast_in_dim3A_81 = vector.broadcast %broadcast_in_dim3A : f32 to vector<16xf32>
        %swap3A = arith.index_cast %add3A_70 : i32 to index
        %swap3A_82 = arith.index_cast %add3A_80 : i32 to index
        %swap3A_83 = tpu.vector_load %arg10[%swap3A, %swap3A_82] {strides = array<i32>} : memref<32x128xf32, #tpu.memory_space<vmem>>, vector<1x16xf32>,
        %swap3A_84 = vector.shape_cast %swap3A_83 : vector<1x16xf32> to vector<16xf32>
        %swap3A_85 = vector.shape_cast %broadcast_in_dim3A_81 : vector<16xf32> to vector<1x16xf32>
        tpu.vector_store %arg10[%swap3A, %swap3A_82], %swap3A_85 {strides = array<i32>} : memref<32x128xf32, #tpu.memory_space<vmem>>, vector<1x16xf32>,
      }
      %scan3A_75 = arith.constant 8 : i32
    }
    %scan3A_15 = arith.constant 32 : i32
    %mul3A_16 = arith.constant 125 : i32
    %mul3A_17 = arith.muli %add3A, %mul3A_16 : i32
    %dma_wait3A = arith.constant 0 : i32
    %dma_wait3A_18 = tpu.memref_slice %arg3[%mul3A_17, %dma_wait3A] : memref<4000x80xi32, #tpu.memory_space<hbm>> -> memref<125x80xi32, #tpu.memory_space<hbm>>
    %dma_wait3A_19 = arith.constant 0 : i32
    %dma_wait3A_20 = tpu.memref_slice %arg3[%mul3A_17, %dma_wait3A_19] : memref<4000x80xi32, #tpu.memory_space<hbm>> -> memref<125x80xi32, #tpu.memory_space<hbm>>
    tpu.wait_dma2 semaphore(%arg12 : memref<!tpu.dma_semaphore, #tpu.memory_space<semaphore_mem>>) src(%dma_wait3A_20 : memref<125x80xi32, #tpu.memory_space<hbm>>) dst(%arg6 : memref<125x80xi32, #tpu.memory_space<vmem>>)
    %mul3A_21 = arith.constant 125 : i32
    %mul3A_22 = arith.muli %add3A, %mul3A_21 : i32
    %dma_wait3A_23 = arith.constant 0 : i32
    %dma_wait3A_24 = tpu.memref_slice %arg4[%mul3A_22, %dma_wait3A_23] : memref<4000x80xi32, #tpu.memory_space<hbm>> -> memref<125x80xi32, #tpu.memory_space<hbm>>
    %dma_wait3A_25 = arith.constant 0 : i32
    %dma_wait3A_26 = tpu.memref_slice %arg4[%mul3A_22, %dma_wait3A_25] : memref<4000x80xi32, #tpu.memory_space<hbm>> -> memref<125x80xi32, #tpu.memory_space<hbm>>
    tpu.wait_dma2 semaphore(%arg13 : memref<!tpu.dma_semaphore, #tpu.memory_space<semaphore_mem>>) src(%dma_wait3A_26 : memref<125x80xi32, #tpu.memory_space<hbm>>) dst(%arg7 : memref<125x80xi32, #tpu.memory_space<vmem>>)
    %scan3A_27 = arith.constant 0 : i32
    %scan3A_28 = arith.constant 20 : i32
    %scan3A_29 = arith.addi %scan3A_27, %scan3A_28 : i32
    %scan3A_30 = arith.constant 1 : i32
    scf.for %scan3A_66 = %scan3A_27 to %scan3A_29 step %scan3A_30  : i32 {
      %mul3A_67 = arith.constant 32 : i32
      %mul3A_68 = arith.muli %scan3A_66, %mul3A_67 : i32
      %add3A_69 = arith.constant 0 : i32
      %add3A_70 = arith.addi %add3A_69, %mul3A_68 : i32
      %mul3A_71 = arith.constant 640 : i32
      %mul3A_72 = arith.muli %arg1, %mul3A_71 : i32
      %add3A_73 = arith.addi %mul3A_72, %add3A_70 : i32
      %dma_start3A_74 = arith.constant 0 : i32
      %dma_start3A_75 = tpu.memref_slice %arg11[%add3A_73, %dma_start3A_74] : memref<10240x128xf32, #tpu.memory_space<vmem_shared>> -> memref<32x128xf32, #tpu.memory_space<vmem_shared>>
      %dma_start3A_76 = arith.constant 0 : i32
      %dma_start3A_77 = tpu.memref_slice %arg11[%add3A_73, %dma_start3A_76] : memref<10240x128xf32, #tpu.memory_space<vmem_shared>> -> memref<32x128xf32, #tpu.memory_space<vmem_shared>>
      tpu.enqueue_dma source(%arg10 : memref<32x128xf32, #tpu.memory_space<vmem>>) target(%dma_start3A_77 : memref<32x128xf32, #tpu.memory_space<vmem_shared>>) target_semaphore(%arg12 : memref<!tpu.dma_semaphore, #tpu.memory_space<semaphore_mem>>)
    }
    %scan3A_31 = arith.constant 20 : i32
    %scan3A_32 = arith.constant 0 : i32
    %scan3A_33 = arith.constant 20 : i32
    %scan3A_34 = arith.addi %scan3A_32, %scan3A_33 : i32
    %scan3A_35 = arith.constant 1 : i32
    scf.for %scan3A_66 = %scan3A_32 to %scan3A_34 step %scan3A_35  : i32 {
      %mul3A_67 = arith.constant 32 : i32
      %mul3A_68 = arith.muli %scan3A_66, %mul3A_67 : i32
      %add3A_69 = arith.constant 0 : i32
      %add3A_70 = arith.addi %add3A_69, %mul3A_68 : i32
      %mul3A_71 = arith.constant 640 : i32
      %mul3A_72 = arith.muli %arg1, %mul3A_71 : i32
      %add3A_73 = arith.addi %mul3A_72, %add3A_70 : i32
      %dma_wait3A_74 = arith.constant 0 : i32
      %dma_wait3A_75 = tpu.memref_slice %arg11[%add3A_73, %dma_wait3A_74] : memref<10240x128xf32, #tpu.memory_space<vmem_shared>> -> memref<32x128xf32, #tpu.memory_space<vmem_shared>>
      %dma_wait3A_76 = arith.constant 0 : i32
      %dma_wait3A_77 = tpu.memref_slice %arg11[%add3A_73, %dma_wait3A_76] : memref<10240x128xf32, #tpu.memory_space<vmem_shared>> -> memref<32x128xf32, #tpu.memory_space<vmem_shared>>
      tpu.wait_dma2 semaphore(%arg12 : memref<!tpu.dma_semaphore, #tpu.memory_space<semaphore_mem>>) src(%arg10 : memref<32x128xf32, #tpu.memory_space<vmem>>) dst(%dma_wait3A_77 : memref<32x128xf32, #tpu.memory_space<vmem_shared>>)
    }
    %scan3A_36 = arith.constant 20 : i32
    %barrier3A = arith.constant 0 : index
    tpu.barrier barrier_id(%barrier3A)
    %dma_start3A_37 = arith.constant 0 : i32
    %dma_start3A_38 = arith.constant 0 : i32
    %dma_start3A_39 = tpu.memref_slice %arg6[%dma_start3A_37, %dma_start3A_38] : memref<125x80xi32, #tpu.memory_space<vmem>> -> memref<1x80xi32, #tpu.memory_space<vmem>>
    %dma_start3A_40 = tpu.memref_squeeze %dma_start3A_39 : memref<1x80xi32, #tpu.memory_space<vmem>> -> memref<80xi32, #tpu.memory_space<vmem>>
    %dma_start3A_41 = arith.constant 0 : i32
    %dma_start3A_42 = arith.constant 0 : i32
    %dma_start3A_43 = tpu.memref_slice %arg2[%dma_start3A_41, %dma_start3A_42] : memref<10000x128xf32, #tpu.memory_space<hbm>> -> memref<10000x128xf32, #tpu.memory_space<hbm>>
    tpu.enqueue_indirect_dma source(%dma_start3A_43 : memref<10000x128xf32, #tpu.memory_space<hbm>>) target(%arg8 : memref<80x128xf32, #tpu.memory_space<vmem>>) offsets(%dma_start3A_40 : memref<80xi32, #tpu.memory_space<vmem>>) semaphore(%arg12 : memref<!tpu.dma_semaphore, #tpu.memory_space<semaphore_mem>>)
    %dma_start3A_44 = arith.constant 1 : i32
    %dma_start3A_45 = arith.constant 0 : i32
    %dma_start3A_46 = tpu.memref_slice %arg6[%dma_start3A_44, %dma_start3A_45] : memref<125x80xi32, #tpu.memory_space<vmem>> -> memref<1x80xi32, #tpu.memory_space<vmem>>
    %dma_start3A_47 = tpu.memref_squeeze %dma_start3A_46 : memref<1x80xi32, #tpu.memory_space<vmem>> -> memref<80xi32, #tpu.memory_space<vmem>>
    %dma_start3A_48 = arith.constant 0 : i32
    %dma_start3A_49 = arith.constant 0 : i32
    %dma_start3A_50 = tpu.memref_slice %arg2[%dma_start3A_48, %dma_start3A_49] : memref<10000x128xf32, #tpu.memory_space<hbm>> -> memref<10000x128xf32, #tpu.memory_space<hbm>>
    tpu.enqueue_indirect_dma source(%dma_start3A_50 : memref<10000x128xf32, #tpu.memory_space<hbm>>) target(%arg9 : memref<80x128xf32, #tpu.memory_space<vmem>>) offsets(%dma_start3A_47 : memref<80xi32, #tpu.memory_space<vmem>>) semaphore(%arg13 : memref<!tpu.dma_semaphore, #tpu.memory_space<semaphore_mem>>)
    %scan3A_51 = arith.constant 0 : i32
    %scan3A_52 = arith.constant 62 : i32
    %scan3A_53 = arith.addi %scan3A_51, %scan3A_52 : i32
    %scan3A_54 = arith.constant 1 : i32
    scf.for %scan3A_66 = %scan3A_51 to %scan3A_53 step %scan3A_54  : i32 {
      %mul3A_67 = arith.constant 2 : i32
      %mul3A_68 = arith.muli %scan3A_66, %mul3A_67 : i32
      %add3A_69 = arith.constant 0 : i32
      %add3A_70 = arith.addi %add3A_69, %mul3A_68 : i32
      %dma_wait3A_71 = arith.constant 0 : i32
      %dma_wait3A_72 = tpu.memref_slice %arg6[%add3A_70, %dma_wait3A_71] : memref<125x80xi32, #tpu.memory_space<vmem>> -> memref<1x80xi32, #tpu.memory_space<vmem>>
      %dma_wait3A_73 = tpu.memref_squeeze %dma_wait3A_72 : memref<1x80xi32, #tpu.memory_space<vmem>> -> memref<80xi32, #tpu.memory_space<vmem>>
      %dma_wait3A_74 = arith.constant 0 : i32
      %dma_wait3A_75 = arith.constant 0 : i32
      %dma_wait3A_76 = tpu.memref_slice %arg2[%dma_wait3A_74, %dma_wait3A_75] : memref<10000x128xf32, #tpu.memory_space<hbm>> -> memref<10000x128xf32, #tpu.memory_space<hbm>>
      tpu.wait_indirect_dma semaphore(%arg12 : memref<!tpu.dma_semaphore, #tpu.memory_space<semaphore_mem>>) src(%dma_wait3A_76 : memref<10000x128xf32, #tpu.memory_space<hbm>>) dst(%arg8 : memref<80x128xf32, #tpu.memory_space<vmem>>)
      "tpu.region"() ({
        %run_scoped3A_100 = tpu.sem_alloc : memref<!tpu.dma_semaphore, #tpu.memory_space<semaphore_mem>>
        %dma_start3A_101 = arith.constant 0 : i32
        %dma_start3A_102 = tpu.memref_slice %arg7[%add3A_70, %dma_start3A_101] : memref<125x80xi32, #tpu.memory_space<vmem>> -> memref<1x80xi32, #tpu.memory_space<vmem>>
        %dma_start3A_103 = tpu.memref_squeeze %dma_start3A_102 : memref<1x80xi32, #tpu.memory_space<vmem>> -> memref<80xi32, #tpu.memory_space<vmem>>
        %dma_start3A_104 = arith.constant 0 : i32
        %dma_start3A_105 = arith.constant 0 : i32
        %dma_start3A_106 = tpu.memref_slice %arg11[%dma_start3A_104, %dma_start3A_105] : memref<10240x128xf32, #tpu.memory_space<vmem_shared>> -> memref<10240x128xf32, #tpu.memory_space<vmem_shared>>
        tpu.enqueue_indirect_dma source(%arg8 : memref<80x128xf32, #tpu.memory_space<vmem>>) target(%dma_start3A_106 : memref<10240x128xf32, #tpu.memory_space<vmem_shared>>) offsets(%dma_start3A_103 : memref<80xi32, #tpu.memory_space<vmem>>) semaphore(%run_scoped3A_100 : memref<!tpu.dma_semaphore, #tpu.memory_space<semaphore_mem>>) {add = true}
        %dma_wait3A_107 = arith.constant 0 : i32
        %dma_wait3A_108 = tpu.memref_slice %arg7[%add3A_70, %dma_wait3A_107] : memref<125x80xi32, #tpu.memory_space<vmem>> -> memref<1x80xi32, #tpu.memory_space<vmem>>
        %dma_wait3A_109 = tpu.memref_squeeze %dma_wait3A_108 : memref<1x80xi32, #tpu.memory_space<vmem>> -> memref<80xi32, #tpu.memory_space<vmem>>
        %dma_wait3A_110 = arith.constant 0 : i32
        %dma_wait3A_111 = arith.constant 0 : i32
        %dma_wait3A_112 = tpu.memref_slice %arg11[%dma_wait3A_110, %dma_wait3A_111] : memref<10240x128xf32, #tpu.memory_space<vmem_shared>> -> memref<10240x128xf32, #tpu.memory_space<vmem_shared>>
        tpu.wait_indirect_dma semaphore(%run_scoped3A_100 : memref<!tpu.dma_semaphore, #tpu.memory_space<semaphore_mem>>) src(%arg8 : memref<80x128xf32, #tpu.memory_space<vmem>>) dst(%dma_wait3A_112 : memref<10240x128xf32, #tpu.memory_space<vmem_shared>>)
        tpu.yield
      }) : () -> ()
      %add3A_77 = arith.constant 2 : i32
      %add3A_78 = arith.addi %add3A_70, %add3A_77 : i32
      %lt3A = arith.constant 125 : i32
      %lt3A_79 = arith.cmpi slt, %add3A_78, %lt3A : i32
      %convert_element_type3A_80 = arith.extui %lt3A_79 : i1 to i32
      %cond3A_81 = arith.constant 0 : i32
      %cond3A_82 = arith.cmpi ne, %convert_element_type3A_80, %cond3A_81 : i32
      scf.if %cond3A_82 {
        %add3A_100 = arith.constant 2 : i32
        %add3A_101 = arith.addi %add3A_70, %add3A_100 : i32
        %dma_start3A_102 = arith.constant 0 : i32
        %dma_start3A_103 = tpu.memref_slice %arg6[%add3A_101, %dma_start3A_102] : memref<125x80xi32, #tpu.memory_space<vmem>> -> memref<1x80xi32, #tpu.memory_space<vmem>>
        %dma_start3A_104 = tpu.memref_squeeze %dma_start3A_103 : memref<1x80xi32, #tpu.memory_space<vmem>> -> memref<80xi32, #tpu.memory_space<vmem>>
        %dma_start3A_105 = arith.constant 0 : i32
        %dma_start3A_106 = arith.constant 0 : i32
        %dma_start3A_107 = tpu.memref_slice %arg2[%dma_start3A_105, %dma_start3A_106] : memref<10000x128xf32, #tpu.memory_space<hbm>> -> memref<10000x128xf32, #tpu.memory_space<hbm>>
        tpu.enqueue_indirect_dma source(%dma_start3A_107 : memref<10000x128xf32, #tpu.memory_space<hbm>>) target(%arg8 : memref<80x128xf32, #tpu.memory_space<vmem>>) offsets(%dma_start3A_104 : memref<80xi32, #tpu.memory_space<vmem>>) semaphore(%arg12 : memref<!tpu.dma_semaphore, #tpu.memory_space<semaphore_mem>>)
      } else {
      }
      %add3A_83 = arith.constant 1 : i32
      %add3A_84 = arith.addi %add3A_70, %add3A_83 : i32
      %dma_wait3A_85 = arith.constant 0 : i32
      %dma_wait3A_86 = tpu.memref_slice %arg6[%add3A_84, %dma_wait3A_85] : memref<125x80xi32, #tpu.memory_space<vmem>> -> memref<1x80xi32, #tpu.memory_space<vmem>>
      %dma_wait3A_87 = tpu.memref_squeeze %dma_wait3A_86 : memref<1x80xi32, #tpu.memory_space<vmem>> -> memref<80xi32, #tpu.memory_space<vmem>>
      %dma_wait3A_88 = arith.constant 0 : i32
      %dma_wait3A_89 = arith.constant 0 : i32
      %dma_wait3A_90 = tpu.memref_slice %arg2[%dma_wait3A_88, %dma_wait3A_89] : memref<10000x128xf32, #tpu.memory_space<hbm>> -> memref<10000x128xf32, #tpu.memory_space<hbm>>
      tpu.wait_indirect_dma semaphore(%arg13 : memref<!tpu.dma_semaphore, #tpu.memory_space<semaphore_mem>>) src(%dma_wait3A_90 : memref<10000x128xf32, #tpu.memory_space<hbm>>) dst(%arg9 : memref<80x128xf32, #tpu.memory_space<vmem>>)
      %add3A_91 = arith.constant 1 : i32
      %add3A_92 = arith.addi %add3A_70, %add3A_91 : i32
      "tpu.region"() ({
        %run_scoped3A_100 = tpu.sem_alloc : memref<!tpu.dma_semaphore, #tpu.memory_space<semaphore_mem>>
        %dma_start3A_101 = arith.constant 0 : i32
        %dma_start3A_102 = tpu.memref_slice %arg7[%add3A_92, %dma_start3A_101] : memref<125x80xi32, #tpu.memory_space<vmem>> -> memref<1x80xi32, #tpu.memory_space<vmem>>
        %dma_start3A_103 = tpu.memref_squeeze %dma_start3A_102 : memref<1x80xi32, #tpu.memory_space<vmem>> -> memref<80xi32, #tpu.memory_space<vmem>>
        %dma_start3A_104 = arith.constant 0 : i32
        %dma_start3A_105 = arith.constant 0 : i32
        %dma_start3A_106 = tpu.memref_slice %arg11[%dma_start3A_104, %dma_start3A_105] : memref<10240x128xf32, #tpu.memory_space<vmem_shared>> -> memref<10240x128xf32, #tpu.memory_space<vmem_shared>>
        tpu.enqueue_indirect_dma source(%arg9 : memref<80x128xf32, #tpu.memory_space<vmem>>) target(%dma_start3A_106 : memref<10240x128xf32, #tpu.memory_space<vmem_shared>>) offsets(%dma_start3A_103 : memref<80xi32, #tpu.memory_space<vmem>>) semaphore(%run_scoped3A_100 : memref<!tpu.dma_semaphore, #tpu.memory_space<semaphore_mem>>) {add = true}
        %dma_wait3A_107 = arith.constant 0 : i32
        %dma_wait3A_108 = tpu.memref_slice %arg7[%add3A_92, %dma_wait3A_107] : memref<125x80xi32, #tpu.memory_space<vmem>> -> memref<1x80xi32, #tpu.memory_space<vmem>>
        %dma_wait3A_109 = tpu.memref_squeeze %dma_wait3A_108 : memref<1x80xi32, #tpu.memory_space<vmem>> -> memref<80xi32, #tpu.memory_space<vmem>>
        %dma_wait3A_110 = arith.constant 0 : i32
        %dma_wait3A_111 = arith.constant 0 : i32
        %dma_wait3A_112 = tpu.memref_slice %arg11[%dma_wait3A_110, %dma_wait3A_111] : memref<10240x128xf32, #tpu.memory_space<vmem_shared>> -> memref<10240x128xf32, #tpu.memory_space<vmem_shared>>
        tpu.wait_indirect_dma semaphore(%run_scoped3A_100 : memref<!tpu.dma_semaphore, #tpu.memory_space<semaphore_mem>>) src(%arg9 : memref<80x128xf32, #tpu.memory_space<vmem>>) dst(%dma_wait3A_112 : memref<10240x128xf32, #tpu.memory_space<vmem_shared>>)
        tpu.yield
      }) : () -> ()
      %add3A_93 = arith.constant 3 : i32
      %add3A_94 = arith.addi %add3A_70, %add3A_93 : i32
      %lt3A_95 = arith.constant 125 : i32
      %lt3A_96 = arith.cmpi slt, %add3A_94, %lt3A_95 : i32
      %convert_element_type3A_97 = arith.extui %lt3A_96 : i1 to i32
      %cond3A_98 = arith.constant 0 : i32
      %cond3A_99 = arith.cmpi ne, %convert_element_type3A_97, %cond3A_98 : i32
      scf.if %cond3A_99 {
        %add3A_100 = arith.constant 3 : i32
        %add3A_101 = arith.addi %add3A_70, %add3A_100 : i32
        %dma_start3A_102 = arith.constant 0 : i32
        %dma_start3A_103 = tpu.memref_slice %arg6[%add3A_101, %dma_start3A_102] : memref<125x80xi32, #tpu.memory_space<vmem>> -> memref<1x80xi32, #tpu.memory_space<vmem>>
        %dma_start3A_104 = tpu.memref_squeeze %dma_start3A_103 : memref<1x80xi32, #tpu.memory_space<vmem>> -> memref<80xi32, #tpu.memory_space<vmem>>
        %dma_start3A_105 = arith.constant 0 : i32
        %dma_start3A_106 = arith.constant 0 : i32
        %dma_start3A_107 = tpu.memref_slice %arg2[%dma_start3A_105, %dma_start3A_106] : memref<10000x128xf32, #tpu.memory_space<hbm>> -> memref<10000x128xf32, #tpu.memory_space<hbm>>
        tpu.enqueue_indirect_dma source(%dma_start3A_107 : memref<10000x128xf32, #tpu.memory_space<hbm>>) target(%arg9 : memref<80x128xf32, #tpu.memory_space<vmem>>) offsets(%dma_start3A_104 : memref<80xi32, #tpu.memory_space<vmem>>) semaphore(%arg13 : memref<!tpu.dma_semaphore, #tpu.memory_space<semaphore_mem>>)
      } else {
      }
    }
    %scan3A_55 = arith.constant 62 : i32
    %dma_wait3A_56 = arith.constant 124 : i32
    %dma_wait3A_57 = arith.constant 0 : i32
    %dma_wait3A_58 = tpu.memref_slice %arg6[%dma_wait3A_56, %dma_wait3A_57] : memref<125x80xi32, #tpu.memory_space<vmem>> -> memref<1x80xi32, #tpu.memory_space<vmem>>
    %dma_wait3A_59 = tpu.memref_squeeze %dma_wait3A_58 : memref<1x80xi32, #tpu.memory_space<vmem>> -> memref<80xi32, #tpu.memory_space<vmem>>
    %dma_wait3A_60 = arith.constant 0 : i32
    %dma_wait3A_61 = arith.constant 0 : i32
    %dma_wait3A_62 = tpu.memref_slice %arg2[%dma_wait3A_60, %dma_wait3A_61] : memref<10000x128xf32, #tpu.memory_space<hbm>> -> memref<10000x128xf32, #tpu.memory_space<hbm>>
    tpu.wait_indirect_dma semaphore(%arg12 : memref<!tpu.dma_semaphore, #tpu.memory_space<semaphore_mem>>) src(%dma_wait3A_62 : memref<10000x128xf32, #tpu.memory_space<hbm>>) dst(%arg8 : memref<80x128xf32, #tpu.memory_space<vmem>>)
    %run_scoped3A = arith.constant 124 : i32
    "tpu.region"() ({
      %run_scoped3A_66 = tpu.sem_alloc : memref<!tpu.dma_semaphore, #tpu.memory_space<semaphore_mem>>
      %dma_start3A_67 = arith.constant 0 : i32
      %dma_start3A_68 = tpu.memref_slice %arg7[%run_scoped3A, %dma_start3A_67] : memref<125x80xi32, #tpu.memory_space<vmem>> -> memref<1x80xi32, #tpu.memory_space<vmem>>
      %dma_start3A_69 = tpu.memref_squeeze %dma_start3A_68 : memref<1x80xi32, #tpu.memory_space<vmem>> -> memref<80xi32, #tpu.memory_space<vmem>>
      %dma_start3A_70 = arith.constant 0 : i32
      %dma_start3A_71 = arith.constant 0 : i32
      %dma_start3A_72 = tpu.memref_slice %arg11[%dma_start3A_70, %dma_start3A_71] : memref<10240x128xf32, #tpu.memory_space<vmem_shared>> -> memref<10240x128xf32, #tpu.memory_space<vmem_shared>>
      tpu.enqueue_indirect_dma source(%arg8 : memref<80x128xf32, #tpu.memory_space<vmem>>) target(%dma_start3A_72 : memref<10240x128xf32, #tpu.memory_space<vmem_shared>>) offsets(%dma_start3A_69 : memref<80xi32, #tpu.memory_space<vmem>>) semaphore(%run_scoped3A_66 : memref<!tpu.dma_semaphore, #tpu.memory_space<semaphore_mem>>) {add = true}
      %dma_wait3A_73 = arith.constant 0 : i32
      %dma_wait3A_74 = tpu.memref_slice %arg7[%run_scoped3A, %dma_wait3A_73] : memref<125x80xi32, #tpu.memory_space<vmem>> -> memref<1x80xi32, #tpu.memory_space<vmem>>
      %dma_wait3A_75 = tpu.memref_squeeze %dma_wait3A_74 : memref<1x80xi32, #tpu.memory_space<vmem>> -> memref<80xi32, #tpu.memory_space<vmem>>
      %dma_wait3A_76 = arith.constant 0 : i32
      %dma_wait3A_77 = arith.constant 0 : i32
      %dma_wait3A_78 = tpu.memref_slice %arg11[%dma_wait3A_76, %dma_wait3A_77] : memref<10240x128xf32, #tpu.memory_space<vmem_shared>> -> memref<10240x128xf32, #tpu.memory_space<vmem_shared>>
      tpu.wait_indirect_dma semaphore(%run_scoped3A_66 : memref<!tpu.dma_semaphore, #tpu.memory_space<semaphore_mem>>) src(%arg8 : memref<80x128xf32, #tpu.memory_space<vmem>>) dst(%dma_wait3A_78 : memref<10240x128xf32, #tpu.memory_space<vmem_shared>>)
      tpu.yield
    }) : () -> ()
    %barrier3A_63 = arith.constant 0 : index
    tpu.barrier barrier_id(%barrier3A_63)
    %eq3A = arith.constant 0 : i32
    %eq3A_64 = arith.cmpi eq, %arg1, %eq3A : i32
    %convert_element_type3A = arith.extui %eq3A_64 : i1 to i32
    %cond3A = arith.constant 0 : i32
    %cond3A_65 = arith.cmpi ne, %convert_element_type3A, %cond3A : i32
    scf.if %cond3A_65 {
      "tpu.region"() ({
        %run_scoped3A_66 = tpu.sem_alloc : memref<!tpu.dma_semaphore, #tpu.memory_space<semaphore_mem>>
        %dma_start3A_67 = arith.constant 0 : i32
        %dma_start3A_68 = arith.constant 0 : i32
        %dma_start3A_69 = tpu.memref_slice %arg5[%arg0, %dma_start3A_67, %dma_start3A_68] : memref<2x10000x128xf32, #tpu.memory_space<hbm>> -> memref<1x10000x128xf32, #tpu.memory_space<hbm>>
        %dma_start3A_70 = tpu.memref_squeeze %dma_start3A_69 : memref<1x10000x128xf32, #tpu.memory_space<hbm>> -> memref<10000x128xf32, #tpu.memory_space<hbm>>
        %dma_start3A_71 = arith.constant 0 : i32
        %dma_start3A_72 = arith.constant 0 : i32
        %dma_start3A_73 = tpu.memref_slice %arg11[%dma_start3A_71, %dma_start3A_72] : memref<10240x128xf32, #tpu.memory_space<vmem_shared>> -> memref<10000x128xf32, #tpu.memory_space<vmem_shared>>
        tpu.enqueue_dma source(%dma_start3A_73 : memref<10000x128xf32, #tpu.memory_space<vmem_shared>>) target(%dma_start3A_70 : memref<10000x128xf32, #tpu.memory_space<hbm>>) target_semaphore(%run_scoped3A_66 : memref<!tpu.dma_semaphore, #tpu.memory_space<semaphore_mem>>)
        %dma_wait3A_74 = arith.constant 0 : i32
        %dma_wait3A_75 = arith.constant 0 : i32
        %dma_wait3A_76 = tpu.memref_slice %arg5[%arg0, %dma_wait3A_74, %dma_wait3A_75] : memref<2x10000x128xf32, #tpu.memory_space<hbm>> -> memref<1x10000x128xf32, #tpu.memory_space<hbm>>
        %dma_wait3A_77 = tpu.memref_squeeze %dma_wait3A_76 : memref<1x10000x128xf32, #tpu.memory_space<hbm>> -> memref<10000x128xf32, #tpu.memory_space<hbm>>
        %dma_wait3A_78 = arith.constant 0 : i32
        %dma_wait3A_79 = arith.constant 0 : i32
        %dma_wait3A_80 = tpu.memref_slice %arg11[%dma_wait3A_78, %dma_wait3A_79] : memref<10240x128xf32, #tpu.memory_space<vmem_shared>> -> memref<10000x128xf32, #tpu.memory_space<vmem_shared>>
        tpu.wait_dma2 semaphore(%run_scoped3A_66 : memref<!tpu.dma_semaphore, #tpu.memory_space<semaphore_mem>>) src(%dma_wait3A_80 : memref<10000x128xf32, #tpu.memory_space<vmem_shared>>) dst(%dma_wait3A_77 : memref<10000x128xf32, #tpu.memory_space<hbm>>)
        tpu.yield
      }) : () -> ()
    } else {
    }
    return
  }
}

#map = affine_map<(d0, d1) -> (0, 0)>
#map1 = affine_map<(d0, d1) -> (0, 0, 0)>
module attributes {stable_mosaic.version = 14 : i64} {
  func.func @body(%arg0: i32, %arg1: i32, %arg2: memref<10000x128xf32, #tpu.memory_space<hbm>>, %arg3: memref<4000x80xi32, #tpu.memory_space<hbm>>, %arg4: memref<4000x80xi32, #tpu.memory_space<hbm>>, %arg5: memref<2x10000x128xf32, #tpu.memory_space<hbm>>, %arg6: memref<125x80xi32, #tpu.memory_space<vmem>>, %arg7: memref<125x80xi32, #tpu.memory_space<vmem>>, %arg8: memref<80x128xf32, #tpu.memory_space<vmem>>, %arg9: memref<80x128xf32, #tpu.memory_space<vmem>>, %arg10: memref<32x128xf32, #tpu.memory_space<vmem>>, %arg11: memref<10240x128xf32, #tpu.memory_space<vmem_shared>>, %arg12: memref<!tpu.dma_semaphore, #tpu.memory_space<semaphore_mem>>, %arg13: memref<!tpu.dma_semaphore, #tpu.memory_space<semaphore_mem>>) attributes {dimension_semantics = [#tpu.dimension_semantics<core_parallel>, #tpu.dimension_semantics<subcore_parallel>], iteration_bounds = array<i64: 2, 16>, scalar_prefetch = 0 : i64, scratch_operands = 8 : i64, tpu.core_type = #tpu.core_type<sc_vector_subcore>, window_params = [{transform_indices = #map}, {transform_indices = #map}, {transform_indices = #map}, {transform_indices = #map1}]} {
    %mul3A = arith.constant 16 : i32
    %mul3A_0 = arith.muli %arg0, %mul3A : i32
    %add3A = arith.addi %mul3A_0, %arg1 : i32
    %mul3A_1 = arith.constant 125 : i32
    %mul3A_2 = arith.muli %add3A, %mul3A_1 : i32
    %dma_start3A = arith.constant 0 : i32
    %dma_start3A_3 = tpu.memref_slice %arg3[%mul3A_2, %dma_start3A] : memref<4000x80xi32, #tpu.memory_space<hbm>> -> memref<125x80xi32, #tpu.memory_space<hbm>>
    %dma_start3A_4 = arith.constant 0 : i32
    %dma_start3A_5 = tpu.memref_slice %arg3[%mul3A_2, %dma_start3A_4] : memref<4000x80xi32, #tpu.memory_space<hbm>> -> memref<125x80xi32, #tpu.memory_space<hbm>>
    tpu.enqueue_dma source(%dma_start3A_5 : memref<125x80xi32, #tpu.memory_space<hbm>>) target(%arg6 : memref<125x80xi32, #tpu.memory_space<vmem>>) target_semaphore(%arg12 : memref<!tpu.dma_semaphore, #tpu.memory_space<semaphore_mem>>)
    %mul3A_6 = arith.constant 125 : i32
    %mul3A_7 = arith.muli %add3A, %mul3A_6 : i32
    %dma_start3A_8 = arith.constant 0 : i32
    %dma_start3A_9 = tpu.memref_slice %arg4[%mul3A_7, %dma_start3A_8] : memref<4000x80xi32, #tpu.memory_space<hbm>> -> memref<125x80xi32, #tpu.memory_space<hbm>>
    %dma_start3A_10 = arith.constant 0 : i32
    %dma_start3A_11 = tpu.memref_slice %arg4[%mul3A_7, %dma_start3A_10] : memref<4000x80xi32, #tpu.memory_space<hbm>> -> memref<125x80xi32, #tpu.memory_space<hbm>>
    tpu.enqueue_dma source(%dma_start3A_11 : memref<125x80xi32, #tpu.memory_space<hbm>>) target(%arg7 : memref<125x80xi32, #tpu.memory_space<vmem>>) target_semaphore(%arg13 : memref<!tpu.dma_semaphore, #tpu.memory_space<semaphore_mem>>)
    %scan3A = arith.constant 0 : i32
    %scan3A_12 = arith.constant 32 : i32
    %scan3A_13 = arith.addi %scan3A, %scan3A_12 : i32
    %scan3A_14 = arith.constant 1 : i32
    scf.for %scan3A_66 = %scan3A to %scan3A_13 step %scan3A_14  : i32 {
      %mul3A_67 = arith.constant 1 : i32
      %mul3A_68 = arith.muli %scan3A_66, %mul3A_67 : i32
      %add3A_69 = arith.constant 0 : i32
      %add3A_70 = arith.addi %add3A_69, %mul3A_68 : i32
      %scan3A_71 = arith.constant 0 : i32
      %scan3A_72 = arith.constant 8 : i32
      %scan3A_73 = arith.addi %scan3A_71, %scan3A_72 : i32
      %scan3A_74 = arith.constant 1 : i32
      scf.for %scan3A_76 = %scan3A_71 to %scan3A_73 step %scan3A_74  : i32 {
        %mul3A_77 = arith.constant 16 : i32
        %mul3A_78 = arith.muli %scan3A_76, %mul3A_77 : i32
        %add3A_79 = arith.constant 0 : i32
        %add3A_80 = arith.addi %add3A_79, %mul3A_78 : i32
        %broadcast_in_dim3A = arith.constant 0.000000e+00 : f32
        %broadcast_in_dim3A_81 = vector.broadcast %broadcast_in_dim3A : f32 to vector<16xf32>
        %swap3A = arith.index_cast %add3A_70 : i32 to index
        %swap3A_82 = arith.index_cast %add3A_80 : i32 to index
        %swap3A_83 = tpu.vector_load %arg10[%swap3A, %swap3A_82] {strides = array<i32>} : memref<32x128xf32, #tpu.memory_space<vmem>>, vector<1x16xf32>,
        %swap3A_84 = vector.shape_cast %swap3A_83 : vector<1x16xf32> to vector<16xf32>
        %swap3A_85 = vector.shape_cast %broadcast_in_dim3A_81 : vector<16xf32> to vector<1x16xf32>
        tpu.vector_store %arg10[%swap3A, %swap3A_82], %swap3A_85 {strides = array<i32>} : memref<32x128xf32, #tpu.memory_space<vmem>>, vector<1x16xf32>,
      }
      %scan3A_75 = arith.constant 8 : i32
    }
    %scan3A_15 = arith.constant 32 : i32
    %mul3A_16 = arith.constant 125 : i32
    %mul3A_17 = arith.muli %add3A, %mul3A_16 : i32
    %dma_wait3A = arith.constant 0 : i32
    %dma_wait3A_18 = tpu.memref_slice %arg3[%mul3A_17, %dma_wait3A] : memref<4000x80xi32, #tpu.memory_space<hbm>> -> memref<125x80xi32, #tpu.memory_space<hbm>>
    %dma_wait3A_19 = arith.constant 0 : i32
    %dma_wait3A_20 = tpu.memref_slice %arg3[%mul3A_17, %dma_wait3A_19] : memref<4000x80xi32, #tpu.memory_space<hbm>> -> memref<125x80xi32, #tpu.memory_space<hbm>>
    tpu.wait_dma2 semaphore(%arg12 : memref<!tpu.dma_semaphore, #tpu.memory_space<semaphore_mem>>) src(%dma_wait3A_20 : memref<125x80xi32, #tpu.memory_space<hbm>>) dst(%arg6 : memref<125x80xi32, #tpu.memory_space<vmem>>)
    %mul3A_21 = arith.constant 125 : i32
    %mul3A_22 = arith.muli %add3A, %mul3A_21 : i32
    %dma_wait3A_23 = arith.constant 0 : i32
    %dma_wait3A_24 = tpu.memref_slice %arg4[%mul3A_22, %dma_wait3A_23] : memref<4000x80xi32, #tpu.memory_space<hbm>> -> memref<125x80xi32, #tpu.memory_space<hbm>>
    %dma_wait3A_25 = arith.constant 0 : i32
    %dma_wait3A_26 = tpu.memref_slice %arg4[%mul3A_22, %dma_wait3A_25] : memref<4000x80xi32, #tpu.memory_space<hbm>> -> memref<125x80xi32, #tpu.memory_space<hbm>>
    tpu.wait_dma2 semaphore(%arg13 : memref<!tpu.dma_semaphore, #tpu.memory_space<semaphore_mem>>) src(%dma_wait3A_26 : memref<125x80xi32, #tpu.memory_space<hbm>>) dst(%arg7 : memref<125x80xi32, #tpu.memory_space<vmem>>)
    %scan3A_27 = arith.constant 0 : i32
    %scan3A_28 = arith.constant 20 : i32
    %scan3A_29 = arith.addi %scan3A_27, %scan3A_28 : i32
    %scan3A_30 = arith.constant 1 : i32
    scf.for %scan3A_66 = %scan3A_27 to %scan3A_29 step %scan3A_30  : i32 {
      %mul3A_67 = arith.constant 32 : i32
      %mul3A_68 = arith.muli %scan3A_66, %mul3A_67 : i32
      %add3A_69 = arith.constant 0 : i32
      %add3A_70 = arith.addi %add3A_69, %mul3A_68 : i32
      %mul3A_71 = arith.constant 640 : i32
      %mul3A_72 = arith.muli %arg1, %mul3A_71 : i32
      %add3A_73 = arith.addi %mul3A_72, %add3A_70 : i32
      %dma_start3A_74 = arith.constant 0 : i32
      %dma_start3A_75 = tpu.memref_slice %arg11[%add3A_73, %dma_start3A_74] : memref<10240x128xf32, #tpu.memory_space<vmem_shared>> -> memref<32x128xf32, #tpu.memory_space<vmem_shared>>
      %dma_start3A_76 = arith.constant 0 : i32
      %dma_start3A_77 = tpu.memref_slice %arg11[%add3A_73, %dma_start3A_76] : memref<10240x128xf32, #tpu.memory_space<vmem_shared>> -> memref<32x128xf32, #tpu.memory_space<vmem_shared>>
      tpu.enqueue_dma source(%arg10 : memref<32x128xf32, #tpu.memory_space<vmem>>) target(%dma_start3A_77 : memref<32x128xf32, #tpu.memory_space<vmem_shared>>) target_semaphore(%arg12 : memref<!tpu.dma_semaphore, #tpu.memory_space<semaphore_mem>>)
    }
    %scan3A_31 = arith.constant 20 : i32
    %scan3A_32 = arith.constant 0 : i32
    %scan3A_33 = arith.constant 20 : i32
    %scan3A_34 = arith.addi %scan3A_32, %scan3A_33 : i32
    %scan3A_35 = arith.constant 1 : i32
    scf.for %scan3A_66 = %scan3A_32 to %scan3A_34 step %scan3A_35  : i32 {
      %mul3A_67 = arith.constant 32 : i32
      %mul3A_68 = arith.muli %scan3A_66, %mul3A_67 : i32
      %add3A_69 = arith.constant 0 : i32
      %add3A_70 = arith.addi %add3A_69, %mul3A_68 : i32
      %mul3A_71 = arith.constant 640 : i32
      %mul3A_72 = arith.muli %arg1, %mul3A_71 : i32
      %add3A_73 = arith.addi %mul3A_72, %add3A_70 : i32
      %dma_wait3A_74 = arith.constant 0 : i32
      %dma_wait3A_75 = tpu.memref_slice %arg11[%add3A_73, %dma_wait3A_74] : memref<10240x128xf32, #tpu.memory_space<vmem_shared>> -> memref<32x128xf32, #tpu.memory_space<vmem_shared>>
      %dma_wait3A_76 = arith.constant 0 : i32
      %dma_wait3A_77 = tpu.memref_slice %arg11[%add3A_73, %dma_wait3A_76] : memref<10240x128xf32, #tpu.memory_space<vmem_shared>> -> memref<32x128xf32, #tpu.memory_space<vmem_shared>>
      tpu.wait_dma2 semaphore(%arg12 : memref<!tpu.dma_semaphore, #tpu.memory_space<semaphore_mem>>) src(%arg10 : memref<32x128xf32, #tpu.memory_space<vmem>>) dst(%dma_wait3A_77 : memref<32x128xf32, #tpu.memory_space<vmem_shared>>)
    }
    %scan3A_36 = arith.constant 20 : i32
    %barrier3A = arith.constant 0 : index
    tpu.barrier barrier_id(%barrier3A)
    %dma_start3A_37 = arith.constant 0 : i32
    %dma_start3A_38 = arith.constant 0 : i32
    %dma_start3A_39 = tpu.memref_slice %arg6[%dma_start3A_37, %dma_start3A_38] : memref<125x80xi32, #tpu.memory_space<vmem>> -> memref<1x80xi32, #tpu.memory_space<vmem>>
    %dma_start3A_40 = tpu.memref_squeeze %dma_start3A_39 : memref<1x80xi32, #tpu.memory_space<vmem>> -> memref<80xi32, #tpu.memory_space<vmem>>
    %dma_start3A_41 = arith.constant 0 : i32
    %dma_start3A_42 = arith.constant 0 : i32
    %dma_start3A_43 = tpu.memref_slice %arg2[%dma_start3A_41, %dma_start3A_42] : memref<10000x128xf32, #tpu.memory_space<hbm>> -> memref<10000x128xf32, #tpu.memory_space<hbm>>
    tpu.enqueue_indirect_dma source(%dma_start3A_43 : memref<10000x128xf32, #tpu.memory_space<hbm>>) target(%arg8 : memref<80x128xf32, #tpu.memory_space<vmem>>) offsets(%dma_start3A_40 : memref<80xi32, #tpu.memory_space<vmem>>) semaphore(%arg12 : memref<!tpu.dma_semaphore, #tpu.memory_space<semaphore_mem>>)
    %dma_start3A_44 = arith.constant 1 : i32
    %dma_start3A_45 = arith.constant 0 : i32
    %dma_start3A_46 = tpu.memref_slice %arg6[%dma_start3A_44, %dma_start3A_45] : memref<125x80xi32, #tpu.memory_space<vmem>> -> memref<1x80xi32, #tpu.memory_space<vmem>>
    %dma_start3A_47 = tpu.memref_squeeze %dma_start3A_46 : memref<1x80xi32, #tpu.memory_space<vmem>> -> memref<80xi32, #tpu.memory_space<vmem>>
    %dma_start3A_48 = arith.constant 0 : i32
    %dma_start3A_49 = arith.constant 0 : i32
    %dma_start3A_50 = tpu.memref_slice %arg2[%dma_start3A_48, %dma_start3A_49] : memref<10000x128xf32, #tpu.memory_space<hbm>> -> memref<10000x128xf32, #tpu.memory_space<hbm>>
    tpu.enqueue_indirect_dma source(%dma_start3A_50 : memref<10000x128xf32, #tpu.memory_space<hbm>>) target(%arg9 : memref<80x128xf32, #tpu.memory_space<vmem>>) offsets(%dma_start3A_47 : memref<80xi32, #tpu.memory_space<vmem>>) semaphore(%arg13 : memref<!tpu.dma_semaphore, #tpu.memory_space<semaphore_mem>>)
    %scan3A_51 = arith.constant 0 : i32
    %scan3A_52 = arith.constant 62 : i32
    %scan3A_53 = arith.addi %scan3A_51, %scan3A_52 : i32
    %scan3A_54 = arith.constant 1 : i32
    scf.for %scan3A_66 = %scan3A_51 to %scan3A_53 step %scan3A_54  : i32 {
      %mul3A_67 = arith.constant 2 : i32
      %mul3A_68 = arith.muli %scan3A_66, %mul3A_67 : i32
      %add3A_69 = arith.constant 0 : i32
      %add3A_70 = arith.addi %add3A_69, %mul3A_68 : i32
      %dma_wait3A_71 = arith.constant 0 : i32
      %dma_wait3A_72 = tpu.memref_slice %arg6[%add3A_70, %dma_wait3A_71] : memref<125x80xi32, #tpu.memory_space<vmem>> -> memref<1x80xi32, #tpu.memory_space<vmem>>
      %dma_wait3A_73 = tpu.memref_squeeze %dma_wait3A_72 : memref<1x80xi32, #tpu.memory_space<vmem>> -> memref<80xi32, #tpu.memory_space<vmem>>
      %dma_wait3A_74 = arith.constant 0 : i32
      %dma_wait3A_75 = arith.constant 0 : i32
      %dma_wait3A_76 = tpu.memref_slice %arg2[%dma_wait3A_74, %dma_wait3A_75] : memref<10000x128xf32, #tpu.memory_space<hbm>> -> memref<10000x128xf32, #tpu.memory_space<hbm>>
      tpu.wait_indirect_dma semaphore(%arg12 : memref<!tpu.dma_semaphore, #tpu.memory_space<semaphore_mem>>) src(%dma_wait3A_76 : memref<10000x128xf32, #tpu.memory_space<hbm>>) dst(%arg8 : memref<80x128xf32, #tpu.memory_space<vmem>>)
      "tpu.region"() ({
        %run_scoped3A_100 = tpu.sem_alloc : memref<!tpu.dma_semaphore, #tpu.memory_space<semaphore_mem>>
        %dma_start3A_101 = arith.constant 0 : i32
        %dma_start3A_102 = tpu.memref_slice %arg7[%add3A_70, %dma_start3A_101] : memref<125x80xi32, #tpu.memory_space<vmem>> -> memref<1x80xi32, #tpu.memory_space<vmem>>
        %dma_start3A_103 = tpu.memref_squeeze %dma_start3A_102 : memref<1x80xi32, #tpu.memory_space<vmem>> -> memref<80xi32, #tpu.memory_space<vmem>>
        %dma_start3A_104 = arith.constant 0 : i32
        %dma_start3A_105 = arith.constant 0 : i32
        %dma_start3A_106 = tpu.memref_slice %arg11[%dma_start3A_104, %dma_start3A_105] : memref<10240x128xf32, #tpu.memory_space<vmem_shared>> -> memref<10240x128xf32, #tpu.memory_space<vmem_shared>>
        tpu.enqueue_indirect_dma source(%arg8 : memref<80x128xf32, #tpu.memory_space<vmem>>) target(%dma_start3A_106 : memref<10240x128xf32, #tpu.memory_space<vmem_shared>>) offsets(%dma_start3A_103 : memref<80xi32, #tpu.memory_space<vmem>>) semaphore(%run_scoped3A_100 : memref<!tpu.dma_semaphore, #tpu.memory_space<semaphore_mem>>) {add = true}
        %dma_wait3A_107 = arith.constant 0 : i32
        %dma_wait3A_108 = tpu.memref_slice %arg7[%add3A_70, %dma_wait3A_107] : memref<125x80xi32, #tpu.memory_space<vmem>> -> memref<1x80xi32, #tpu.memory_space<vmem>>
        %dma_wait3A_109 = tpu.memref_squeeze %dma_wait3A_108 : memref<1x80xi32, #tpu.memory_space<vmem>> -> memref<80xi32, #tpu.memory_space<vmem>>
        %dma_wait3A_110 = arith.constant 0 : i32
        %dma_wait3A_111 = arith.constant 0 : i32
        %dma_wait3A_112 = tpu.memref_slice %arg11[%dma_wait3A_110, %dma_wait3A_111] : memref<10240x128xf32, #tpu.memory_space<vmem_shared>> -> memref<10240x128xf32, #tpu.memory_space<vmem_shared>>
        tpu.wait_indirect_dma semaphore(%run_scoped3A_100 : memref<!tpu.dma_semaphore, #tpu.memory_space<semaphore_mem>>) src(%arg8 : memref<80x128xf32, #tpu.memory_space<vmem>>) dst(%dma_wait3A_112 : memref<10240x128xf32, #tpu.memory_space<vmem_shared>>)
        tpu.yield
      }) : () -> ()
      %add3A_77 = arith.constant 2 : i32
      %add3A_78 = arith.addi %add3A_70, %add3A_77 : i32
      %lt3A = arith.constant 125 : i32
      %lt3A_79 = arith.cmpi slt, %add3A_78, %lt3A : i32
      %convert_element_type3A_80 = arith.extui %lt3A_79 : i1 to i32
      %cond3A_81 = arith.constant 0 : i32
      %cond3A_82 = arith.cmpi ne, %convert_element_type3A_80, %cond3A_81 : i32
      scf.if %cond3A_82 {
        %add3A_100 = arith.constant 2 : i32
        %add3A_101 = arith.addi %add3A_70, %add3A_100 : i32
        %dma_start3A_102 = arith.constant 0 : i32
        %dma_start3A_103 = tpu.memref_slice %arg6[%add3A_101, %dma_start3A_102] : memref<125x80xi32, #tpu.memory_space<vmem>> -> memref<1x80xi32, #tpu.memory_space<vmem>>
        %dma_start3A_104 = tpu.memref_squeeze %dma_start3A_103 : memref<1x80xi32, #tpu.memory_space<vmem>> -> memref<80xi32, #tpu.memory_space<vmem>>
        %dma_start3A_105 = arith.constant 0 : i32
        %dma_start3A_106 = arith.constant 0 : i32
        %dma_start3A_107 = tpu.memref_slice %arg2[%dma_start3A_105, %dma_start3A_106] : memref<10000x128xf32, #tpu.memory_space<hbm>> -> memref<10000x128xf32, #tpu.memory_space<hbm>>
        tpu.enqueue_indirect_dma source(%dma_start3A_107 : memref<10000x128xf32, #tpu.memory_space<hbm>>) target(%arg8 : memref<80x128xf32, #tpu.memory_space<vmem>>) offsets(%dma_start3A_104 : memref<80xi32, #tpu.memory_space<vmem>>) semaphore(%arg12 : memref<!tpu.dma_semaphore, #tpu.memory_space<semaphore_mem>>)
      } else {
      }
      %add3A_83 = arith.constant 1 : i32
      %add3A_84 = arith.addi %add3A_70, %add3A_83 : i32
      %dma_wait3A_85 = arith.constant 0 : i32
      %dma_wait3A_86 = tpu.memref_slice %arg6[%add3A_84, %dma_wait3A_85] : memref<125x80xi32, #tpu.memory_space<vmem>> -> memref<1x80xi32, #tpu.memory_space<vmem>>
      %dma_wait3A_87 = tpu.memref_squeeze %dma_wait3A_86 : memref<1x80xi32, #tpu.memory_space<vmem>> -> memref<80xi32, #tpu.memory_space<vmem>>
      %dma_wait3A_88 = arith.constant 0 : i32
      %dma_wait3A_89 = arith.constant 0 : i32
      %dma_wait3A_90 = tpu.memref_slice %arg2[%dma_wait3A_88, %dma_wait3A_89] : memref<10000x128xf32, #tpu.memory_space<hbm>> -> memref<10000x128xf32, #tpu.memory_space<hbm>>
      tpu.wait_indirect_dma semaphore(%arg13 : memref<!tpu.dma_semaphore, #tpu.memory_space<semaphore_mem>>) src(%dma_wait3A_90 : memref<10000x128xf32, #tpu.memory_space<hbm>>) dst(%arg9 : memref<80x128xf32, #tpu.memory_space<vmem>>)
      %add3A_91 = arith.constant 1 : i32
      %add3A_92 = arith.addi %add3A_70, %add3A_91 : i32
      "tpu.region"() ({
        %run_scoped3A_100 = tpu.sem_alloc : memref<!tpu.dma_semaphore, #tpu.memory_space<semaphore_mem>>
        %dma_start3A_101 = arith.constant 0 : i32
        %dma_start3A_102 = tpu.memref_slice %arg7[%add3A_92, %dma_start3A_101] : memref<125x80xi32, #tpu.memory_space<vmem>> -> memref<1x80xi32, #tpu.memory_space<vmem>>
        %dma_start3A_103 = tpu.memref_squeeze %dma_start3A_102 : memref<1x80xi32, #tpu.memory_space<vmem>> -> memref<80xi32, #tpu.memory_space<vmem>>
        %dma_start3A_104 = arith.constant 0 : i32
        %dma_start3A_105 = arith.constant 0 : i32
        %dma_start3A_106 = tpu.memref_slice %arg11[%dma_start3A_104, %dma_start3A_105] : memref<10240x128xf32, #tpu.memory_space<vmem_shared>> -> memref<10240x128xf32, #tpu.memory_space<vmem_shared>>
        tpu.enqueue_indirect_dma source(%arg9 : memref<80x128xf32, #tpu.memory_space<vmem>>) target(%dma_start3A_106 : memref<10240x128xf32, #tpu.memory_space<vmem_shared>>) offsets(%dma_start3A_103 : memref<80xi32, #tpu.memory_space<vmem>>) semaphore(%run_scoped3A_100 : memref<!tpu.dma_semaphore, #tpu.memory_space<semaphore_mem>>) {add = true}
        %dma_wait3A_107 = arith.constant 0 : i32
        %dma_wait3A_108 = tpu.memref_slice %arg7[%add3A_92, %dma_wait3A_107] : memref<125x80xi32, #tpu.memory_space<vmem>> -> memref<1x80xi32, #tpu.memory_space<vmem>>
        %dma_wait3A_109 = tpu.memref_squeeze %dma_wait3A_108 : memref<1x80xi32, #tpu.memory_space<vmem>> -> memref<80xi32, #tpu.memory_space<vmem>>
        %dma_wait3A_110 = arith.constant 0 : i32
        %dma_wait3A_111 = arith.constant 0 : i32
        %dma_wait3A_112 = tpu.memref_slice %arg11[%dma_wait3A_110, %dma_wait3A_111] : memref<10240x128xf32, #tpu.memory_space<vmem_shared>> -> memref<10240x128xf32, #tpu.memory_space<vmem_shared>>
        tpu.wait_indirect_dma semaphore(%run_scoped3A_100 : memref<!tpu.dma_semaphore, #tpu.memory_space<semaphore_mem>>) src(%arg9 : memref<80x128xf32, #tpu.memory_space<vmem>>) dst(%dma_wait3A_112 : memref<10240x128xf32, #tpu.memory_space<vmem_shared>>)
        tpu.yield
      }) : () -> ()
      %add3A_93 = arith.constant 3 : i32
      %add3A_94 = arith.addi %add3A_70, %add3A_93 : i32
      %lt3A_95 = arith.constant 125 : i32
      %lt3A_96 = arith.cmpi slt, %add3A_94, %lt3A_95 : i32
      %convert_element_type3A_97 = arith.extui %lt3A_96 : i1 to i32
      %cond3A_98 = arith.constant 0 : i32
      %cond3A_99 = arith.cmpi ne, %convert_element_type3A_97, %cond3A_98 : i32
      scf.if %cond3A_99 {
        %add3A_100 = arith.constant 3 : i32
        %add3A_101 = arith.addi %add3A_70, %add3A_100 : i32
        %dma_start3A_102 = arith.constant 0 : i32
        %dma_start3A_103 = tpu.memref_slice %arg6[%add3A_101, %dma_start3A_102] : memref<125x80xi32, #tpu.memory_space<vmem>> -> memref<1x80xi32, #tpu.memory_space<vmem>>
        %dma_start3A_104 = tpu.memref_squeeze %dma_start3A_103 : memref<1x80xi32, #tpu.memory_space<vmem>> -> memref<80xi32, #tpu.memory_space<vmem>>
        %dma_start3A_105 = arith.constant 0 : i32
        %dma_start3A_106 = arith.constant 0 : i32
        %dma_start3A_107 = tpu.memref_slice %arg2[%dma_start3A_105, %dma_start3A_106] : memref<10000x128xf32, #tpu.memory_space<hbm>> -> memref<10000x128xf32, #tpu.memory_space<hbm>>
        tpu.enqueue_indirect_dma source(%dma_start3A_107 : memref<10000x128xf32, #tpu.memory_space<hbm>>) target(%arg9 : memref<80x128xf32, #tpu.memory_space<vmem>>) offsets(%dma_start3A_104 : memref<80xi32, #tpu.memory_space<vmem>>) semaphore(%arg13 : memref<!tpu.dma_semaphore, #tpu.memory_space<semaphore_mem>>)
      } else {
      }
    }
    %scan3A_55 = arith.constant 62 : i32
    %dma_wait3A_56 = arith.constant 124 : i32
    %dma_wait3A_57 = arith.constant 0 : i32
    %dma_wait3A_58 = tpu.memref_slice %arg6[%dma_wait3A_56, %dma_wait3A_57] : memref<125x80xi32, #tpu.memory_space<vmem>> -> memref<1x80xi32, #tpu.memory_space<vmem>>
    %dma_wait3A_59 = tpu.memref_squeeze %dma_wait3A_58 : memref<1x80xi32, #tpu.memory_space<vmem>> -> memref<80xi32, #tpu.memory_space<vmem>>
    %dma_wait3A_60 = arith.constant 0 : i32
    %dma_wait3A_61 = arith.constant 0 : i32
    %dma_wait3A_62 = tpu.memref_slice %arg2[%dma_wait3A_60, %dma_wait3A_61] : memref<10000x128xf32, #tpu.memory_space<hbm>> -> memref<10000x128xf32, #tpu.memory_space<hbm>>
    tpu.wait_indirect_dma semaphore(%arg12 : memref<!tpu.dma_semaphore, #tpu.memory_space<semaphore_mem>>) src(%dma_wait3A_62 : memref<10000x128xf32, #tpu.memory_space<hbm>>) dst(%arg8 : memref<80x128xf32, #tpu.memory_space<vmem>>)
    %run_scoped3A = arith.constant 124 : i32
    "tpu.region"() ({
      %run_scoped3A_66 = tpu.sem_alloc : memref<!tpu.dma_semaphore, #tpu.memory_space<semaphore_mem>>
      %dma_start3A_67 = arith.constant 0 : i32
      %dma_start3A_68 = tpu.memref_slice %arg7[%run_scoped3A, %dma_start3A_67] : memref<125x80xi32, #tpu.memory_space<vmem>> -> memref<1x80xi32, #tpu.memory_space<vmem>>
      %dma_start3A_69 = tpu.memref_squeeze %dma_start3A_68 : memref<1x80xi32, #tpu.memory_space<vmem>> -> memref<80xi32, #tpu.memory_space<vmem>>
      %dma_start3A_70 = arith.constant 0 : i32
      %dma_start3A_71 = arith.constant 0 : i32
      %dma_start3A_72 = tpu.memref_slice %arg11[%dma_start3A_70, %dma_start3A_71] : memref<10240x128xf32, #tpu.memory_space<vmem_shared>> -> memref<10240x128xf32, #tpu.memory_space<vmem_shared>>
      tpu.enqueue_indirect_dma source(%arg8 : memref<80x128xf32, #tpu.memory_space<vmem>>) target(%dma_start3A_72 : memref<10240x128xf32, #tpu.memory_space<vmem_shared>>) offsets(%dma_start3A_69 : memref<80xi32, #tpu.memory_space<vmem>>) semaphore(%run_scoped3A_66 : memref<!tpu.dma_semaphore, #tpu.memory_space<semaphore_mem>>) {add = true}
      %dma_wait3A_73 = arith.constant 0 : i32
      %dma_wait3A_74 = tpu.memref_slice %arg7[%run_scoped3A, %dma_wait3A_73] : memref<125x80xi32, #tpu.memory_space<vmem>> -> memref<1x80xi32, #tpu.memory_space<vmem>>
      %dma_wait3A_75 = tpu.memref_squeeze %dma_wait3A_74 : memref<1x80xi32, #tpu.memory_space<vmem>> -> memref<80xi32, #tpu.memory_space<vmem>>
      %dma_wait3A_76 = arith.constant 0 : i32
      %dma_wait3A_77 = arith.constant 0 : i32
      %dma_wait3A_78 = tpu.memref_slice %arg11[%dma_wait3A_76, %dma_wait3A_77] : memref<10240x128xf32, #tpu.memory_space<vmem_shared>> -> memref<10240x128xf32, #tpu.memory_space<vmem_shared>>
      tpu.wait_indirect_dma semaphore(%run_scoped3A_66 : memref<!tpu.dma_semaphore, #tpu.memory_space<semaphore_mem>>) src(%arg8 : memref<80x128xf32, #tpu.memory_space<vmem>>) dst(%dma_wait3A_78 : memref<10240x128xf32, #tpu.memory_space<vmem_shared>>)
      tpu.yield
    }) : () -> ()
    %barrier3A_63 = arith.constant 0 : index
    tpu.barrier barrier_id(%barrier3A_63)
    %eq3A = arith.constant 0 : i32
    %eq3A_64 = arith.cmpi eq, %arg1, %eq3A : i32
    %convert_element_type3A = arith.extui %eq3A_64 : i1 to i32
    %cond3A = arith.constant 0 : i32
    %cond3A_65 = arith.cmpi ne, %convert_element_type3A, %cond3A : i32
    scf.if %cond3A_65 {
      "tpu.region"() ({
        %run_scoped3A_66 = tpu.sem_alloc : memref<!tpu.dma_semaphore, #tpu.memory_space<semaphore_mem>>
        %dma_start3A_67 = arith.constant 0 : i32
        %dma_start3A_68 = arith.constant 0 : i32
        %dma_start3A_69 = tpu.memref_slice %arg5[%arg0, %dma_start3A_67, %dma_start3A_68] : memref<2x10000x128xf32, #tpu.memory_space<hbm>> -> memref<1x10000x128xf32, #tpu.memory_space<hbm>>
        %dma_start3A_70 = tpu.memref_squeeze %dma_start3A_69 : memref<1x10000x128xf32, #tpu.memory_space<hbm>> -> memref<10000x128xf32, #tpu.memory_space<hbm>>
        %dma_start3A_71 = arith.constant 0 : i32
        %dma_start3A_72 = arith.constant 0 : i32
        %dma_start3A_73 = tpu.memref_slice %arg11[%dma_start3A_71, %dma_start3A_72] : memref<10240x128xf32, #tpu.memory_space<vmem_shared>> -> memref<10000x128xf32, #tpu.memory_space<vmem_shared>>
        tpu.enqueue_dma source(%dma_start3A_73 : memref<10000x128xf32, #tpu.memory_space<vmem_shared>>) target(%dma_start3A_70 : memref<10000x128xf32, #tpu.memory_space<hbm>>) target_semaphore(%run_scoped3A_66 : memref<!tpu.dma_semaphore, #tpu.memory_space<semaphore_mem>>)
        %dma_wait3A_74 = arith.constant 0 : i32
        %dma_wait3A_75 = arith.constant 0 : i32
        %dma_wait3A_76 = tpu.memref_slice %arg5[%arg0, %dma_wait3A_74, %dma_wait3A_75] : memref<2x10000x128xf32, #tpu.memory_space<hbm>> -> memref<1x10000x128xf32, #tpu.memory_space<hbm>>
        %dma_wait3A_77 = tpu.memref_squeeze %dma_wait3A_76 : memref<1x10000x128xf32, #tpu.memory_space<hbm>> -> memref<10000x128xf32, #tpu.memory_space<hbm>>
        %dma_wait3A_78 = arith.constant 0 : i32
        %dma_wait3A_79 = arith.constant 0 : i32
        %dma_wait3A_80 = tpu.memref_slice %arg11[%dma_wait3A_78, %dma_wait3A_79] : memref<10240x128xf32, #tpu.memory_space<vmem_shared>> -> memref<10000x128xf32, #tpu.memory_space<vmem_shared>>
        tpu.wait_dma2 semaphore(%run_scoped3A_66 : memref<!tpu.dma_semaphore, #tpu.memory_space<semaphore_mem>>) src(%dma_wait3A_80 : memref<10000x128xf32, #tpu.memory_space<vmem_shared>>) dst(%dma_wait3A_77 : memref<10000x128xf32, #tpu.memory_space<hbm>>)
        tpu.yield
      }) : () -> ()
    } else {
    }
    return
  }
}

#map = affine_map<(d0, d1) -> (0, 0)>
#map1 = affine_map<(d0, d1) -> (0, 0, 0)>
module attributes {stable_mosaic.version = 14 : i64} {
  func.func @body(%arg0: i32, %arg1: i32, %arg2: memref<10000x128xf32, #tpu.memory_space<hbm>>, %arg3: memref<4000x80xi32, #tpu.memory_space<hbm>>, %arg4: memref<4000x80xi32, #tpu.memory_space<hbm>>, %arg5: memref<2x10000x128xf32, #tpu.memory_space<hbm>>, %arg6: memref<125x80xi32, #tpu.memory_space<vmem>>, %arg7: memref<125x80xi32, #tpu.memory_space<vmem>>, %arg8: memref<80x128xf32, #tpu.memory_space<vmem>>, %arg9: memref<80x128xf32, #tpu.memory_space<vmem>>, %arg10: memref<32x128xf32, #tpu.memory_space<vmem>>, %arg11: memref<10240x128xf32, #tpu.memory_space<vmem_shared>>, %arg12: memref<!tpu.dma_semaphore, #tpu.memory_space<semaphore_mem>>, %arg13: memref<!tpu.dma_semaphore, #tpu.memory_space<semaphore_mem>>) attributes {dimension_semantics = [#tpu.dimension_semantics<core_parallel>, #tpu.dimension_semantics<subcore_parallel>], iteration_bounds = array<i64: 2, 16>, scalar_prefetch = 0 : i64, scratch_operands = 8 : i64, tpu.core_type = #tpu.core_type<sc_vector_subcore>, window_params = [{transform_indices = #map}, {transform_indices = #map}, {transform_indices = #map}, {transform_indices = #map1}]} {
    %mul3A = arith.constant 16 : i32
    %mul3A_0 = arith.muli %arg0, %mul3A : i32
    %add3A = arith.addi %mul3A_0, %arg1 : i32
    %mul3A_1 = arith.constant 125 : i32
    %mul3A_2 = arith.muli %add3A, %mul3A_1 : i32
    %dma_start3A = arith.constant 0 : i32
    %dma_start3A_3 = tpu.memref_slice %arg3[%mul3A_2, %dma_start3A] : memref<4000x80xi32, #tpu.memory_space<hbm>> -> memref<125x80xi32, #tpu.memory_space<hbm>>
    %dma_start3A_4 = arith.constant 0 : i32
    %dma_start3A_5 = tpu.memref_slice %arg3[%mul3A_2, %dma_start3A_4] : memref<4000x80xi32, #tpu.memory_space<hbm>> -> memref<125x80xi32, #tpu.memory_space<hbm>>
    tpu.enqueue_dma source(%dma_start3A_5 : memref<125x80xi32, #tpu.memory_space<hbm>>) target(%arg6 : memref<125x80xi32, #tpu.memory_space<vmem>>) target_semaphore(%arg12 : memref<!tpu.dma_semaphore, #tpu.memory_space<semaphore_mem>>)
    %mul3A_6 = arith.constant 125 : i32
    %mul3A_7 = arith.muli %add3A, %mul3A_6 : i32
    %dma_start3A_8 = arith.constant 0 : i32
    %dma_start3A_9 = tpu.memref_slice %arg4[%mul3A_7, %dma_start3A_8] : memref<4000x80xi32, #tpu.memory_space<hbm>> -> memref<125x80xi32, #tpu.memory_space<hbm>>
    %dma_start3A_10 = arith.constant 0 : i32
    %dma_start3A_11 = tpu.memref_slice %arg4[%mul3A_7, %dma_start3A_10] : memref<4000x80xi32, #tpu.memory_space<hbm>> -> memref<125x80xi32, #tpu.memory_space<hbm>>
    tpu.enqueue_dma source(%dma_start3A_11 : memref<125x80xi32, #tpu.memory_space<hbm>>) target(%arg7 : memref<125x80xi32, #tpu.memory_space<vmem>>) target_semaphore(%arg13 : memref<!tpu.dma_semaphore, #tpu.memory_space<semaphore_mem>>)
    %scan3A = arith.constant 0 : i32
    %scan3A_12 = arith.constant 32 : i32
    %scan3A_13 = arith.addi %scan3A, %scan3A_12 : i32
    %scan3A_14 = arith.constant 1 : i32
    scf.for %scan3A_66 = %scan3A to %scan3A_13 step %scan3A_14  : i32 {
      %mul3A_67 = arith.constant 1 : i32
      %mul3A_68 = arith.muli %scan3A_66, %mul3A_67 : i32
      %add3A_69 = arith.constant 0 : i32
      %add3A_70 = arith.addi %add3A_69, %mul3A_68 : i32
      %scan3A_71 = arith.constant 0 : i32
      %scan3A_72 = arith.constant 8 : i32
      %scan3A_73 = arith.addi %scan3A_71, %scan3A_72 : i32
      %scan3A_74 = arith.constant 1 : i32
      scf.for %scan3A_76 = %scan3A_71 to %scan3A_73 step %scan3A_74  : i32 {
        %mul3A_77 = arith.constant 16 : i32
        %mul3A_78 = arith.muli %scan3A_76, %mul3A_77 : i32
        %add3A_79 = arith.constant 0 : i32
        %add3A_80 = arith.addi %add3A_79, %mul3A_78 : i32
        %broadcast_in_dim3A = arith.constant 0.000000e+00 : f32
        %broadcast_in_dim3A_81 = vector.broadcast %broadcast_in_dim3A : f32 to vector<16xf32>
        %swap3A = arith.index_cast %add3A_70 : i32 to index
        %swap3A_82 = arith.index_cast %add3A_80 : i32 to index
        %swap3A_83 = tpu.vector_load %arg10[%swap3A, %swap3A_82] {strides = array<i32>} : memref<32x128xf32, #tpu.memory_space<vmem>>, vector<1x16xf32>,
        %swap3A_84 = vector.shape_cast %swap3A_83 : vector<1x16xf32> to vector<16xf32>
        %swap3A_85 = vector.shape_cast %broadcast_in_dim3A_81 : vector<16xf32> to vector<1x16xf32>
        tpu.vector_store %arg10[%swap3A, %swap3A_82], %swap3A_85 {strides = array<i32>} : memref<32x128xf32, #tpu.memory_space<vmem>>, vector<1x16xf32>,
      }
      %scan3A_75 = arith.constant 8 : i32
    }
    %scan3A_15 = arith.constant 32 : i32
    %mul3A_16 = arith.constant 125 : i32
    %mul3A_17 = arith.muli %add3A, %mul3A_16 : i32
    %dma_wait3A = arith.constant 0 : i32
    %dma_wait3A_18 = tpu.memref_slice %arg3[%mul3A_17, %dma_wait3A] : memref<4000x80xi32, #tpu.memory_space<hbm>> -> memref<125x80xi32, #tpu.memory_space<hbm>>
    %dma_wait3A_19 = arith.constant 0 : i32
    %dma_wait3A_20 = tpu.memref_slice %arg3[%mul3A_17, %dma_wait3A_19] : memref<4000x80xi32, #tpu.memory_space<hbm>> -> memref<125x80xi32, #tpu.memory_space<hbm>>
    tpu.wait_dma2 semaphore(%arg12 : memref<!tpu.dma_semaphore, #tpu.memory_space<semaphore_mem>>) src(%dma_wait3A_20 : memref<125x80xi32, #tpu.memory_space<hbm>>) dst(%arg6 : memref<125x80xi32, #tpu.memory_space<vmem>>)
    %mul3A_21 = arith.constant 125 : i32
    %mul3A_22 = arith.muli %add3A, %mul3A_21 : i32
    %dma_wait3A_23 = arith.constant 0 : i32
    %dma_wait3A_24 = tpu.memref_slice %arg4[%mul3A_22, %dma_wait3A_23] : memref<4000x80xi32, #tpu.memory_space<hbm>> -> memref<125x80xi32, #tpu.memory_space<hbm>>
    %dma_wait3A_25 = arith.constant 0 : i32
    %dma_wait3A_26 = tpu.memref_slice %arg4[%mul3A_22, %dma_wait3A_25] : memref<4000x80xi32, #tpu.memory_space<hbm>> -> memref<125x80xi32, #tpu.memory_space<hbm>>
    tpu.wait_dma2 semaphore(%arg13 : memref<!tpu.dma_semaphore, #tpu.memory_space<semaphore_mem>>) src(%dma_wait3A_26 : memref<125x80xi32, #tpu.memory_space<hbm>>) dst(%arg7 : memref<125x80xi32, #tpu.memory_space<vmem>>)
    %scan3A_27 = arith.constant 0 : i32
    %scan3A_28 = arith.constant 20 : i32
    %scan3A_29 = arith.addi %scan3A_27, %scan3A_28 : i32
    %scan3A_30 = arith.constant 1 : i32
    scf.for %scan3A_66 = %scan3A_27 to %scan3A_29 step %scan3A_30  : i32 {
      %mul3A_67 = arith.constant 32 : i32
      %mul3A_68 = arith.muli %scan3A_66, %mul3A_67 : i32
      %add3A_69 = arith.constant 0 : i32
      %add3A_70 = arith.addi %add3A_69, %mul3A_68 : i32
      %mul3A_71 = arith.constant 640 : i32
      %mul3A_72 = arith.muli %arg1, %mul3A_71 : i32
      %add3A_73 = arith.addi %mul3A_72, %add3A_70 : i32
      %dma_start3A_74 = arith.constant 0 : i32
      %dma_start3A_75 = tpu.memref_slice %arg11[%add3A_73, %dma_start3A_74] : memref<10240x128xf32, #tpu.memory_space<vmem_shared>> -> memref<32x128xf32, #tpu.memory_space<vmem_shared>>
      %dma_start3A_76 = arith.constant 0 : i32
      %dma_start3A_77 = tpu.memref_slice %arg11[%add3A_73, %dma_start3A_76] : memref<10240x128xf32, #tpu.memory_space<vmem_shared>> -> memref<32x128xf32, #tpu.memory_space<vmem_shared>>
      tpu.enqueue_dma source(%arg10 : memref<32x128xf32, #tpu.memory_space<vmem>>) target(%dma_start3A_77 : memref<32x128xf32, #tpu.memory_space<vmem_shared>>) target_semaphore(%arg12 : memref<!tpu.dma_semaphore, #tpu.memory_space<semaphore_mem>>)
    }
    %scan3A_31 = arith.constant 20 : i32
    %scan3A_32 = arith.constant 0 : i32
    %scan3A_33 = arith.constant 20 : i32
    %scan3A_34 = arith.addi %scan3A_32, %scan3A_33 : i32
    %scan3A_35 = arith.constant 1 : i32
    scf.for %scan3A_66 = %scan3A_32 to %scan3A_34 step %scan3A_35  : i32 {
      %mul3A_67 = arith.constant 32 : i32
      %mul3A_68 = arith.muli %scan3A_66, %mul3A_67 : i32
      %add3A_69 = arith.constant 0 : i32
      %add3A_70 = arith.addi %add3A_69, %mul3A_68 : i32
      %mul3A_71 = arith.constant 640 : i32
      %mul3A_72 = arith.muli %arg1, %mul3A_71 : i32
      %add3A_73 = arith.addi %mul3A_72, %add3A_70 : i32
      %dma_wait3A_74 = arith.constant 0 : i32
      %dma_wait3A_75 = tpu.memref_slice %arg11[%add3A_73, %dma_wait3A_74] : memref<10240x128xf32, #tpu.memory_space<vmem_shared>> -> memref<32x128xf32, #tpu.memory_space<vmem_shared>>
      %dma_wait3A_76 = arith.constant 0 : i32
      %dma_wait3A_77 = tpu.memref_slice %arg11[%add3A_73, %dma_wait3A_76] : memref<10240x128xf32, #tpu.memory_space<vmem_shared>> -> memref<32x128xf32, #tpu.memory_space<vmem_shared>>
      tpu.wait_dma2 semaphore(%arg12 : memref<!tpu.dma_semaphore, #tpu.memory_space<semaphore_mem>>) src(%arg10 : memref<32x128xf32, #tpu.memory_space<vmem>>) dst(%dma_wait3A_77 : memref<32x128xf32, #tpu.memory_space<vmem_shared>>)
    }
    %scan3A_36 = arith.constant 20 : i32
    %barrier3A = arith.constant 0 : index
    tpu.barrier barrier_id(%barrier3A)
    %dma_start3A_37 = arith.constant 0 : i32
    %dma_start3A_38 = arith.constant 0 : i32
    %dma_start3A_39 = tpu.memref_slice %arg6[%dma_start3A_37, %dma_start3A_38] : memref<125x80xi32, #tpu.memory_space<vmem>> -> memref<1x80xi32, #tpu.memory_space<vmem>>
    %dma_start3A_40 = tpu.memref_squeeze %dma_start3A_39 : memref<1x80xi32, #tpu.memory_space<vmem>> -> memref<80xi32, #tpu.memory_space<vmem>>
    %dma_start3A_41 = arith.constant 0 : i32
    %dma_start3A_42 = arith.constant 0 : i32
    %dma_start3A_43 = tpu.memref_slice %arg2[%dma_start3A_41, %dma_start3A_42] : memref<10000x128xf32, #tpu.memory_space<hbm>> -> memref<10000x128xf32, #tpu.memory_space<hbm>>
    tpu.enqueue_indirect_dma source(%dma_start3A_43 : memref<10000x128xf32, #tpu.memory_space<hbm>>) target(%arg8 : memref<80x128xf32, #tpu.memory_space<vmem>>) offsets(%dma_start3A_40 : memref<80xi32, #tpu.memory_space<vmem>>) semaphore(%arg12 : memref<!tpu.dma_semaphore, #tpu.memory_space<semaphore_mem>>)
    %dma_start3A_44 = arith.constant 1 : i32
    %dma_start3A_45 = arith.constant 0 : i32
    %dma_start3A_46 = tpu.memref_slice %arg6[%dma_start3A_44, %dma_start3A_45] : memref<125x80xi32, #tpu.memory_space<vmem>> -> memref<1x80xi32, #tpu.memory_space<vmem>>
    %dma_start3A_47 = tpu.memref_squeeze %dma_start3A_46 : memref<1x80xi32, #tpu.memory_space<vmem>> -> memref<80xi32, #tpu.memory_space<vmem>>
    %dma_start3A_48 = arith.constant 0 : i32
    %dma_start3A_49 = arith.constant 0 : i32
    %dma_start3A_50 = tpu.memref_slice %arg2[%dma_start3A_48, %dma_start3A_49] : memref<10000x128xf32, #tpu.memory_space<hbm>> -> memref<10000x128xf32, #tpu.memory_space<hbm>>
    tpu.enqueue_indirect_dma source(%dma_start3A_50 : memref<10000x128xf32, #tpu.memory_space<hbm>>) target(%arg9 : memref<80x128xf32, #tpu.memory_space<vmem>>) offsets(%dma_start3A_47 : memref<80xi32, #tpu.memory_space<vmem>>) semaphore(%arg13 : memref<!tpu.dma_semaphore, #tpu.memory_space<semaphore_mem>>)
    %scan3A_51 = arith.constant 0 : i32
    %scan3A_52 = arith.constant 62 : i32
    %scan3A_53 = arith.addi %scan3A_51, %scan3A_52 : i32
    %scan3A_54 = arith.constant 1 : i32
    scf.for %scan3A_66 = %scan3A_51 to %scan3A_53 step %scan3A_54  : i32 {
      %mul3A_67 = arith.constant 2 : i32
      %mul3A_68 = arith.muli %scan3A_66, %mul3A_67 : i32
      %add3A_69 = arith.constant 0 : i32
      %add3A_70 = arith.addi %add3A_69, %mul3A_68 : i32
      %dma_wait3A_71 = arith.constant 0 : i32
      %dma_wait3A_72 = tpu.memref_slice %arg6[%add3A_70, %dma_wait3A_71] : memref<125x80xi32, #tpu.memory_space<vmem>> -> memref<1x80xi32, #tpu.memory_space<vmem>>
      %dma_wait3A_73 = tpu.memref_squeeze %dma_wait3A_72 : memref<1x80xi32, #tpu.memory_space<vmem>> -> memref<80xi32, #tpu.memory_space<vmem>>
      %dma_wait3A_74 = arith.constant 0 : i32
      %dma_wait3A_75 = arith.constant 0 : i32
      %dma_wait3A_76 = tpu.memref_slice %arg2[%dma_wait3A_74, %dma_wait3A_75] : memref<10000x128xf32, #tpu.memory_space<hbm>> -> memref<10000x128xf32, #tpu.memory_space<hbm>>
      tpu.wait_indirect_dma semaphore(%arg12 : memref<!tpu.dma_semaphore, #tpu.memory_space<semaphore_mem>>) src(%dma_wait3A_76 : memref<10000x128xf32, #tpu.memory_space<hbm>>) dst(%arg8 : memref<80x128xf32, #tpu.memory_space<vmem>>)
      "tpu.region"() ({
        %run_scoped3A_100 = tpu.sem_alloc : memref<!tpu.dma_semaphore, #tpu.memory_space<semaphore_mem>>
        %dma_start3A_101 = arith.constant 0 : i32
        %dma_start3A_102 = tpu.memref_slice %arg7[%add3A_70, %dma_start3A_101] : memref<125x80xi32, #tpu.memory_space<vmem>> -> memref<1x80xi32, #tpu.memory_space<vmem>>
        %dma_start3A_103 = tpu.memref_squeeze %dma_start3A_102 : memref<1x80xi32, #tpu.memory_space<vmem>> -> memref<80xi32, #tpu.memory_space<vmem>>
        %dma_start3A_104 = arith.constant 0 : i32
        %dma_start3A_105 = arith.constant 0 : i32
        %dma_start3A_106 = tpu.memref_slice %arg11[%dma_start3A_104, %dma_start3A_105] : memref<10240x128xf32, #tpu.memory_space<vmem_shared>> -> memref<10240x128xf32, #tpu.memory_space<vmem_shared>>
        tpu.enqueue_indirect_dma source(%arg8 : memref<80x128xf32, #tpu.memory_space<vmem>>) target(%dma_start3A_106 : memref<10240x128xf32, #tpu.memory_space<vmem_shared>>) offsets(%dma_start3A_103 : memref<80xi32, #tpu.memory_space<vmem>>) semaphore(%run_scoped3A_100 : memref<!tpu.dma_semaphore, #tpu.memory_space<semaphore_mem>>) {add = true}
        %dma_wait3A_107 = arith.constant 0 : i32
        %dma_wait3A_108 = tpu.memref_slice %arg7[%add3A_70, %dma_wait3A_107] : memref<125x80xi32, #tpu.memory_space<vmem>> -> memref<1x80xi32, #tpu.memory_space<vmem>>
        %dma_wait3A_109 = tpu.memref_squeeze %dma_wait3A_108 : memref<1x80xi32, #tpu.memory_space<vmem>> -> memref<80xi32, #tpu.memory_space<vmem>>
        %dma_wait3A_110 = arith.constant 0 : i32
        %dma_wait3A_111 = arith.constant 0 : i32
        %dma_wait3A_112 = tpu.memref_slice %arg11[%dma_wait3A_110, %dma_wait3A_111] : memref<10240x128xf32, #tpu.memory_space<vmem_shared>> -> memref<10240x128xf32, #tpu.memory_space<vmem_shared>>
        tpu.wait_indirect_dma semaphore(%run_scoped3A_100 : memref<!tpu.dma_semaphore, #tpu.memory_space<semaphore_mem>>) src(%arg8 : memref<80x128xf32, #tpu.memory_space<vmem>>) dst(%dma_wait3A_112 : memref<10240x128xf32, #tpu.memory_space<vmem_shared>>)
        tpu.yield
      }) : () -> ()
      %add3A_77 = arith.constant 2 : i32
      %add3A_78 = arith.addi %add3A_70, %add3A_77 : i32
      %lt3A = arith.constant 125 : i32
      %lt3A_79 = arith.cmpi slt, %add3A_78, %lt3A : i32
      %convert_element_type3A_80 = arith.extui %lt3A_79 : i1 to i32
      %cond3A_81 = arith.constant 0 : i32
      %cond3A_82 = arith.cmpi ne, %convert_element_type3A_80, %cond3A_81 : i32
      scf.if %cond3A_82 {
        %add3A_100 = arith.constant 2 : i32
        %add3A_101 = arith.addi %add3A_70, %add3A_100 : i32
        %dma_start3A_102 = arith.constant 0 : i32
        %dma_start3A_103 = tpu.memref_slice %arg6[%add3A_101, %dma_start3A_102] : memref<125x80xi32, #tpu.memory_space<vmem>> -> memref<1x80xi32, #tpu.memory_space<vmem>>
        %dma_start3A_104 = tpu.memref_squeeze %dma_start3A_103 : memref<1x80xi32, #tpu.memory_space<vmem>> -> memref<80xi32, #tpu.memory_space<vmem>>
        %dma_start3A_105 = arith.constant 0 : i32
        %dma_start3A_106 = arith.constant 0 : i32
        %dma_start3A_107 = tpu.memref_slice %arg2[%dma_start3A_105, %dma_start3A_106] : memref<10000x128xf32, #tpu.memory_space<hbm>> -> memref<10000x128xf32, #tpu.memory_space<hbm>>
        tpu.enqueue_indirect_dma source(%dma_start3A_107 : memref<10000x128xf32, #tpu.memory_space<hbm>>) target(%arg8 : memref<80x128xf32, #tpu.memory_space<vmem>>) offsets(%dma_start3A_104 : memref<80xi32, #tpu.memory_space<vmem>>) semaphore(%arg12 : memref<!tpu.dma_semaphore, #tpu.memory_space<semaphore_mem>>)
      } else {
      }
      %add3A_83 = arith.constant 1 : i32
      %add3A_84 = arith.addi %add3A_70, %add3A_83 : i32
      %dma_wait3A_85 = arith.constant 0 : i32
      %dma_wait3A_86 = tpu.memref_slice %arg6[%add3A_84, %dma_wait3A_85] : memref<125x80xi32, #tpu.memory_space<vmem>> -> memref<1x80xi32, #tpu.memory_space<vmem>>
      %dma_wait3A_87 = tpu.memref_squeeze %dma_wait3A_86 : memref<1x80xi32, #tpu.memory_space<vmem>> -> memref<80xi32, #tpu.memory_space<vmem>>
      %dma_wait3A_88 = arith.constant 0 : i32
      %dma_wait3A_89 = arith.constant 0 : i32
      %dma_wait3A_90 = tpu.memref_slice %arg2[%dma_wait3A_88, %dma_wait3A_89] : memref<10000x128xf32, #tpu.memory_space<hbm>> -> memref<10000x128xf32, #tpu.memory_space<hbm>>
      tpu.wait_indirect_dma semaphore(%arg13 : memref<!tpu.dma_semaphore, #tpu.memory_space<semaphore_mem>>) src(%dma_wait3A_90 : memref<10000x128xf32, #tpu.memory_space<hbm>>) dst(%arg9 : memref<80x128xf32, #tpu.memory_space<vmem>>)
      %add3A_91 = arith.constant 1 : i32
      %add3A_92 = arith.addi %add3A_70, %add3A_91 : i32
      "tpu.region"() ({
        %run_scoped3A_100 = tpu.sem_alloc : memref<!tpu.dma_semaphore, #tpu.memory_space<semaphore_mem>>
        %dma_start3A_101 = arith.constant 0 : i32
        %dma_start3A_102 = tpu.memref_slice %arg7[%add3A_92, %dma_start3A_101] : memref<125x80xi32, #tpu.memory_space<vmem>> -> memref<1x80xi32, #tpu.memory_space<vmem>>
        %dma_start3A_103 = tpu.memref_squeeze %dma_start3A_102 : memref<1x80xi32, #tpu.memory_space<vmem>> -> memref<80xi32, #tpu.memory_space<vmem>>
        %dma_start3A_104 = arith.constant 0 : i32
        %dma_start3A_105 = arith.constant 0 : i32
        %dma_start3A_106 = tpu.memref_slice %arg11[%dma_start3A_104, %dma_start3A_105] : memref<10240x128xf32, #tpu.memory_space<vmem_shared>> -> memref<10240x128xf32, #tpu.memory_space<vmem_shared>>
        tpu.enqueue_indirect_dma source(%arg9 : memref<80x128xf32, #tpu.memory_space<vmem>>) target(%dma_start3A_106 : memref<10240x128xf32, #tpu.memory_space<vmem_shared>>) offsets(%dma_start3A_103 : memref<80xi32, #tpu.memory_space<vmem>>) semaphore(%run_scoped3A_100 : memref<!tpu.dma_semaphore, #tpu.memory_space<semaphore_mem>>) {add = true}
        %dma_wait3A_107 = arith.constant 0 : i32
        %dma_wait3A_108 = tpu.memref_slice %arg7[%add3A_92, %dma_wait3A_107] : memref<125x80xi32, #tpu.memory_space<vmem>> -> memref<1x80xi32, #tpu.memory_space<vmem>>
        %dma_wait3A_109 = tpu.memref_squeeze %dma_wait3A_108 : memref<1x80xi32, #tpu.memory_space<vmem>> -> memref<80xi32, #tpu.memory_space<vmem>>
        %dma_wait3A_110 = arith.constant 0 : i32
        %dma_wait3A_111 = arith.constant 0 : i32
        %dma_wait3A_112 = tpu.memref_slice %arg11[%dma_wait3A_110, %dma_wait3A_111] : memref<10240x128xf32, #tpu.memory_space<vmem_shared>> -> memref<10240x128xf32, #tpu.memory_space<vmem_shared>>
        tpu.wait_indirect_dma semaphore(%run_scoped3A_100 : memref<!tpu.dma_semaphore, #tpu.memory_space<semaphore_mem>>) src(%arg9 : memref<80x128xf32, #tpu.memory_space<vmem>>) dst(%dma_wait3A_112 : memref<10240x128xf32, #tpu.memory_space<vmem_shared>>)
        tpu.yield
      }) : () -> ()
      %add3A_93 = arith.constant 3 : i32
      %add3A_94 = arith.addi %add3A_70, %add3A_93 : i32
      %lt3A_95 = arith.constant 125 : i32
      %lt3A_96 = arith.cmpi slt, %add3A_94, %lt3A_95 : i32
      %convert_element_type3A_97 = arith.extui %lt3A_96 : i1 to i32
      %cond3A_98 = arith.constant 0 : i32
      %cond3A_99 = arith.cmpi ne, %convert_element_type3A_97, %cond3A_98 : i32
      scf.if %cond3A_99 {
        %add3A_100 = arith.constant 3 : i32
        %add3A_101 = arith.addi %add3A_70, %add3A_100 : i32
        %dma_start3A_102 = arith.constant 0 : i32
        %dma_start3A_103 = tpu.memref_slice %arg6[%add3A_101, %dma_start3A_102] : memref<125x80xi32, #tpu.memory_space<vmem>> -> memref<1x80xi32, #tpu.memory_space<vmem>>
        %dma_start3A_104 = tpu.memref_squeeze %dma_start3A_103 : memref<1x80xi32, #tpu.memory_space<vmem>> -> memref<80xi32, #tpu.memory_space<vmem>>
        %dma_start3A_105 = arith.constant 0 : i32
        %dma_start3A_106 = arith.constant 0 : i32
        %dma_start3A_107 = tpu.memref_slice %arg2[%dma_start3A_105, %dma_start3A_106] : memref<10000x128xf32, #tpu.memory_space<hbm>> -> memref<10000x128xf32, #tpu.memory_space<hbm>>
        tpu.enqueue_indirect_dma source(%dma_start3A_107 : memref<10000x128xf32, #tpu.memory_space<hbm>>) target(%arg9 : memref<80x128xf32, #tpu.memory_space<vmem>>) offsets(%dma_start3A_104 : memref<80xi32, #tpu.memory_space<vmem>>) semaphore(%arg13 : memref<!tpu.dma_semaphore, #tpu.memory_space<semaphore_mem>>)
      } else {
      }
    }
    %scan3A_55 = arith.constant 62 : i32
    %dma_wait3A_56 = arith.constant 124 : i32
    %dma_wait3A_57 = arith.constant 0 : i32
    %dma_wait3A_58 = tpu.memref_slice %arg6[%dma_wait3A_56, %dma_wait3A_57] : memref<125x80xi32, #tpu.memory_space<vmem>> -> memref<1x80xi32, #tpu.memory_space<vmem>>
    %dma_wait3A_59 = tpu.memref_squeeze %dma_wait3A_58 : memref<1x80xi32, #tpu.memory_space<vmem>> -> memref<80xi32, #tpu.memory_space<vmem>>
    %dma_wait3A_60 = arith.constant 0 : i32
    %dma_wait3A_61 = arith.constant 0 : i32
    %dma_wait3A_62 = tpu.memref_slice %arg2[%dma_wait3A_60, %dma_wait3A_61] : memref<10000x128xf32, #tpu.memory_space<hbm>> -> memref<10000x128xf32, #tpu.memory_space<hbm>>
    tpu.wait_indirect_dma semaphore(%arg12 : memref<!tpu.dma_semaphore, #tpu.memory_space<semaphore_mem>>) src(%dma_wait3A_62 : memref<10000x128xf32, #tpu.memory_space<hbm>>) dst(%arg8 : memref<80x128xf32, #tpu.memory_space<vmem>>)
    %run_scoped3A = arith.constant 124 : i32
    "tpu.region"() ({
      %run_scoped3A_66 = tpu.sem_alloc : memref<!tpu.dma_semaphore, #tpu.memory_space<semaphore_mem>>
      %dma_start3A_67 = arith.constant 0 : i32
      %dma_start3A_68 = tpu.memref_slice %arg7[%run_scoped3A, %dma_start3A_67] : memref<125x80xi32, #tpu.memory_space<vmem>> -> memref<1x80xi32, #tpu.memory_space<vmem>>
      %dma_start3A_69 = tpu.memref_squeeze %dma_start3A_68 : memref<1x80xi32, #tpu.memory_space<vmem>> -> memref<80xi32, #tpu.memory_space<vmem>>
      %dma_start3A_70 = arith.constant 0 : i32
      %dma_start3A_71 = arith.constant 0 : i32
      %dma_start3A_72 = tpu.memref_slice %arg11[%dma_start3A_70, %dma_start3A_71] : memref<10240x128xf32, #tpu.memory_space<vmem_shared>> -> memref<10240x128xf32, #tpu.memory_space<vmem_shared>>
      tpu.enqueue_indirect_dma source(%arg8 : memref<80x128xf32, #tpu.memory_space<vmem>>) target(%dma_start3A_72 : memref<10240x128xf32, #tpu.memory_space<vmem_shared>>) offsets(%dma_start3A_69 : memref<80xi32, #tpu.memory_space<vmem>>) semaphore(%run_scoped3A_66 : memref<!tpu.dma_semaphore, #tpu.memory_space<semaphore_mem>>) {add = true}
      %dma_wait3A_73 = arith.constant 0 : i32
      %dma_wait3A_74 = tpu.memref_slice %arg7[%run_scoped3A, %dma_wait3A_73] : memref<125x80xi32, #tpu.memory_space<vmem>> -> memref<1x80xi32, #tpu.memory_space<vmem>>
      %dma_wait3A_75 = tpu.memref_squeeze %dma_wait3A_74 : memref<1x80xi32, #tpu.memory_space<vmem>> -> memref<80xi32, #tpu.memory_space<vmem>>
      %dma_wait3A_76 = arith.constant 0 : i32
      %dma_wait3A_77 = arith.constant 0 : i32
      %dma_wait3A_78 = tpu.memref_slice %arg11[%dma_wait3A_76, %dma_wait3A_77] : memref<10240x128xf32, #tpu.memory_space<vmem_shared>> -> memref<10240x128xf32, #tpu.memory_space<vmem_shared>>
      tpu.wait_indirect_dma semaphore(%run_scoped3A_66 : memref<!tpu.dma_semaphore, #tpu.memory_space<semaphore_mem>>) src(%arg8 : memref<80x128xf32, #tpu.memory_space<vmem>>) dst(%dma_wait3A_78 : memref<10240x128xf32, #tpu.memory_space<vmem_shared>>)
      tpu.yield
    }) : () -> ()
    %barrier3A_63 = arith.constant 0 : index
    tpu.barrier barrier_id(%barrier3A_63)
    %eq3A = arith.constant 0 : i32
    %eq3A_64 = arith.cmpi eq, %arg1, %eq3A : i32
    %convert_element_type3A = arith.extui %eq3A_64 : i1 to i32
    %cond3A = arith.constant 0 : i32
    %cond3A_65 = arith.cmpi ne, %convert_element_type3A, %cond3A : i32
    scf.if %cond3A_65 {
      "tpu.region"() ({
        %run_scoped3A_66 = tpu.sem_alloc : memref<!tpu.dma_semaphore, #tpu.memory_space<semaphore_mem>>
        %dma_start3A_67 = arith.constant 0 : i32
        %dma_start3A_68 = arith.constant 0 : i32
        %dma_start3A_69 = tpu.memref_slice %arg5[%arg0, %dma_start3A_67, %dma_start3A_68] : memref<2x10000x128xf32, #tpu.memory_space<hbm>> -> memref<1x10000x128xf32, #tpu.memory_space<hbm>>
        %dma_start3A_70 = tpu.memref_squeeze %dma_start3A_69 : memref<1x10000x128xf32, #tpu.memory_space<hbm>> -> memref<10000x128xf32, #tpu.memory_space<hbm>>
        %dma_start3A_71 = arith.constant 0 : i32
        %dma_start3A_72 = arith.constant 0 : i32
        %dma_start3A_73 = tpu.memref_slice %arg11[%dma_start3A_71, %dma_start3A_72] : memref<10240x128xf32, #tpu.memory_space<vmem_shared>> -> memref<10000x128xf32, #tpu.memory_space<vmem_shared>>
        tpu.enqueue_dma source(%dma_start3A_73 : memref<10000x128xf32, #tpu.memory_space<vmem_shared>>) target(%dma_start3A_70 : memref<10000x128xf32, #tpu.memory_space<hbm>>) target_semaphore(%run_scoped3A_66 : memref<!tpu.dma_semaphore, #tpu.memory_space<semaphore_mem>>)
        %dma_wait3A_74 = arith.constant 0 : i32
        %dma_wait3A_75 = arith.constant 0 : i32
        %dma_wait3A_76 = tpu.memref_slice %arg5[%arg0, %dma_wait3A_74, %dma_wait3A_75] : memref<2x10000x128xf32, #tpu.memory_space<hbm>> -> memref<1x10000x128xf32, #tpu.memory_space<hbm>>
        %dma_wait3A_77 = tpu.memref_squeeze %dma_wait3A_76 : memref<1x10000x128xf32, #tpu.memory_space<hbm>> -> memref<10000x128xf32, #tpu.memory_space<hbm>>
        %dma_wait3A_78 = arith.constant 0 : i32
        %dma_wait3A_79 = arith.constant 0 : i32
        %dma_wait3A_80 = tpu.memref_slice %arg11[%dma_wait3A_78, %dma_wait3A_79] : memref<10240x128xf32, #tpu.memory_space<vmem_shared>> -> memref<10000x128xf32, #tpu.memory_space<vmem_shared>>
        tpu.wait_dma2 semaphore(%run_scoped3A_66 : memref<!tpu.dma_semaphore, #tpu.memory_space<semaphore_mem>>) src(%dma_wait3A_80 : memref<10000x128xf32, #tpu.memory_space<vmem_shared>>) dst(%dma_wait3A_77 : memref<10000x128xf32, #tpu.memory_space<hbm>>)
        tpu.yield
      }) : () -> ()
    } else {
    }
    return
  }
}

module attributes {stable_mosaic.version = 14 : i64} {
  func.func @body(%arg0: i32, %arg1: memref<2x2000x128xf32, #tpu.memory_space<vmem>>, %arg2: memref<2x2000x16xf32, #tpu.memory_space<vmem>>, %arg3: memref<1x128xf32, #tpu.memory_space<vmem>>, %arg4: memref<128x128xf32, #tpu.memory_space<vmem>>, %arg5: memref<1x128xf32, #tpu.memory_space<vmem>>, %arg6: memref<2000x128xf32, #tpu.memory_space<vmem>>) attributes {dimension_semantics = [#tpu.dimension_semantics<arbitrary>], iteration_bounds = array<i64: 5>, scalar_prefetch = 0 : i64, scratch_operands = 0 : i64, tpu.core_type = #tpu.core_type<tc>, window_params = [{transform_indices = @transform_0, window_bounds = array<i64: 2, 2000, 128>}, {transform_indices = @transform_1, window_bounds = array<i64: 2, 2000, 16>}, {pipeline_mode = #tpu.pipeline_mode<synchronous>, transform_indices = @transform_2, window_bounds = array<i64: 1, 128>}, {pipeline_mode = #tpu.pipeline_mode<synchronous>, transform_indices = @transform_3, window_bounds = array<i64: 128, 128>}, {pipeline_mode = #tpu.pipeline_mode<synchronous>, transform_indices = @transform_4, window_bounds = array<i64: 1, 128>}, {transform_indices = @transform_5, window_bounds = array<i64: 2000, 128>}]} {
    %get3A = arith.constant 0 : index
    %get3A_0 = arith.constant 0 : index
    %get3A_1 = arith.constant 0 : index
    %get3A_2 = vector.load %arg1[%get3A, %get3A_0, %get3A_1] : memref<2x2000x128xf32, #tpu.memory_space<vmem>>, vector<1x2000x128xf32>
    %get3A_3 = vector.shape_cast %get3A_2 : vector<1x2000x128xf32> to vector<2000x128xf32>
    %get3A_4 = arith.constant 1 : index
    %get3A_5 = arith.constant 0 : index
    %get3A_6 = arith.constant 0 : index
    %get3A_7 = vector.load %arg1[%get3A_4, %get3A_5, %get3A_6] : memref<2x2000x128xf32, #tpu.memory_space<vmem>>, vector<1x2000x128xf32>
    %get3A_8 = vector.shape_cast %get3A_7 : vector<1x2000x128xf32> to vector<2000x128xf32>
    %add3A = arith.addf %get3A_3, %get3A_8 : vector<2000x128xf32>
    %get3A_9 = arith.constant 0 : index
    %get3A_10 = arith.constant 0 : index
    %get3A_11 = arith.constant 0 : index
    %get3A_12 = vector.load %arg2[%get3A_9, %get3A_10, %get3A_11] : memref<2x2000x16xf32, #tpu.memory_space<vmem>>, vector<1x2000x1xf32>
    %get3A_13 = vector.shape_cast %get3A_12 : vector<1x2000x1xf32> to vector<2000x1xf32>
    %get3A_14 = arith.constant 1 : index
    %get3A_15 = arith.constant 0 : index
    %get3A_16 = arith.constant 0 : index
    %get3A_17 = vector.load %arg2[%get3A_14, %get3A_15, %get3A_16] : memref<2x2000x16xf32, #tpu.memory_space<vmem>>, vector<1x2000x1xf32>
    %get3A_18 = vector.shape_cast %get3A_17 : vector<1x2000x1xf32> to vector<2000x1xf32>
    %add3A_19 = arith.addf %get3A_13, %get3A_18 : vector<2000x1xf32>
    %max3A = arith.constant 1.000000e+00 : f32
    %max3A_20 = vector.broadcast %max3A : f32 to vector<2000x1xf32>
    %max3A_21 = arith.maximumf %add3A_19, %max3A_20 : vector<2000x1xf32>
    %div3A = arith.constant 1.000000e+00 : f32
    %div3A_22 = vector.broadcast %div3A : f32 to vector<2000x1xf32>
    %div3A_23 = arith.divf %div3A_22, %max3A_21 : vector<2000x1xf32>
    %mul3A = vector.broadcast %div3A_23 : vector<2000x1xf32> to vector<2000x128xf32>
    %mul3A_24 = arith.mulf %add3A, %mul3A : vector<2000x128xf32>
    %get3A_25 = arith.constant 0 : index
    %get3A_26 = arith.constant 0 : index
    %get3A_27 = vector.load %arg3[%get3A_25, %get3A_26] : memref<1x128xf32, #tpu.memory_space<vmem>>, vector<1x128xf32>
    %add3A_28 = vector.broadcast %get3A_27 : vector<1x128xf32> to vector<2000x128xf32>
    %add3A_29 = arith.addf %mul3A_24, %add3A_28 : vector<2000x128xf32>
    %max3A_30 = arith.constant 0.000000e+00 : f32
    %max3A_31 = vector.broadcast %max3A_30 : f32 to vector<2000x128xf32>
    %max3A_32 = arith.maximumf %add3A_29, %max3A_31 : vector<2000x128xf32>
    %get3A_33 = arith.constant 0 : index
    %get3A_34 = arith.constant 0 : index
    %get3A_35 = vector.load %arg4[%get3A_33, %get3A_34] : memref<128x128xf32, #tpu.memory_space<vmem>>, vector<128x128xf32>
    %dot_general3A = arith.constant dense<0.000000e+00> : vector<2000x128xf32>
    %dot_general3A_36 = tpu.matmul %max3A_32, %get3A_35, %dot_general3A {dimension_numbers = #tpu.dot_dimension_numbers<[1], [0], [0], [1], [0, 0, 1, 1], [], []>, transpose_lhs_hint = false} : vector<2000x128xf32>, vector<128x128xf32>, vector<2000x128xf32> -> vector<2000x128xf32>
    %get3A_37 = arith.constant 0 : index
    %get3A_38 = arith.constant 0 : index
    %get3A_39 = vector.load %arg5[%get3A_37, %get3A_38] : memref<1x128xf32, #tpu.memory_space<vmem>>, vector<1x128xf32>
    %add3A_40 = vector.broadcast %get3A_39 : vector<1x128xf32> to vector<2000x128xf32>
    %add3A_41 = arith.addf %dot_general3A_36, %add3A_40 : vector<2000x128xf32>
    %swap3A = arith.constant 0 : index
    %swap3A_42 = arith.constant 0 : index
    %swap3A_43 = vector.load %arg6[%swap3A, %swap3A_42] : memref<2000x128xf32, #tpu.memory_space<vmem>>, vector<2000x128xf32>
    tpu.vector_store %arg6[%swap3A, %swap3A_42], %add3A_41 {strides = array<i32>} : memref<2000x128xf32, #tpu.memory_space<vmem>>, vector<2000x128xf32>,
    return
  }
  func.func @transform_0(%arg0: i32) -> (i32, i32, i32) {
    %c0_i32 = arith.constant 0 : i32
    %c0_i32_0 = arith.constant 0 : i32
    %c0_i32_1 = arith.constant 0 : i32
    return %c0_i32, %arg0, %c0_i32_0 : i32, i32, i32
  }
  func.func @transform_1(%arg0: i32) -> (i32, i32, i32) {
    %c0_i32 = arith.constant 0 : i32
    %c0_i32_0 = arith.constant 0 : i32
    %c0_i32_1 = arith.constant 0 : i32
    return %c0_i32, %arg0, %c0_i32_0 : i32, i32, i32
  }
  func.func @transform_2(%arg0: i32) -> (i32, i32) {
    %c0_i32 = arith.constant 0 : i32
    %c0_i32_0 = arith.constant 0 : i32
    %c0_i32_1 = arith.constant 0 : i32
    return %c0_i32, %c0_i32_0 : i32, i32
  }
  func.func @transform_3(%arg0: i32) -> (i32, i32) {
    %c0_i32 = arith.constant 0 : i32
    %c0_i32_0 = arith.constant 0 : i32
    %c0_i32_1 = arith.constant 0 : i32
    return %c0_i32, %c0_i32_0 : i32, i32
  }
  func.func @transform_4(%arg0: i32) -> (i32, i32) {
    %c0_i32 = arith.constant 0 : i32
    %c0_i32_0 = arith.constant 0 : i32
    %c0_i32_1 = arith.constant 0 : i32
    return %c0_i32, %c0_i32_0 : i32, i32
  }
  func.func @transform_5(%arg0: i32) -> (i32, i32) {
    %c0_i32 = arith.constant 0 : i32
    %c0_i32_0 = arith.constant 0 : i32
    return %arg0, %c0_i32 : i32, i32
  }
}

module attributes {stable_mosaic.version = 14 : i64} {
  func.func @body(%arg0: i32, %arg1: memref<2000x128xf32, #tpu.memory_space<vmem>>, %arg2: memref<128x128xf32, #tpu.memory_space<vmem>>, %arg3: memref<1x128xf32, #tpu.memory_space<vmem>>, %arg4: memref<128x128xf32, #tpu.memory_space<vmem>>, %arg5: memref<2000x128xf32, #tpu.memory_space<vmem>>) attributes {dimension_semantics = [#tpu.dimension_semantics<arbitrary>], iteration_bounds = array<i64: 5>, scalar_prefetch = 0 : i64, scratch_operands = 0 : i64, tpu.core_type = #tpu.core_type<tc>, window_params = [{transform_indices = @transform_0, window_bounds = array<i64: 2000, 128>}, {pipeline_mode = #tpu.pipeline_mode<synchronous>, transform_indices = @transform_1, window_bounds = array<i64: 128, 128>}, {pipeline_mode = #tpu.pipeline_mode<synchronous>, transform_indices = @transform_2, window_bounds = array<i64: 1, 128>}, {pipeline_mode = #tpu.pipeline_mode<synchronous>, transform_indices = @transform_3, window_bounds = array<i64: 128, 128>}, {transform_indices = @transform_4, window_bounds = array<i64: 2000, 128>}]} {
    %get3A = arith.constant 0 : index
    %get3A_0 = arith.constant 0 : index
    %get3A_1 = vector.load %arg1[%get3A, %get3A_0] : memref<2000x128xf32, #tpu.memory_space<vmem>>, vector<2000x128xf32>
    %get3A_2 = arith.constant 0 : index
    %get3A_3 = arith.constant 0 : index
    %get3A_4 = vector.load %arg2[%get3A_2, %get3A_3] : memref<128x128xf32, #tpu.memory_space<vmem>>, vector<128x128xf32>
    %dot_general3A = arith.constant dense<0.000000e+00> : vector<2000x128xf32>
    %dot_general3A_5 = tpu.matmul %get3A_1, %get3A_4, %dot_general3A {dimension_numbers = #tpu.dot_dimension_numbers<[1], [0], [0], [1], [0, 0, 1, 1], [], []>, transpose_lhs_hint = false} : vector<2000x128xf32>, vector<128x128xf32>, vector<2000x128xf32> -> vector<2000x128xf32>
    %get3A_6 = arith.constant 0 : index
    %get3A_7 = arith.constant 0 : index
    %get3A_8 = vector.load %arg3[%get3A_6, %get3A_7] : memref<1x128xf32, #tpu.memory_space<vmem>>, vector<1x128xf32>
    %add3A = vector.broadcast %get3A_8 : vector<1x128xf32> to vector<2000x128xf32>
    %add3A_9 = arith.addf %dot_general3A_5, %add3A : vector<2000x128xf32>
    %max3A = arith.constant 0.000000e+00 : f32
    %max3A_10 = vector.broadcast %max3A : f32 to vector<2000x128xf32>
    %max3A_11 = arith.maximumf %add3A_9, %max3A_10 : vector<2000x128xf32>
    %get3A_12 = arith.constant 0 : index
    %get3A_13 = arith.constant 0 : index
    %get3A_14 = vector.load %arg4[%get3A_12, %get3A_13] : memref<128x128xf32, #tpu.memory_space<vmem>>, vector<128x128xf32>
    %dot_general3A_15 = arith.constant dense<0.000000e+00> : vector<2000x128xf32>
    %dot_general3A_16 = tpu.matmul %max3A_11, %get3A_14, %dot_general3A_15 {dimension_numbers = #tpu.dot_dimension_numbers<[1], [0], [0], [1], [0, 0, 1, 1], [], []>, transpose_lhs_hint = false} : vector<2000x128xf32>, vector<128x128xf32>, vector<2000x128xf32> -> vector<2000x128xf32>
    %swap3A = arith.constant 0 : index
    %swap3A_17 = arith.constant 0 : index
    %swap3A_18 = vector.load %arg5[%swap3A, %swap3A_17] : memref<2000x128xf32, #tpu.memory_space<vmem>>, vector<2000x128xf32>
    tpu.vector_store %arg5[%swap3A, %swap3A_17], %dot_general3A_16 {strides = array<i32>} : memref<2000x128xf32, #tpu.memory_space<vmem>>, vector<2000x128xf32>,
    return
  }
  func.func @transform_0(%arg0: i32) -> (i32, i32) {
    %c0_i32 = arith.constant 0 : i32
    %c0_i32_0 = arith.constant 0 : i32
    return %arg0, %c0_i32 : i32, i32
  }
  func.func @transform_1(%arg0: i32) -> (i32, i32) {
    %c0_i32 = arith.constant 0 : i32
    %c0_i32_0 = arith.constant 0 : i32
    %c0_i32_1 = arith.constant 0 : i32
    return %c0_i32, %c0_i32_0 : i32, i32
  }
  func.func @transform_2(%arg0: i32) -> (i32, i32) {
    %c0_i32 = arith.constant 0 : i32
    %c0_i32_0 = arith.constant 0 : i32
    %c0_i32_1 = arith.constant 0 : i32
    return %c0_i32, %c0_i32_0 : i32, i32
  }
  func.func @transform_3(%arg0: i32) -> (i32, i32) {
    %c0_i32 = arith.constant 0 : i32
    %c0_i32_0 = arith.constant 0 : i32
    %c0_i32_1 = arith.constant 0 : i32
    return %c0_i32, %c0_i32_0 : i32, i32
  }
  func.func @transform_4(%arg0: i32) -> (i32, i32) {
    %c0_i32 = arith.constant 0 : i32
    %c0_i32_0 = arith.constant 0 : i32
    return %arg0, %c0_i32 : i32, i32
  }
}

</mosaic_0001>

<sc_bundles>
// kernel: kernel.12.cloned.1.call-start
scs
__scs_entry_jumppad:
0x0: {  	(pc) =	sbr.rel $0x88, $3  }
0x1: {  	(tag) =	ssettag $0x0;
	lr =	simm.s32 $0x1  }
0x2: {  	[smem:$0x3F93] =	sst lr;
	_ =	strace $0xD0000000  }
0x3: {  	_ = 	snop  }
0x4: {  	_ = 	snop  }
0x5: {  	_ = 	snop  }
0x6: {  	_ = 	snop  }
0x7: {  	_ = 	snop  }
__scs_overlays_trampoline_lowered:
0x8: {  	[smem:$0x3FA2] =	sst s0  }
0x9: {  	[smem:$0x3FA3] =	sst s1  }
0xa: {  	[smem:$0x3FA4] =	sst s2  }
0xb: {  	[smem:$0x3FA5] =	sst s3  }
0xc: {  	[smem:$0x3FA6] =	sst s4  }
0xd: {  	[smem:$0x3FA7] =	sst s5  }
0xe: {  	[smem:$0x3FA8] =	sst s6  }
0xf: {  	[smem:$0x3FA9] =	sst s7  }
0x10: {  	[smem:$0x3FAA] =	sst s8  }
0x11: {  	[smem:$0x3FAB] =	sst s9;
	s0 =	simm.s32 @!p0 $0x0  }
0x12: {  	s1 =	sld [smem:$0x3F91];
	s0 =	simm.s32 @p0 $0x1  }
0x13: {  	[smem:$0x3FAC] =	sst s0;
	s0 =	simm.s32 @!p1 $0x0  }
0x14: {  	s2 =	sld [smem:$0x3F90];
	s0 =	simm.s32 @p1 $0x1  }
0x15: {  	[smem:$0x3FAD] =	sst s0;
	s0 =	simm.s32 @!p2 $0x0  }
0x16: {  	s3 =	sld [smem:$0x3FDB];
	s0 =	simm.s32 @p2 $0x1  }
0x17: {  	s4 =	simm.s32 $0x1BF5;
	[smem:$0x3FAF] =	sst s0  }
0x18: {  	s0 =	sld [smem:$0x3F92];
	_ =	swait.ge [sflag:s4], $0x0  }
0x19: {  	s7 =	sld [smem:$0x3F93]  }
0x1a: {  	s8 =	sadd.s32 $0xFFFFE003, lr  }
0x1b: {  	s9 =	sadd.s32 $0xFFFFFEF7, lr;
	s5 =	simm.s32 $0xFFFFFFFF;
	p2 =	slt.u32 s8, $0xFFFFF086  }
0x1c: {  	p1 =	slt.u32 s9, $0xF7A;
	s5 =	simm.s32 @!p2 $0x0  }
0x1d: {  	s5 =	simm.s32 @p1 $0x1;
	p0 =	seq.s32 s7, s2  }
0x1e: {  	s7 =	smul.u32 @!p0 $0xF7A, s2;
	p2 =	seq.s32 @!p0 s5, $0x0  }
0x1f: {  	s9 =	smul.u32 $0xF7A, s1;
	s8 =	simm.s32 @!p0 $0x1BF5;
	p2 =	por !p2, p0  }
0x20: {  	[sflag:s8] =	ssyncset.s32 @!p0 $0xFFFFF086;
	s6 =	sadd.s32 @!p0 s3, s7;
	s7 =	simm.s32 @!p0 $0x108  }
0x21: {  	s3 =	sadd.s32 s3, s9;
	s6 =	sadd.s32 @!p0 $0x88, s6;
	s7 =	simm.s32 @p2 $0x1082  }
0x22: {  	[simem:s7], [sflag:s8] =	dma.local @!p0 [hbm:s6], $0xF7A  }
0x23: {  	s9 =	sor.u32 $0xD0000000, s2;
	s6 =	simm.s32 $0x108;
	_ =	swait.ge @!p0 [sflag:s8], $0x0  }
0x24: {  	s3 =	sadd.s32 $0x88, s3;
	s6 =	simm.s32 @!p1 $0x1082;
	[sflag:s4] =	ssyncset.s32 $0xFFFFF086  }
0x25: {  	[simem:s6], [sflag:s4] =	dma.local [hbm:s3], $0xF7A  }
0x26: {  	[smem:$0x3F93] =	sst s1;
	(tag) =	ssettag s2;
	_ =	strace s9  }
0x27: {  	s1 =	sld [smem:$0x3FA3]  }
0x28: {  	s2 =	sld [smem:$0x3FA4]  }
0x29: {  	s4 =	sld [smem:$0x3FA6]  }
0x2a: {  	p0 =	seq.s32 s5, $0x0;
	s5 =	sld [smem:$0x3FA7]  }
0x2b: {  	s6 =	sld [smem:$0x3FA8]  }
0x2c: {  	s7 =	sld [smem:$0x3FA9]  }
0x2d: {  	s3 =	simm.s32 $0x108;
	s8 =	sld [smem:$0x3FAA]  }
0x2e: {  	s3 =	simm.s32 @!p0 $0x1082;
	s9 =	sld [smem:$0x3FAB]  }
0x2f: {  	lr =	sadd.s32 s0, s3;
	s0 =	sld [smem:$0x3FA2]  }
0x30: {  	s3 =	sld [smem:$0x3FA5]  }
0x31: {  	[smem:$0x3FAE] =	sst s10  }
0x32: {  	s10 =	sld [smem:$0x3FAC];
	_ =	sdelay $0x3  }
0x33: {  	p0 =	seq.s32 s10, $0x1;
	s10 =	sld [smem:$0x3FAE];
	_ =	sdelay $0x3  }
0x34: {  	[smem:$0x3FAE] =	sst s10  }
0x35: {  	s10 =	sld [smem:$0x3FAD];
	_ =	sdelay $0x3  }
0x36: {  	p1 =	seq.s32 s10, $0x1;
	s10 =	sld [smem:$0x3FAE];
	_ =	sdelay $0x3  }
0x37: {  	[smem:$0x3FAE] =	sst s10  }
0x38: {  	s10 =	sld [smem:$0x3FAF]  }
0x39: {  	_ = 	snop;
	(pc) =	sbr.ind lr, $3  }
0x3a: {  	_ = 	snop  }
0x3b: {  	_ = 	snop  }
0x3c: {  	p2 =	seq.s32 s10, $0x1;
	s10 =	sld [smem:$0x3FAE]  }
0x3d: {  	_ =	shalt  }
0x3e: {  	_ =	shalt  }
0x3f: {  	_ =	shalt  }
0x40: {  	_ =	shalt  }
0x41: {  	_ =	shalt  }
0x42: {  	_ =	shalt  }
0x43: {  	_ =	shalt  }
0x44: {  	_ =	shalt  }
0x45: {  	_ =	shalt  }
0x46: {  	_ =	shalt  }
0x47: {  	_ =	shalt  }
0x48: {  	_ =	shalt  }
0x49: {  	_ =	shalt  }
0x4a: {  	_ =	shalt  }
0x4b: {  	_ =	shalt  }
0x4c: {  	_ =	shalt  }
0x4d: {  	_ =	shalt  }
0x4e: {  	_ =	shalt  }
0x4f: {  	_ =	shalt  }
0x50: {  	_ =	shalt  }
0x51: {  	_ =	shalt  }
0x52: {  	_ =	shalt  }
0x53: {  	_ =	shalt  }
0x54: {  	_ =	shalt  }
0x55: {  	_ =	shalt  }
0x56: {  	_ =	shalt  }
0x57: {  	_ =	shalt  }
0x58: {  	_ =	shalt  }
0x59: {  	_ =	shalt  }
0x5a: {  	_ =	shalt  }
0x5b: {  	_ =	shalt  }
0x5c: {  	_ =	shalt  }
0x5d: {  	_ =	shalt  }
0x5e: {  	_ =	shalt  }
0x5f: {  	_ =	shalt  }
0x60: {  	_ =	shalt  }
0x61: {  	_ =	shalt  }
0x62: {  	_ =	shalt  }
0x63: {  	_ =	shalt  }
0x64: {  	_ =	shalt  }
0x65: {  	_ =	shalt  }
0x66: {  	_ =	shalt  }
0x67: {  	_ =	shalt  }
0x68: {  	_ =	shalt  }
0x69: {  	_ =	shalt  }
0x6a: {  	_ =	shalt  }
0x6b: {  	_ =	shalt  }
0x6c: {  	_ =	shalt  }
0x6d: {  	_ =	shalt  }
0x6e: {  	_ =	shalt  }
0x6f: {  	_ =	shalt  }
0x70: {  	_ =	shalt  }
0x71: {  	_ =	shalt  }
0x72: {  	_ =	shalt  }
0x73: {  	_ =	shalt  }
0x74: {  	_ =	shalt  }
0x75: {  	_ =	shalt  }
0x76: {  	_ =	shalt  }
0x77: {  	_ =	shalt  }
0x78: {  	_ =	shalt  }
0x79: {  	_ =	shalt  }
0x7a: {  	_ =	shalt  }
0x7b: {  	_ =	shalt  }
0x7c: {  	_ =	shalt  }
0x7d: {  	_ =	shalt  }
0x7e: {  	_ =	shalt  }
0x7f: {  	_ =	shalt  }
0x80: {  	_ =	shalt  }
0x81: {  	_ =	shalt  }
0x82: {  	_ =	shalt  }
0x83: {  	_ =	shalt  }
0x84: {  	_ =	shalt  }
0x85: {  	_ =	shalt  }
0x86: {  	_ =	shalt  }
0x87: {  	_ =	shalt  }
.Lfunc_end0:
.L_simem_size_0:
called_computation_lowered:
.L_overlay_start_0:
0x88: {  	s2 =	sld [smem:$0x3FD9]  }
0x89: {  	s3 =	sld [smem:$0x3FFE];
	_ =	sdelay $0x1  }
0x8a: {  	s1 =	srdreg.scid  }
0x8b: {  	s0 =	sand.u32 $0x1, s1  }
0x8c: {  	s16 =	sshll.u32 s0, $0xA;
	s2 =	sadd.s32 s3, s2  }
0x8d: {  	s2 =	sadd.s32 s2, s16  }
0x8e: {  	[smem:$0x3FBA] =	sst s2  }
0x8f: {  	_ = 	snop  }
0x90: {  	(tm) =	ssettm $0x1  }
0x91: {  	s17 =	sld [smem:$0x3FFB];
	_ =	sdelay $0x3  }
0x92: {  	_ =	strace s17  }
0x93: {  	s2 =	sld [smem:$0x3FFC];
	_ =	sdelay $0x3  }
0x94: {  	_ =	strace s2  }
0x95: {  	s2 =	sld [smem:$0x3FFD];
	_ =	sdelay $0x3  }
0x96: {  	_ =	strace s2  }
0x97: {  	_ =	strace $0x8FFFFFFF  }
0x98: {  	s18 =	sld [smem:$0x3FDB];
	_ =	sdelay $0x1  }
0x99: {  	s19 =	simm.s32 $_scs_section_size  }
0x9a: {  	s4 =	simm.s32 $_size__tile_overlayer_lowered;
	s5 =	simm.s32 $_tile_overlayer_lowered  }
0x9b: {  	s22 =	simm.s32 $0x1BFF;
	s21 =	sshll.u32 s5, $0x1;
	s2 =	sadd.s32 s19, s18  }
0x9c: {  	s6 =	simm.s32 $0x0;
	s20 =	sshll.u32 s4, $0x1;
	s4 =	sadd.s32 s21, s2  }
0x9d: {  	[timem:s6], [sflag:s22] =	dma.local [hbm:s4], s20  }
0x9e: {  	_ =	swait.ge [sflag:s22], s20  }
0x9f: {  	s3 =	ssub.s32 $0x0, s20;
	[sflag:s22] =	ssyncset.done $0x0  }
0xa0: {  	[sflag:s22] =	ssyncadd.s32 s3;
	_ =	sdelay $0x1  }
0xa1: {  	s23 =	simm.s32 $0x1B8B  }
0xa2: {  	_ =	swait.ge [sflag:s23], $0x1  }
0xa3: {  	[sflag:s23] =	ssyncset.done $0x0  }
0xa4: {  	s25 =	simm.s32 $0x1B8E;
	s24 =	sld [smem:$0x3FFE];
	[sflag:s23] =	ssyncadd.s32 $0xFFFFFFFF  }
0xa5: {  	s26 =	simm.s32 $execute0_lowered;
	[smem:$0x3FD2] =	sst s25  }
0xa6: {  	s4 =	sshll.u32 s26, $0x1;
	_ =	strace $0x80000046;
	[dreg:$0x1] =	wrdreg $0xFFFFFFFF  }
0xa7: {  	s28 =	simm.s32 $_size_execute0_lowered;
	s2 =	sadd.s32 s2, s4;
	[dreg:$0x0] =	wrdreg $0x0  }
0xa8: {  	s4 =	sshll.u32 s28, $0x1;
	[dreg:$0x2] =	wrdreg s2  }
0xa9: {  	[dreg:$0x3] =	wrdreg s4  }
0xaa: {  	[dreg:$0x4] =	wrdreg $0xC0  }
0xab: {  	_ =	task [dreg:s6], $0x5FFFF  }
0xac: {  	[dreg:$0x1] =	wrdreg $0xFFFFFFFF  }
0xad: {  	[dreg:$0x0] =	wrdreg $0x60  }
0xae: {  	[dreg:$0x2] =	wrdreg s24  }
0xaf: {  	[dreg:$0x3] =	wrdreg $0x54100  }
0xb0: {  	[dreg:$0x4] =	wrdreg $0x9  }
0xb1: {  	_ =	task.clear_ibuf [dreg:s6], $0x5FFFF;
	_ =	strace $0x90000046  }
0xb2: {  	s29 =	simm.s32 $0x9;
	_ =	strace $0x80000048  }
0xb3: {  	_ =	swait.ge [sflag:s29], $0x1  }
0xb4: {  	[sflag:s29] =	ssyncadd.s32 $0xFFFFFFFF  }
0xb5: {  	_ =	strace $0x90000048  }
0xb6: {  	_ =	sfence  }
0xb7: {  	s30 =	sld [smem:$0x0];
	_ =	sdelay $0x2  }
0xb8: {  	s31 =	sshll.u32 s1, $0xD;
	s1 =	sshrl.u32 s1, $0x2  }
0xb9: {  	s3 =	sand.u32 $0x4000, s31;
	s1 =	sadd.s32 s1, s30  }
0xba: {  	s0 =	sor.u32 s3, s0;
	s1 =	sshll.u32 s1, $0x11  }
0xbb: {  	s0 =	sor.u32 s1, s0  }
0xbc: {  	s0 =	sadd.s32 $0x8F2B, s0  }
0xbd: {  	[sflag:s0] =	ssyncadd.remote.s32 $0x1  }
0xbe: {  	_ =	sfence.sel $0xFFFF  }
0xbf: {  	[dreg:$0x0] =	wrdreg $0xFFFFFFFF;
	(pc) =	sbr.abs _section_cstart, $3  }
0xc0: {  	[dreg:$0x1] =	wrdreg $0xFFFFFFFF  }
0xc1: {  	_ =	task.clear_ibuf [dreg:s6], $0x2FFFF;
	_ =	strace $0x9FFFFFFF  }
0xc2: {  	(tm) =	ssettm $0x7FFFFFFF  }
0xc3: {  	_ =	shalt  }
tec
execute0_lowered:
.L_overlay_start_1:
0x0: {  	(tag) =	ssettag $0x1  }
0x1: {  	s0 =	srdreg.scid;
	s4 =	rddreg [dreg:$0x0]  }
0x2: {  	s11 =	stileid.u32;
	s1 =	rddreg [dreg:$0x1];
	s2 =	simm.s32 $0x0  }
0x3: {  	s9 =	simm.s32 $0x2;
	s10 =	simm.s32 $0x50;
	s13 =	simm.s32 $0x0  }
0x4: {  	s3 =	sand.u32 $0x1, s0;
	[smem:$0x7FF] =	sst s2;
	s7 =	smul.u32 $0xA000, s11  }
0x5: {  	p0 =	sne.s32 s11, $0x0;
	s0 =	sshll.u32 s3, $0x4;
	s6 =	smul.u32 $0x4E20, s3  }
0x6: {  	s3 =	ssub.s32 $0x2, s3;
	s12 =	sshrl.u32 @!p0 s1, $0x3;
	s0 =	sor.u32 s11, s0  }
0x7: {  	s8 =	sshrl.u32 s3, $0x1;
	s31 =	sshrl.u32 s7, $0x2;
	s5 =	smul.u32 $0x4E2, s0  }
0x8: {  	s7 =	simm.s32 $0x1;
	s11 =	simm.s32 $0x2710;
	s0 =	rddreg [dreg:$0x2]  }
0x9: {  	_ =	strace $0x80000047;
	s6 =	sadd.s32 s6, s4;
	s5 =	sadd.s32 s5, s4  }
0xa: {  	s8 =	ssub.s32 s3, s8;
	s4 =	sadd.s32 s31, s1;
	s3 =	sadd.s32 $0xD800, s5  }
0xb: {  	v0 =	vimm.f32 $1.000000000e+00;
	v1 =	vimm.f32 $0.0e+00;
	s5 =	sadd.s32 $0x17600, s6;
	s6 =	smax.u32 s8, $0x1;
	s8 =	simm.s32 $0x2C10  }
.LBB2_1:
0xc: {  	[tilespmem:s2], [sflag:$0x1] =	stream.linear.gather [hbm4b:s3+s2], $0x2710, $0x38;
	[tilespmem:$0x7C10] =	vst v63  }
0xd: {  	s14 =	simm.s32 $0x0  }
.LBB2_2:
0xe: {  	p1 =	sne.s32 s14, $0x13C0  }
.Ltmp0:
0xf: {  	_ = 	snop;
	(pc) =	sbr.rel @p1 .LBB2_2-.Ltmp0, $3  }
0x10: {  	_ =	sdelay $0x1  }
0x11: {  	s15 =	sshra.s32 s14, $0x2  }
0x12: {  	s14 =	sadd.s32 $0x40, s14;
	[tilespmem:s15+$0x2710] =	vst v0  }
0x13: {  	s14 =	simm.s32 $0x40;
	s15 =	simm.s32 $0x0  }
.LBB2_4:
0x14: {  	p1 =	sne.s32 s14, $0x9FC0;
	[tilespmem:s15+$0x2C10] =	vst v1;
	s15 =	smov.u32 s14;
	s14 =	sadd.s32 $0x40, s14  }
.Ltmp1:
0x15: {  	(pc) =	sbr.rel @p1 .LBB2_4-.Ltmp1, $2  }
0x16: {  	_ =	sdelay $0x2  }
0x17: {  	s15 =	sshra.s32 s15, $0x2  }
0x18: {  	[tilespmem:s15+$0x2C10] =	vst v1  }
0x19: {  	_ =	swait.ge [sflag:s7], $0x2710  }
0x1a: {  	[sflag:s7] =	ssyncset.done $0x0  }
0x1b: {  	[sflag:s7] =	ssyncadd.s32 $0xFFFFD8F0  }
0x1c: {  	[spmem:s4] =	stream.linear.scatter [tilespmem:s8], [sflag:$0x2], $0x2800, $0x38;
	[tilespmem:$0x7C10] =	vst v63  }
0x1d: {  	_ =	swait.ge [sflag:s9], $0x2800  }
0x1e: {  	[sflag:s9] =	ssyncset.done $0x0  }
0x1f: {  	[sflag:s9] =	ssyncadd.s32 $0xFFFFD800  }
0x20: {  	s14 =	simm.s32 $0x0;
	[bflag:$0x0] =	sbarrier.arrive $0xFFFF  }
0x21: {  	[spmem:s1] =	stream.indirect.scatter.add.f32 [tilespmem:s11], [sflag:$0x2], $0x10, s14, s10, $0xb8;
	[tilespmem:$0x7C10] =	vst v63  }
0x22: {  	_ =	swait.ge [sflag:s9], $0x500  }
0x23: {  	s14 =	simm.s32 $0x140;
	[sflag:s9] =	ssyncset.done $0x0  }
.LBB2_6:
0x24: {  	s15 =	sshra.s32 s14, $0x2;
	[sflag:s9] =	ssyncadd.s32 $0xFFFFFB00;
	p1 =	sne.s32 s14, $0x9B00  }
0x25: {  	[spmem:s1] =	stream.indirect.scatter.add.f32 [tilespmem:s11], [sflag:$0x2], $0x10, s15, s10, $0xb8;
	[tilespmem:$0x7C10] =	vst v63  }
.Ltmp2:
0x26: {  	_ = 	snop;
	(pc) =	sbr.rel @p1 .LBB2_6-.Ltmp2, $4  }
0x27: {  	_ = 	snop  }
0x28: {  	s14 =	sadd.s32 $0x140, s14  }
0x29: {  	_ =	swait.ge [sflag:s9], $0x500  }
0x2a: {  	[sflag:s9] =	ssyncset.done $0x0  }
0x2b: {  	[sflag:s9] =	ssyncadd.s32 $0xFFFFFB00;
	s13 =	sadd.s32 $0x1, s13  }
0x2c: {  	s14 =	simm.s32 @!p0 $0x1C02;
	[bflag:$0x0] =	sbarrier.arrive $0xFFFF;
	p1 =	sne.s32 s13, s6  }
0x2d: {  	[hbm:s5], [sflag:s14] =	dma.local @!p0 [spmem:s12], $0x4E20  }
.Ltmp3:
0x2e: {  	_ = 	snop;
	(pc) =	sbr.rel @p1 .LBB2_1-.Ltmp3, $4  }
0x2f: {  	s14 =	simm.s32 @!p0 $0x2  }
0x30: {  	_ =	swait.ge @!p0 [sflag:s14], $0x4E20  }
0x31: {  	[sflag:s14] =	ssyncset.done @!p0 $0x0  }
0x32: {  	[sflag:s14] =	ssyncadd.s32 @!p0 $0xFFFFB1E0  }
0x33: {  	_ =	sfence.sel $0x180000  }
0x34: {  	[bflag:$0x0] =	sbarrier.arrive $0xFFFF  }
0x35: {  	_ =	strace $0x90000047  }
0x36: {  	s0 =	sadd.s32 @!p0 $0x100000, s0;
	[bflag:$0x2] =	sbarrier.arrive $0xFFFF  }
0x37: {  	[sflag:s0] =	ssyncadd.tile.s32 @!p0 $0x1;
	_ =	shalt  }
.Lfunc_end2:
_tile_overlayer_lowered:
.L_overlay_start_2:
0x38: {  	(tag) =	ssettag $0x2  }
0x39: {  	s0 =	rddreg [dreg:$0x0];
	s2 =	stileid.u32  }
0x3a: {  	s1 =	rddreg [dreg:$0x1];
	p0 =	sne.s32 s2, $0x0  }
0x3b: {  	s3 =	rddreg [dreg:$0x2];
	[bflag:$0x3] =	sbarrier.arrive $0xFFFF;
	s2 =	simm.s32 @!p0 $0x1C02  }
0x3c: {  	[timem:s3], [sflag:s2] =	dma.local @!p0 [hbm:s0], s1  }
0x3d: {  	s0 =	simm.s32 @!p0 $0x2  }
0x3e: {  	_ =	swait.ge @!p0 [sflag:s0], s1  }
0x3f: {  	s1 =	ssub.s32 @!p0 $0x0, s1;
	[sflag:s0] =	ssyncset.done @!p0 $0x0  }
0x40: {  	[sflag:s0] =	ssyncadd.s32 @!p0 s1  }
0x41: {  	[bflag:$0x3] =	sbarrier.arrive $0xFFFF  }
0x42: {  	_ =	shalt  }

// kernel: kernel.15.cloned.1.call-start
scs
__scs_entry_jumppad:
0x0: {  	(pc) =	sbr.rel $0x88, $3  }
0x1: {  	(tag) =	ssettag $0x0;
	lr =	simm.s32 $0x1  }
0x2: {  	[smem:$0x3F93] =	sst lr;
	_ =	strace $0xD0000000  }
0x3: {  	_ = 	snop  }
0x4: {  	_ = 	snop  }
0x5: {  	_ = 	snop  }
0x6: {  	_ = 	snop  }
0x7: {  	_ = 	snop  }
__scs_overlays_trampoline_lowered:
0x8: {  	[smem:$0x3FA2] =	sst s0  }
0x9: {  	[smem:$0x3FA3] =	sst s1  }
0xa: {  	[smem:$0x3FA4] =	sst s2  }
0xb: {  	[smem:$0x3FA5] =	sst s3  }
0xc: {  	[smem:$0x3FA6] =	sst s4  }
0xd: {  	[smem:$0x3FA7] =	sst s5  }
0xe: {  	[smem:$0x3FA8] =	sst s6  }
0xf: {  	[smem:$0x3FA9] =	sst s7  }
0x10: {  	[smem:$0x3FAA] =	sst s8  }
0x11: {  	[smem:$0x3FAB] =	sst s9;
	s0 =	simm.s32 @!p0 $0x0  }
0x12: {  	s1 =	sld [smem:$0x3F91];
	s0 =	simm.s32 @p0 $0x1  }
0x13: {  	[smem:$0x3FAC] =	sst s0;
	s0 =	simm.s32 @!p1 $0x0  }
0x14: {  	s2 =	sld [smem:$0x3F90];
	s0 =	simm.s32 @p1 $0x1  }
0x15: {  	[smem:$0x3FAD] =	sst s0;
	s0 =	simm.s32 @!p2 $0x0  }
0x16: {  	s3 =	sld [smem:$0x3FDB];
	s0 =	simm.s32 @p2 $0x1  }
0x17: {  	s4 =	simm.s32 $0x1BF5;
	[smem:$0x3FAF] =	sst s0  }
0x18: {  	s0 =	sld [smem:$0x3F92];
	_ =	swait.ge [sflag:s4], $0x0  }
0x19: {  	s7 =	sld [smem:$0x3F93]  }
0x1a: {  	s8 =	sadd.s32 $0xFFFFE003, lr  }
0x1b: {  	s9 =	sadd.s32 $0xFFFFFEF7, lr;
	s5 =	simm.s32 $0xFFFFFFFF;
	p2 =	slt.u32 s8, $0xFFFFF086  }
0x1c: {  	p1 =	slt.u32 s9, $0xF7A;
	s5 =	simm.s32 @!p2 $0x0  }
0x1d: {  	s5 =	simm.s32 @p1 $0x1;
	p0 =	seq.s32 s7, s2  }
0x1e: {  	s7 =	smul.u32 @!p0 $0xF7A, s2;
	p2 =	seq.s32 @!p0 s5, $0x0  }
0x1f: {  	s9 =	smul.u32 $0xF7A, s1;
	s8 =	simm.s32 @!p0 $0x1BF5;
	p2 =	por !p2, p0  }
0x20: {  	[sflag:s8] =	ssyncset.s32 @!p0 $0xFFFFF086;
	s6 =	sadd.s32 @!p0 s3, s7;
	s7 =	simm.s32 @!p0 $0x108  }
0x21: {  	s3 =	sadd.s32 s3, s9;
	s6 =	sadd.s32 @!p0 $0x88, s6;
	s7 =	simm.s32 @p2 $0x1082  }
0x22: {  	[simem:s7], [sflag:s8] =	dma.local @!p0 [hbm:s6], $0xF7A  }
0x23: {  	s9 =	sor.u32 $0xD0000000, s2;
	s6 =	simm.s32 $0x108;
	_ =	swait.ge @!p0 [sflag:s8], $0x0  }
0x24: {  	s3 =	sadd.s32 $0x88, s3;
	s6 =	simm.s32 @!p1 $0x1082;
	[sflag:s4] =	ssyncset.s32 $0xFFFFF086  }
0x25: {  	[simem:s6], [sflag:s4] =	dma.local [hbm:s3], $0xF7A  }
0x26: {  	[smem:$0x3F93] =	sst s1;
	(tag) =	ssettag s2;
	_ =	strace s9  }
0x27: {  	s1 =	sld [smem:$0x3FA3]  }
0x28: {  	s2 =	sld [smem:$0x3FA4]  }
0x29: {  	s4 =	sld [smem:$0x3FA6]  }
0x2a: {  	p0 =	seq.s32 s5, $0x0;
	s5 =	sld [smem:$0x3FA7]  }
0x2b: {  	s6 =	sld [smem:$0x3FA8]  }
0x2c: {  	s7 =	sld [smem:$0x3FA9]  }
0x2d: {  	s3 =	simm.s32 $0x108;
	s8 =	sld [smem:$0x3FAA]  }
0x2e: {  	s3 =	simm.s32 @!p0 $0x1082;
	s9 =	sld [smem:$0x3FAB]  }
0x2f: {  	lr =	sadd.s32 s0, s3;
	s0 =	sld [smem:$0x3FA2]  }
0x30: {  	s3 =	sld [smem:$0x3FA5]  }
0x31: {  	[smem:$0x3FAE] =	sst s10  }
0x32: {  	s10 =	sld [smem:$0x3FAC];
	_ =	sdelay $0x3  }
0x33: {  	p0 =	seq.s32 s10, $0x1;
	s10 =	sld [smem:$0x3FAE];
	_ =	sdelay $0x3  }
0x34: {  	[smem:$0x3FAE] =	sst s10  }
0x35: {  	s10 =	sld [smem:$0x3FAD];
	_ =	sdelay $0x3  }
0x36: {  	p1 =	seq.s32 s10, $0x1;
	s10 =	sld [smem:$0x3FAE];
	_ =	sdelay $0x3  }
0x37: {  	[smem:$0x3FAE] =	sst s10  }
0x38: {  	s10 =	sld [smem:$0x3FAF]  }
0x39: {  	_ = 	snop;
	(pc) =	sbr.ind lr, $3  }
0x3a: {  	_ = 	snop  }
0x3b: {  	_ = 	snop  }
0x3c: {  	p2 =	seq.s32 s10, $0x1;
	s10 =	sld [smem:$0x3FAE]  }
0x3d: {  	_ =	shalt  }
0x3e: {  	_ =	shalt  }
0x3f: {  	_ =	shalt  }
0x40: {  	_ =	shalt  }
0x41: {  	_ =	shalt  }
0x42: {  	_ =	shalt  }
0x43: {  	_ =	shalt  }
0x44: {  	_ =	shalt  }
0x45: {  	_ =	shalt  }
0x46: {  	_ =	shalt  }
0x47: {  	_ =	shalt  }
0x48: {  	_ =	shalt  }
0x49: {  	_ =	shalt  }
0x4a: {  	_ =	shalt  }
0x4b: {  	_ =	shalt  }
0x4c: {  	_ =	shalt  }
0x4d: {  	_ =	shalt  }
0x4e: {  	_ =	shalt  }
0x4f: {  	_ =	shalt  }
0x50: {  	_ =	shalt  }
0x51: {  	_ =	shalt  }
0x52: {  	_ =	shalt  }
0x53: {  	_ =	shalt  }
0x54: {  	_ =	shalt  }
0x55: {  	_ =	shalt  }
0x56: {  	_ =	shalt  }
0x57: {  	_ =	shalt  }
0x58: {  	_ =	shalt  }
0x59: {  	_ =	shalt  }
0x5a: {  	_ =	shalt  }
0x5b: {  	_ =	shalt  }
0x5c: {  	_ =	shalt  }
0x5d: {  	_ =	shalt  }
0x5e: {  	_ =	shalt  }
0x5f: {  	_ =	shalt  }
0x60: {  	_ =	shalt  }
0x61: {  	_ =	shalt  }
0x62: {  	_ =	shalt  }
0x63: {  	_ =	shalt  }
0x64: {  	_ =	shalt  }
0x65: {  	_ =	shalt  }
0x66: {  	_ =	shalt  }
0x67: {  	_ =	shalt  }
0x68: {  	_ =	shalt  }
0x69: {  	_ =	shalt  }
0x6a: {  	_ =	shalt  }
0x6b: {  	_ =	shalt  }
0x6c: {  	_ =	shalt  }
0x6d: {  	_ =	shalt  }
0x6e: {  	_ =	shalt  }
0x6f: {  	_ =	shalt  }
0x70: {  	_ =	shalt  }
0x71: {  	_ =	shalt  }
0x72: {  	_ =	shalt  }
0x73: {  	_ =	shalt  }
0x74: {  	_ =	shalt  }
0x75: {  	_ =	shalt  }
0x76: {  	_ =	shalt  }
0x77: {  	_ =	shalt  }
0x78: {  	_ =	shalt  }
0x79: {  	_ =	shalt  }
0x7a: {  	_ =	shalt  }
0x7b: {  	_ =	shalt  }
0x7c: {  	_ =	shalt  }
0x7d: {  	_ =	shalt  }
0x7e: {  	_ =	shalt  }
0x7f: {  	_ =	shalt  }
0x80: {  	_ =	shalt  }
0x81: {  	_ =	shalt  }
0x82: {  	_ =	shalt  }
0x83: {  	_ =	shalt  }
0x84: {  	_ =	shalt  }
0x85: {  	_ =	shalt  }
0x86: {  	_ =	shalt  }
0x87: {  	_ =	shalt  }
.Lfunc_end0:
.L_simem_size_0:
called_computation.1_lowered:
.L_overlay_start_0:
0x88: {  	s2 =	sld [smem:$0x3FD9]  }
0x89: {  	s3 =	sld [smem:$0x3FFE];
	_ =	sdelay $0x1  }
0x8a: {  	s1 =	srdreg.scid  }
0x8b: {  	s0 =	sand.u32 $0x1, s1  }
0x8c: {  	s16 =	sshll.u32 s0, $0xA;
	s2 =	sadd.s32 s3, s2  }
0x8d: {  	s2 =	sadd.s32 s2, s16  }
0x8e: {  	[smem:$0x3FBA] =	sst s2  }
0x8f: {  	_ = 	snop  }
0x90: {  	(tm) =	ssettm $0x1  }
0x91: {  	s17 =	sld [smem:$0x3FFB];
	_ =	sdelay $0x3  }
0x92: {  	_ =	strace s17  }
0x93: {  	s2 =	sld [smem:$0x3FFC];
	_ =	sdelay $0x3  }
0x94: {  	_ =	strace s2  }
0x95: {  	s2 =	sld [smem:$0x3FFD];
	_ =	sdelay $0x3  }
0x96: {  	_ =	strace s2  }
0x97: {  	_ =	strace $0x8FFFFFFF  }
0x98: {  	s18 =	sld [smem:$0x3FDB];
	_ =	sdelay $0x1  }
0x99: {  	s19 =	simm.s32 $_scs_section_size  }
0x9a: {  	s4 =	simm.s32 $_size__tile_overlayer_lowered;
	s5 =	simm.s32 $_tile_overlayer_lowered  }
0x9b: {  	s22 =	simm.s32 $0x1BFF;
	s21 =	sshll.u32 s5, $0x1;
	s2 =	sadd.s32 s19, s18  }
0x9c: {  	s6 =	simm.s32 $0x0;
	s20 =	sshll.u32 s4, $0x1;
	s4 =	sadd.s32 s21, s2  }
0x9d: {  	[timem:s6], [sflag:s22] =	dma.local [hbm:s4], s20  }
0x9e: {  	_ =	swait.ge [sflag:s22], s20  }
0x9f: {  	s3 =	ssub.s32 $0x0, s20;
	[sflag:s22] =	ssyncset.done $0x0  }
0xa0: {  	[sflag:s22] =	ssyncadd.s32 s3;
	_ =	sdelay $0x1  }
0xa1: {  	s23 =	simm.s32 $0x1B8B  }
0xa2: {  	_ =	swait.ge [sflag:s23], $0x1  }
0xa3: {  	[sflag:s23] =	ssyncset.done $0x0  }
0xa4: {  	s25 =	simm.s32 $0x1B8E;
	s24 =	sld [smem:$0x3FFE];
	[sflag:s23] =	ssyncadd.s32 $0xFFFFFFFF  }
0xa5: {  	s26 =	simm.s32 $execute0_lowered;
	[smem:$0x3FD2] =	sst s25  }
0xa6: {  	s4 =	sshll.u32 s26, $0x1;
	_ =	strace $0x80000049;
	[dreg:$0x1] =	wrdreg $0xFFFFFFFF  }
0xa7: {  	s28 =	simm.s32 $_size_execute0_lowered;
	s2 =	sadd.s32 s2, s4;
	[dreg:$0x0] =	wrdreg $0x0  }
0xa8: {  	s4 =	sshll.u32 s28, $0x1;
	[dreg:$0x2] =	wrdreg s2  }
0xa9: {  	[dreg:$0x3] =	wrdreg s4  }
0xaa: {  	[dreg:$0x4] =	wrdreg $0xC0  }
0xab: {  	_ =	task [dreg:s6], $0x5FFFF  }
0xac: {  	[dreg:$0x1] =	wrdreg $0xFFFFFFFF  }
0xad: {  	[dreg:$0x0] =	wrdreg $0x60  }
0xae: {  	[dreg:$0x2] =	wrdreg s24  }
0xaf: {  	[dreg:$0x3] =	wrdreg $0xAE200  }
0xb0: {  	[dreg:$0x4] =	wrdreg $0x9  }
0xb1: {  	_ =	task.clear_ibuf [dreg:s6], $0x5FFFF;
	_ =	strace $0x90000049  }
0xb2: {  	s29 =	simm.s32 $0x9;
	_ =	strace $0x8000004B  }
0xb3: {  	_ =	swait.ge [sflag:s29], $0x1  }
0xb4: {  	[sflag:s29] =	ssyncadd.s32 $0xFFFFFFFF  }
0xb5: {  	_ =	strace $0x9000004B  }
0xb6: {  	_ =	sfence  }
0xb7: {  	s30 =	sld [smem:$0x0];
	_ =	sdelay $0x2  }
0xb8: {  	s31 =	sshll.u32 s1, $0xD;
	s1 =	sshrl.u32 s1, $0x2  }
0xb9: {  	s3 =	sand.u32 $0x4000, s31;
	s1 =	sadd.s32 s1, s30  }
0xba: {  	s0 =	sor.u32 s3, s0;
	s1 =	sshll.u32 s1, $0x11  }
0xbb: {  	s0 =	sor.u32 s1, s0  }
0xbc: {  	s0 =	sadd.s32 $0x8F2B, s0  }
0xbd: {  	[sflag:s0] =	ssyncadd.remote.s32 $0x1  }
0xbe: {  	_ =	sfence.sel $0xFFFF  }
0xbf: {  	[dreg:$0x0] =	wrdreg $0xFFFFFFFF;
	(pc) =	sbr.abs _section_cstart, $3  }
0xc0: {  	[dreg:$0x1] =	wrdreg $0xFFFFFFFF  }
0xc1: {  	_ =	task.clear_ibuf [dreg:s6], $0x2FFFF;
	_ =	strace $0x9FFFFFFF  }
0xc2: {  	(tm) =	ssettm $0x7FFFFFFF  }
0xc3: {  	_ =	shalt  }
tec
execute0_lowered:
.L_overlay_start_1:
0x0: {  	(tag) =	ssettag $0x1  }
0x1: {  	s0 =	srdreg.scid;
	s2 =	rddreg [dreg:$0x0]  }
0x2: {  	s1 =	rddreg [dreg:$0x1];
	s4 =	stileid.u32;
	s5 =	simm.s32 $0x0  }
0x3: {  	s30 =	simm.s32 $0x1;
	s31 =	simm.s32 $0x2;
	s29 =	simm.s32 $0x50  }
0x4: {  	s0 =	sand.u32 $0x1, s0;
	[smem:$0x7FF] =	sst s5;
	s8 =	smul.u32 $0x50000, s4  }
0x5: {  	p0 =	sne.s32 s4, $0x0;
	s3 =	sshll.u32 s0, $0x4;
	_ =	strace $0x8000004A  }
0x6: {  	s6 =	smul.u32 $0x27100, s0;
	s0 =	ssub.s32 $0x2, s0;
	s3 =	sor.u32 s4, s3  }
0x7: {  	s7 =	sshrl.u32 s0, $0x1;
	s24 =	sshrl.u32 s8, $0x2;
	s22 =	smul.u32 $0x4E2, s3  }
0x8: {  	s4 =	simm.s32 $0x7620;
	s3 =	sadd.s32 $0x21400, s2;
	s0 =	ssub.s32 s0, s7  }
0x9: {  	s7 =	simm.s32 $0x0;
	s0 =	smax.u32 s0, $0x1;
	s5 =	sadd.s32 s22, s2  }
0xa: {  	s2 =	sadd.s32 s6, s2;
	s6 =	sadd.s32 s24, s1;
	[dreg:$0x6] =	wrdreg s0  }
0xb: {  	s0 =	simm.s32 $0x9E20;
	s23 =	sadd.s32 $0x3A00, s5;
	s5 =	sadd.s32 $0xD800, s5  }
0xc: {  	s2 =	sadd.s32 $0x96800, s2;
	s25 =	sadd.s32 $0x1000, s6;
	s26 =	sadd.s32 $0x2000, s6  }
0xd: {  	s11 =	sadd.s32 $0x3000, s6;
	s12 =	sadd.s32 $0x4000, s6;
	s13 =	sadd.s32 $0x5000, s6  }
0xe: {  	s14 =	sadd.s32 $0x6000, s6;
	s15 =	sadd.s32 $0x7000, s6;
	s16 =	sadd.s32 $0x8000, s6  }
0xf: {  	s17 =	sadd.s32 $0x9000, s6;
	s18 =	sadd.s32 $0xA000, s6;
	[dreg:$0x3] =	wrdreg s23  }
0x10: {  	s19 =	sadd.s32 $0xB000, s6;
	s20 =	sadd.s32 $0xC000, s6;
	[dreg:$0x4] =	wrdreg s5  }
0x11: {  	s21 =	sadd.s32 $0xD000, s6;
	s22 =	sadd.s32 $0xE000, s6;
	[dreg:$0x5] =	wrdreg s2  }
0x12: {  	s24 =	sadd.s32 $0x10000, s6;
	s28 =	sadd.s32 $0x13000, s6;
	[dreg:$0x7] =	wrdreg s25  }
0x13: {  	[dreg:$0x8] =	wrdreg s26;
	s23 =	sadd.s32 $0xF000, s6;
	s25 =	sadd.s32 $0x11000, s6  }
0x14: {  	v0 =	vimm.f32 $0.0e+00;
	s26 =	sadd.s32 $0x12000, s6;
	s2 =	simm.s32 $0x4E20;
	s5 =	simm.s32 $0x3  }
.LBB2_1:
0x15: {  	s8 =	simm.s32 $0x0;
	s9 =	rddreg [dreg:$0x3]  }
0x16: {  	[tilespmem:s8], [sflag:$0x1] =	stream.linear.gather [hbm4b:s9+s8], $0x2710, $0x38;
	[tilespmem:$0x1EE20] =	vst v63  }
0x17: {  	s10 =	simm.s32 $0x2710;
	s9 =	rddreg [dreg:$0x4]  }
0x18: {  	[tilespmem:s10], [sflag:$0x2] =	stream.linear.gather [hbm4b:s9+s8], $0x2710, $0x38;
	[tilespmem:$0x1EE20] =	vst v63  }
0x19: {  	s8 =	simm.s32 $0x0;
	s9 =	simm.s32 $0x200  }
.LBB2_2:
0x1a: {  	p1 =	sne.s32 s9, $0x3E00;
	[tilespmem:s8+$0x9E90] =	vst v0  }
0x1b: {  	[tilespmem:s8+$0x9E20] =	vst v0  }
0x1c: {  	[tilespmem:s8+$0x9E30] =	vst v0  }
.Ltmp0:
0x1d: {  	[tilespmem:s8+$0x9E40] =	vst v0;
	(pc) =	sbr.rel @p1 .LBB2_2-.Ltmp0, $4  }
0x1e: {  	[tilespmem:s8+$0x9E50] =	vst v0  }
0x1f: {  	[tilespmem:s8+$0x9E60] =	vst v0  }
0x20: {  	[tilespmem:s8+$0x9E70] =	vst v0  }
0x21: {  	[tilespmem:s8+$0x9E80] =	vst v0;
	s8 =	sshra.s32 s9, $0x2;
	s9 =	sadd.s32 $0x200, s9  }
0x22: {  	[tilespmem:s8+$0x9E90] =	vst v0  }
0x23: {  	[tilespmem:s8+$0x9E20] =	vst v0  }
0x24: {  	[tilespmem:s8+$0x9E30] =	vst v0  }
0x25: {  	[tilespmem:s8+$0x9E40] =	vst v0  }
0x26: {  	[tilespmem:s8+$0x9E50] =	vst v0  }
0x27: {  	[tilespmem:s8+$0x9E60] =	vst v0  }
0x28: {  	[tilespmem:s8+$0x9E70] =	vst v0  }
0x29: {  	[tilespmem:s8+$0x9E80] =	vst v0  }
0x2a: {  	_ =	swait.ge [sflag:s30], $0x2710  }
0x2b: {  	[sflag:s30] =	ssyncset.done $0x0  }
0x2c: {  	[sflag:s30] =	ssyncadd.s32 $0xFFFFD8F0  }
0x2d: {  	_ =	swait.ge [sflag:s31], $0x2710  }
0x2e: {  	[sflag:s31] =	ssyncset.done $0x0  }
0x2f: {  	[sflag:s31] =	ssyncadd.s32 $0xFFFFD8F0  }
0x30: {  	[spmem:s6] =	stream.linear.scatter [tilespmem:s0], [sflag:$0x1], $0x1000, $0x38;
	[tilespmem:$0x1EE20] =	vst v63  }
0x31: {  	s9 =	rddreg [dreg:$0x7]  }
0x32: {  	[spmem:s9] =	stream.linear.scatter [tilespmem:s0], [sflag:$0x1], $0x1000, $0x38;
	[tilespmem:$0x1EE20] =	vst v63  }
0x33: {  	s10 =	rddreg [dreg:$0x8]  }
0x34: {  	[spmem:s10] =	stream.linear.scatter [tilespmem:s0], [sflag:$0x1], $0x1000, $0x38;
	[tilespmem:$0x1EE20] =	vst v63  }
0x35: {  	_ = 	snop  }
0x36: {  	[spmem:s11] =	stream.linear.scatter [tilespmem:s0], [sflag:$0x1], $0x1000, $0x38;
	[tilespmem:$0x1EE20] =	vst v63  }
0x37: {  	_ = 	snop  }
0x38: {  	[spmem:s12] =	stream.linear.scatter [tilespmem:s0], [sflag:$0x1], $0x1000, $0x38;
	[tilespmem:$0x1EE20] =	vst v63  }
0x39: {  	_ = 	snop  }
0x3a: {  	[spmem:s13] =	stream.linear.scatter [tilespmem:s0], [sflag:$0x1], $0x1000, $0x38;
	[tilespmem:$0x1EE20] =	vst v63  }
0x3b: {  	_ = 	snop  }
0x3c: {  	[spmem:s14] =	stream.linear.scatter [tilespmem:s0], [sflag:$0x1], $0x1000, $0x38;
	[tilespmem:$0x1EE20] =	vst v63  }
0x3d: {  	_ = 	snop  }
0x3e: {  	[spmem:s15] =	stream.linear.scatter [tilespmem:s0], [sflag:$0x1], $0x1000, $0x38;
	[tilespmem:$0x1EE20] =	vst v63  }
0x3f: {  	_ = 	snop  }
0x40: {  	[spmem:s16] =	stream.linear.scatter [tilespmem:s0], [sflag:$0x1], $0x1000, $0x38;
	[tilespmem:$0x1EE20] =	vst v63  }
0x41: {  	_ = 	snop  }
0x42: {  	[spmem:s17] =	stream.linear.scatter [tilespmem:s0], [sflag:$0x1], $0x1000, $0x38;
	[tilespmem:$0x1EE20] =	vst v63  }
0x43: {  	_ = 	snop  }
0x44: {  	[spmem:s18] =	stream.linear.scatter [tilespmem:s0], [sflag:$0x1], $0x1000, $0x38;
	[tilespmem:$0x1EE20] =	vst v63  }
0x45: {  	_ = 	snop  }
0x46: {  	[spmem:s19] =	stream.linear.scatter [tilespmem:s0], [sflag:$0x1], $0x1000, $0x38;
	[tilespmem:$0x1EE20] =	vst v63  }
0x47: {  	_ = 	snop  }
0x48: {  	[spmem:s20] =	stream.linear.scatter [tilespmem:s0], [sflag:$0x1], $0x1000, $0x38;
	[tilespmem:$0x1EE20] =	vst v63  }
0x49: {  	_ = 	snop  }
0x4a: {  	[spmem:s21] =	stream.linear.scatter [tilespmem:s0], [sflag:$0x1], $0x1000, $0x38;
	[tilespmem:$0x1EE20] =	vst v63  }
0x4b: {  	_ = 	snop  }
0x4c: {  	[spmem:s22] =	stream.linear.scatter [tilespmem:s0], [sflag:$0x1], $0x1000, $0x38;
	[tilespmem:$0x1EE20] =	vst v63  }
0x4d: {  	_ = 	snop  }
0x4e: {  	[spmem:s23] =	stream.linear.scatter [tilespmem:s0], [sflag:$0x1], $0x1000, $0x38;
	[tilespmem:$0x1EE20] =	vst v63  }
0x4f: {  	_ = 	snop  }
0x50: {  	[spmem:s24] =	stream.linear.scatter [tilespmem:s0], [sflag:$0x1], $0x1000, $0x38;
	[tilespmem:$0x1EE20] =	vst v63  }
0x51: {  	_ = 	snop  }
0x52: {  	[spmem:s25] =	stream.linear.scatter [tilespmem:s0], [sflag:$0x1], $0x1000, $0x38;
	[tilespmem:$0x1EE20] =	vst v63  }
0x53: {  	_ = 	snop  }
0x54: {  	[spmem:s26] =	stream.linear.scatter [tilespmem:s0], [sflag:$0x1], $0x1000, $0x38;
	[tilespmem:$0x1EE20] =	vst v63  }
0x55: {  	_ = 	snop  }
0x56: {  	[spmem:s28] =	stream.linear.scatter [tilespmem:s0], [sflag:$0x1], $0x1000, $0x38;
	[tilespmem:$0x1EE20] =	vst v63  }
0x57: {  	_ =	swait.ge [sflag:s30], $0x1000  }
0x58: {  	[sflag:s30] =	ssyncset.done $0x0  }
0x59: {  	[sflag:s30] =	ssyncadd.s32 $0xFFFFF000  }
0x5a: {  	_ =	swait.ge [sflag:s30], $0x1000  }
0x5b: {  	[sflag:s30] =	ssyncset.done $0x0  }
0x5c: {  	[sflag:s30] =	ssyncadd.s32 $0xFFFFF000  }
0x5d: {  	_ =	swait.ge [sflag:s30], $0x1000  }
0x5e: {  	[sflag:s30] =	ssyncset.done $0x0  }
0x5f: {  	[sflag:s30] =	ssyncadd.s32 $0xFFFFF000  }
0x60: {  	_ =	swait.ge [sflag:s30], $0x1000  }
0x61: {  	[sflag:s30] =	ssyncset.done $0x0  }
0x62: {  	[sflag:s30] =	ssyncadd.s32 $0xFFFFF000  }
0x63: {  	_ =	swait.ge [sflag:s30], $0x1000  }
0x64: {  	[sflag:s30] =	ssyncset.done $0x0  }
0x65: {  	[sflag:s30] =	ssyncadd.s32 $0xFFFFF000  }
0x66: {  	_ =	swait.ge [sflag:s30], $0x1000  }
0x67: {  	[sflag:s30] =	ssyncset.done $0x0  }
0x68: {  	[sflag:s30] =	ssyncadd.s32 $0xFFFFF000  }
0x69: {  	_ =	swait.ge [sflag:s30], $0x1000  }
0x6a: {  	[sflag:s30] =	ssyncset.done $0x0  }
0x6b: {  	[sflag:s30] =	ssyncadd.s32 $0xFFFFF000  }
0x6c: {  	_ =	swait.ge [sflag:s30], $0x1000  }
0x6d: {  	[sflag:s30] =	ssyncset.done $0x0  }
0x6e: {  	[sflag:s30] =	ssyncadd.s32 $0xFFFFF000  }
0x6f: {  	_ =	swait.ge [sflag:s30], $0x1000  }
0x70: {  	[sflag:s30] =	ssyncset.done $0x0  }
0x71: {  	[sflag:s30] =	ssyncadd.s32 $0xFFFFF000  }
0x72: {  	_ =	swait.ge [sflag:s30], $0x1000  }
0x73: {  	[sflag:s30] =	ssyncset.done $0x0  }
0x74: {  	[sflag:s30] =	ssyncadd.s32 $0xFFFFF000  }
0x75: {  	_ =	swait.ge [sflag:s30], $0x1000  }
0x76: {  	[sflag:s30] =	ssyncset.done $0x0  }
0x77: {  	[sflag:s30] =	ssyncadd.s32 $0xFFFFF000  }
0x78: {  	_ =	swait.ge [sflag:s30], $0x1000  }
0x79: {  	[sflag:s30] =	ssyncset.done $0x0  }
0x7a: {  	[sflag:s30] =	ssyncadd.s32 $0xFFFFF000  }
0x7b: {  	_ =	swait.ge [sflag:s30], $0x1000  }
0x7c: {  	[sflag:s30] =	ssyncset.done $0x0  }
0x7d: {  	[sflag:s30] =	ssyncadd.s32 $0xFFFFF000  }
0x7e: {  	_ =	swait.ge [sflag:s30], $0x1000  }
0x7f: {  	[sflag:s30] =	ssyncset.done $0x0  }
0x80: {  	[sflag:s30] =	ssyncadd.s32 $0xFFFFF000  }
0x81: {  	_ =	swait.ge [sflag:s30], $0x1000  }
0x82: {  	[sflag:s30] =	ssyncset.done $0x0  }
0x83: {  	[sflag:s30] =	ssyncadd.s32 $0xFFFFF000  }
0x84: {  	_ =	swait.ge [sflag:s30], $0x1000  }
0x85: {  	[sflag:s30] =	ssyncset.done $0x0  }
0x86: {  	[sflag:s30] =	ssyncadd.s32 $0xFFFFF000  }
0x87: {  	_ =	swait.ge [sflag:s30], $0x1000  }
0x88: {  	[sflag:s30] =	ssyncset.done $0x0  }
0x89: {  	[sflag:s30] =	ssyncadd.s32 $0xFFFFF000  }
0x8a: {  	_ =	swait.ge [sflag:s30], $0x1000  }
0x8b: {  	[sflag:s30] =	ssyncset.done $0x0  }
0x8c: {  	[sflag:s30] =	ssyncadd.s32 $0xFFFFF000  }
0x8d: {  	_ =	swait.ge [sflag:s30], $0x1000  }
0x8e: {  	[sflag:s30] =	ssyncset.done $0x0  }
0x8f: {  	[sflag:s30] =	ssyncadd.s32 $0xFFFFF000  }
0x90: {  	_ =	swait.ge [sflag:s30], $0x1000  }
0x91: {  	[sflag:s30] =	ssyncset.done $0x0  }
0x92: {  	[sflag:s30] =	ssyncadd.s32 $0xFFFFF000  }
0x93: {  	s9 =	simm.s32 $0x0;
	[bflag:$0x0] =	sbarrier.arrive $0xFFFF  }
0x94: {  	[tilespmem:s2], [sflag:$0x1] =	stream.indirect.gather [hbm4b:s3+s29], $0x80, s9, s29, $0xb8;
	[tilespmem:$0x1EE20] =	vst v63  }
0x95: {  	_ = 	snop  }
0x96: {  	[tilespmem:s4], [sflag:$0x2] =	stream.indirect.gather [hbm4b:s3+s29], $0x80, s29, s29, $0xb8;
	[tilespmem:$0x1EE20] =	vst v63  }
0x97: {  	_ =	swait.ge [sflag:s30], $0x2800  }
0x98: {  	[sflag:s30] =	ssyncset.done $0x0  }
0x99: {  	s10 =	simm.s32 $0x2710;
	[sflag:s30] =	ssyncadd.s32 $0xFFFFD800  }
0x9a: {  	[spmem:s1] =	stream.indirect.scatter.add.f32 [tilespmem:s2], [sflag:$0x3], $0x80, s10, s29, $0xb8;
	[tilespmem:$0x1EE20] =	vst v63  }
0x9b: {  	_ =	swait.ge [sflag:s5], $0x2800  }
0x9c: {  	[sflag:s5] =	ssyncset.done $0x0  }
0x9d: {  	s9 =	simm.s32 $0xA0;
	[sflag:s5] =	ssyncadd.s32 $0xFFFFD800  }
0x9e: {  	[tilespmem:s2], [sflag:$0x1] =	stream.indirect.gather [hbm4b:s3+s29], $0x80, s9, s29, $0xb8;
	[tilespmem:$0x1EE20] =	vst v63  }
0x9f: {  	_ =	swait.ge [sflag:s31], $0x2800  }
0xa0: {  	[sflag:s31] =	ssyncset.done $0x0  }
0xa1: {  	s10 =	simm.s32 $0x2760;
	[sflag:s31] =	ssyncadd.s32 $0xFFFFD800  }
0xa2: {  	[spmem:s1] =	stream.indirect.scatter.add.f32 [tilespmem:s4], [sflag:$0x3], $0x80, s10, s29, $0xb8;
	[tilespmem:$0x1EE20] =	vst v63  }
0xa3: {  	_ =	swait.ge [sflag:s5], $0x2800  }
0xa4: {  	[sflag:s5] =	ssyncset.done $0x0  }
0xa5: {  	s8 =	simm.s32 $0x280;
	s9 =	simm.s32 $0xF0;
	[sflag:s5] =	ssyncadd.s32 $0xFFFFD800  }
.LBB2_4:
0xa6: {  	[tilespmem:s4], [sflag:$0x2] =	stream.indirect.gather [hbm4b:s3+s29], $0x80, s9, s29, $0xb8;
	[tilespmem:$0x1EE20] =	vst v63  }
0xa7: {  	s9 =	smov.u32 s8  }
0xa8: {  	p1 =	sne.s32 s8, $0x9600;
	s8 =	sadd.s32 $0x280, s8;
	_ =	swait.ge [sflag:s30], $0x2800  }
0xa9: {  	s9 =	sshra.s32 s9, $0x2;
	[sflag:s30] =	ssyncset.done $0x0  }
0xaa: {  	s10 =	sadd.s32 $0x2710, s9;
	[sflag:s30] =	ssyncadd.s32 $0xFFFFD800  }
0xab: {  	[spmem:s1] =	stream.indirect.scatter.add.f32 [tilespmem:s2], [sflag:$0x3], $0x80, s10, s29, $0xb8;
	[tilespmem:$0x1EE20] =	vst v63  }
0xac: {  	_ =	swait.ge [sflag:s5], $0x2800  }
0xad: {  	[sflag:s5] =	ssyncset.done $0x0  }
0xae: {  	s10 =	sadd.s32 $0xA0, s9;
	[sflag:s5] =	ssyncadd.s32 $0xFFFFD800  }
0xaf: {  	[tilespmem:s2], [sflag:$0x1] =	stream.indirect.gather [hbm4b:s3+s29], $0x80, s10, s29, $0xb8;
	[tilespmem:$0x1EE20] =	vst v63  }
0xb0: {  	_ =	swait.ge [sflag:s31], $0x2800  }
0xb1: {  	[sflag:s31] =	ssyncset.done $0x0  }
.Ltmp1:
0xb2: {  	s10 =	sadd.s32 $0x2760, s9;
	[sflag:s31] =	ssyncadd.s32 $0xFFFFD800;
	(pc) =	sbr.rel @p1 .LBB2_4-.Ltmp1, $4  }
0xb3: {  	[spmem:s1] =	stream.indirect.scatter.add.f32 [tilespmem:s4], [sflag:$0x3], $0x80, s10, s29, $0xb8;
	[tilespmem:$0x1EE20] =	vst v63  }
0xb4: {  	_ =	swait.ge [sflag:s5], $0x2800  }
0xb5: {  	[sflag:s5] =	ssyncset.done $0x0  }
0xb6: {  	s9 =	sadd.s32 $0xF0, s9;
	[sflag:s5] =	ssyncadd.s32 $0xFFFFD800  }
0xb7: {  	[tilespmem:s4], [sflag:$0x2] =	stream.indirect.gather [hbm4b:s3+s29], $0x80, s9, s29, $0xb8;
	[tilespmem:$0x1EE20] =	vst v63  }
0xb8: {  	_ =	swait.ge [sflag:s30], $0x2800  }
0xb9: {  	[sflag:s30] =	ssyncset.done $0x0  }
0xba: {  	s8 =	simm.s32 $0x4D30;
	[sflag:s30] =	ssyncadd.s32 $0xFFFFD800  }
0xbb: {  	[spmem:s1] =	stream.indirect.scatter.add.f32 [tilespmem:s2], [sflag:$0x3], $0x80, s8, s29, $0xb8;
	[tilespmem:$0x1EE20] =	vst v63  }
0xbc: {  	_ =	swait.ge [sflag:s5], $0x2800  }
0xbd: {  	[sflag:s5] =	ssyncset.done $0x0  }
0xbe: {  	s9 =	simm.s32 $0x26C0;
	[sflag:s5] =	ssyncadd.s32 $0xFFFFD800  }
0xbf: {  	[tilespmem:s2], [sflag:$0x1] =	stream.indirect.gather [hbm4b:s3+s29], $0x80, s9, s29, $0xb8;
	[tilespmem:$0x1EE20] =	vst v63  }
0xc0: {  	_ =	swait.ge [sflag:s31], $0x2800  }
0xc1: {  	[sflag:s31] =	ssyncset.done $0x0  }
0xc2: {  	s10 =	simm.s32 $0x4D80;
	[sflag:s31] =	ssyncadd.s32 $0xFFFFD800  }
0xc3: {  	[spmem:s1] =	stream.indirect.scatter.add.f32 [tilespmem:s4], [sflag:$0x3], $0x80, s10, s29, $0xb8;
	[tilespmem:$0x1EE20] =	vst v63  }
0xc4: {  	_ =	swait.ge [sflag:s5], $0x2800  }
0xc5: {  	[sflag:s5] =	ssyncset.done $0x0  }
0xc6: {  	[sflag:s5] =	ssyncadd.s32 $0xFFFFD800  }
0xc7: {  	_ =	swait.ge [sflag:s30], $0x2800  }
0xc8: {  	[sflag:s30] =	ssyncset.done $0x0  }
0xc9: {  	s9 =	simm.s32 $0x4DD0;
	[sflag:s30] =	ssyncadd.s32 $0xFFFFD800  }
0xca: {  	[spmem:s1] =	stream.indirect.scatter.add.f32 [tilespmem:s2], [sflag:$0x3], $0x80, s9, s29, $0xb8;
	[tilespmem:$0x1EE20] =	vst v63  }
0xcb: {  	_ =	swait.ge [sflag:s5], $0x2800  }
0xcc: {  	[sflag:s5] =	ssyncset.done $0x0  }
0xcd: {  	[sflag:s5] =	ssyncadd.s32 $0xFFFFD800  }
0xce: {  	[bflag:$0x0] =	sbarrier.arrive $0xFFFF  }
0xcf: {  	s8 =	sshrl.u32 @!p0 s1, $0x3;
	s9 =	simm.s32 @!p0 $0x1C03;
	s10 =	rddreg [dreg:$0x5]  }
0xd0: {  	[hbm:s10], [sflag:s9] =	dma.local @!p0 [spmem:s8], $0x27100  }
0xd1: {  	s8 =	simm.s32 @!p0 $0x3  }
0xd2: {  	_ =	swait.ge @!p0 [sflag:s8], $0x27100  }
0xd3: {  	s7 =	sadd.s32 $0x1, s7;
	s10 =	rddreg [dreg:$0x6]  }
0xd4: {  	p1 =	sne.s32 s7, s10  }
.Ltmp2:
0xd5: {  	_ = 	snop;
	(pc) =	sbr.rel @p1 .LBB2_1-.Ltmp2, $3  }
0xd6: {  	_ =	sdelay $0x1  }
0xd7: {  	[sflag:s8] =	ssyncset.done @!p0 $0x0  }
0xd8: {  	[sflag:s8] =	ssyncadd.s32 @!p0 $0xFFFD8F00  }
0xd9: {  	_ =	sfence.sel $0x180000  }
0xda: {  	[bflag:$0x0] =	sbarrier.arrive $0xFFFF  }
0xdb: {  	_ =	strace $0x9000004A  }
0xdc: {  	[bflag:$0x2] =	sbarrier.arrive $0xFFFF  }
0xdd: {  	s0 =	rddreg [dreg:$0x2]  }
0xde: {  	s0 =	sadd.s32 @!p0 $0x100000, s0  }
0xdf: {  	[sflag:s0] =	ssyncadd.tile.s32 @!p0 $0x1;
	_ =	shalt  }
.Lfunc_end2:
_tile_overlayer_lowered:
.L_overlay_start_2:
0xe0: {  	(tag) =	ssettag $0x2  }
0xe1: {  	s0 =	rddreg [dreg:$0x0];
	s2 =	stileid.u32  }
0xe2: {  	s1 =	rddreg [dreg:$0x1];
	p0 =	sne.s32 s2, $0x0  }
0xe3: {  	s3 =	rddreg [dreg:$0x2];
	[bflag:$0x3] =	sbarrier.arrive $0xFFFF;
	s2 =	simm.s32 @!p0 $0x1C03  }
0xe4: {  	[timem:s3], [sflag:s2] =	dma.local @!p0 [hbm:s0], s1  }
0xe5: {  	s0 =	simm.s32 @!p0 $0x3  }
0xe6: {  	_ =	swait.ge @!p0 [sflag:s0], s1  }
0xe7: {  	s1 =	ssub.s32 @!p0 $0x0, s1;
	[sflag:s0] =	ssyncset.done @!p0 $0x0  }
0xe8: {  	[sflag:s0] =	ssyncadd.s32 @!p0 s1  }
0xe9: {  	[bflag:$0x3] =	sbarrier.arrive $0xFFFF  }
0xea: {  	_ =	shalt  }

// kernel: kernel.18.cloned.1.call-start
scs
__scs_entry_jumppad:
0x0: {  	(pc) =	sbr.rel $0x88, $3  }
0x1: {  	(tag) =	ssettag $0x0;
	lr =	simm.s32 $0x1  }
0x2: {  	[smem:$0x3F93] =	sst lr;
	_ =	strace $0xD0000000  }
0x3: {  	_ = 	snop  }
0x4: {  	_ = 	snop  }
0x5: {  	_ = 	snop  }
0x6: {  	_ = 	snop  }
0x7: {  	_ = 	snop  }
__scs_overlays_trampoline_lowered:
0x8: {  	[smem:$0x3FA2] =	sst s0  }
0x9: {  	[smem:$0x3FA3] =	sst s1  }
0xa: {  	[smem:$0x3FA4] =	sst s2  }
0xb: {  	[smem:$0x3FA5] =	sst s3  }
0xc: {  	[smem:$0x3FA6] =	sst s4  }
0xd: {  	[smem:$0x3FA7] =	sst s5  }
0xe: {  	[smem:$0x3FA8] =	sst s6  }
0xf: {  	[smem:$0x3FA9] =	sst s7  }
0x10: {  	[smem:$0x3FAA] =	sst s8  }
0x11: {  	[smem:$0x3FAB] =	sst s9;
	s0 =	simm.s32 @!p0 $0x0  }
0x12: {  	s1 =	sld [smem:$0x3F91];
	s0 =	simm.s32 @p0 $0x1  }
0x13: {  	[smem:$0x3FAC] =	sst s0;
	s0 =	simm.s32 @!p1 $0x0  }
0x14: {  	s2 =	sld [smem:$0x3F90];
	s0 =	simm.s32 @p1 $0x1  }
0x15: {  	[smem:$0x3FAD] =	sst s0;
	s0 =	simm.s32 @!p2 $0x0  }
0x16: {  	s3 =	sld [smem:$0x3FDB];
	s0 =	simm.s32 @p2 $0x1  }
0x17: {  	s4 =	simm.s32 $0x1BF5;
	[smem:$0x3FAF] =	sst s0  }
0x18: {  	s0 =	sld [smem:$0x3F92];
	_ =	swait.ge [sflag:s4], $0x0  }
0x19: {  	s7 =	sld [smem:$0x3F93]  }
0x1a: {  	s8 =	sadd.s32 $0xFFFFE003, lr  }
0x1b: {  	s9 =	sadd.s32 $0xFFFFFEF7, lr;
	s5 =	simm.s32 $0xFFFFFFFF;
	p2 =	slt.u32 s8, $0xFFFFF086  }
0x1c: {  	p1 =	slt.u32 s9, $0xF7A;
	s5 =	simm.s32 @!p2 $0x0  }
0x1d: {  	s5 =	simm.s32 @p1 $0x1;
	p0 =	seq.s32 s7, s2  }
0x1e: {  	s7 =	smul.u32 @!p0 $0xF7A, s2;
	p2 =	seq.s32 @!p0 s5, $0x0  }
0x1f: {  	s9 =	smul.u32 $0xF7A, s1;
	s8 =	simm.s32 @!p0 $0x1BF5;
	p2 =	por !p2, p0  }
0x20: {  	[sflag:s8] =	ssyncset.s32 @!p0 $0xFFFFF086;
	s6 =	sadd.s32 @!p0 s3, s7;
	s7 =	simm.s32 @!p0 $0x108  }
0x21: {  	s3 =	sadd.s32 s3, s9;
	s6 =	sadd.s32 @!p0 $0x88, s6;
	s7 =	simm.s32 @p2 $0x1082  }
0x22: {  	[simem:s7], [sflag:s8] =	dma.local @!p0 [hbm:s6], $0xF7A  }
0x23: {  	s9 =	sor.u32 $0xD0000000, s2;
	s6 =	simm.s32 $0x108;
	_ =	swait.ge @!p0 [sflag:s8], $0x0  }
0x24: {  	s3 =	sadd.s32 $0x88, s3;
	s6 =	simm.s32 @!p1 $0x1082;
	[sflag:s4] =	ssyncset.s32 $0xFFFFF086  }
0x25: {  	[simem:s6], [sflag:s4] =	dma.local [hbm:s3], $0xF7A  }
0x26: {  	[smem:$0x3F93] =	sst s1;
	(tag) =	ssettag s2;
	_ =	strace s9  }
0x27: {  	s1 =	sld [smem:$0x3FA3]  }
0x28: {  	s2 =	sld [smem:$0x3FA4]  }
0x29: {  	s4 =	sld [smem:$0x3FA6]  }
0x2a: {  	p0 =	seq.s32 s5, $0x0;
	s5 =	sld [smem:$0x3FA7]  }
0x2b: {  	s6 =	sld [smem:$0x3FA8]  }
0x2c: {  	s7 =	sld [smem:$0x3FA9]  }
0x2d: {  	s3 =	simm.s32 $0x108;
	s8 =	sld [smem:$0x3FAA]  }
0x2e: {  	s3 =	simm.s32 @!p0 $0x1082;
	s9 =	sld [smem:$0x3FAB]  }
0x2f: {  	lr =	sadd.s32 s0, s3;
	s0 =	sld [smem:$0x3FA2]  }
0x30: {  	s3 =	sld [smem:$0x3FA5]  }
0x31: {  	[smem:$0x3FAE] =	sst s10  }
0x32: {  	s10 =	sld [smem:$0x3FAC];
	_ =	sdelay $0x3  }
0x33: {  	p0 =	seq.s32 s10, $0x1;
	s10 =	sld [smem:$0x3FAE];
	_ =	sdelay $0x3  }
0x34: {  	[smem:$0x3FAE] =	sst s10  }
0x35: {  	s10 =	sld [smem:$0x3FAD];
	_ =	sdelay $0x3  }
0x36: {  	p1 =	seq.s32 s10, $0x1;
	s10 =	sld [smem:$0x3FAE];
	_ =	sdelay $0x3  }
0x37: {  	[smem:$0x3FAE] =	sst s10  }
0x38: {  	s10 =	sld [smem:$0x3FAF]  }
0x39: {  	_ = 	snop;
	(pc) =	sbr.ind lr, $3  }
0x3a: {  	_ = 	snop  }
0x3b: {  	_ = 	snop  }
0x3c: {  	p2 =	seq.s32 s10, $0x1;
	s10 =	sld [smem:$0x3FAE]  }
0x3d: {  	_ =	shalt  }
0x3e: {  	_ =	shalt  }
0x3f: {  	_ =	shalt  }
0x40: {  	_ =	shalt  }
0x41: {  	_ =	shalt  }
0x42: {  	_ =	shalt  }
0x43: {  	_ =	shalt  }
0x44: {  	_ =	shalt  }
0x45: {  	_ =	shalt  }
0x46: {  	_ =	shalt  }
0x47: {  	_ =	shalt  }
0x48: {  	_ =	shalt  }
0x49: {  	_ =	shalt  }
0x4a: {  	_ =	shalt  }
0x4b: {  	_ =	shalt  }
0x4c: {  	_ =	shalt  }
0x4d: {  	_ =	shalt  }
0x4e: {  	_ =	shalt  }
0x4f: {  	_ =	shalt  }
0x50: {  	_ =	shalt  }
0x51: {  	_ =	shalt  }
0x52: {  	_ =	shalt  }
0x53: {  	_ =	shalt  }
0x54: {  	_ =	shalt  }
0x55: {  	_ =	shalt  }
0x56: {  	_ =	shalt  }
0x57: {  	_ =	shalt  }
0x58: {  	_ =	shalt  }
0x59: {  	_ =	shalt  }
0x5a: {  	_ =	shalt  }
0x5b: {  	_ =	shalt  }
0x5c: {  	_ =	shalt  }
0x5d: {  	_ =	shalt  }
0x5e: {  	_ =	shalt  }
0x5f: {  	_ =	shalt  }
0x60: {  	_ =	shalt  }
0x61: {  	_ =	shalt  }
0x62: {  	_ =	shalt  }
0x63: {  	_ =	shalt  }
0x64: {  	_ =	shalt  }
0x65: {  	_ =	shalt  }
0x66: {  	_ =	shalt  }
0x67: {  	_ =	shalt  }
0x68: {  	_ =	shalt  }
0x69: {  	_ =	shalt  }
0x6a: {  	_ =	shalt  }
0x6b: {  	_ =	shalt  }
0x6c: {  	_ =	shalt  }
0x6d: {  	_ =	shalt  }
0x6e: {  	_ =	shalt  }
0x6f: {  	_ =	shalt  }
0x70: {  	_ =	shalt  }
0x71: {  	_ =	shalt  }
0x72: {  	_ =	shalt  }
0x73: {  	_ =	shalt  }
0x74: {  	_ =	shalt  }
0x75: {  	_ =	shalt  }
0x76: {  	_ =	shalt  }
0x77: {  	_ =	shalt  }
0x78: {  	_ =	shalt  }
0x79: {  	_ =	shalt  }
0x7a: {  	_ =	shalt  }
0x7b: {  	_ =	shalt  }
0x7c: {  	_ =	shalt  }
0x7d: {  	_ =	shalt  }
0x7e: {  	_ =	shalt  }
0x7f: {  	_ =	shalt  }
0x80: {  	_ =	shalt  }
0x81: {  	_ =	shalt  }
0x82: {  	_ =	shalt  }
0x83: {  	_ =	shalt  }
0x84: {  	_ =	shalt  }
0x85: {  	_ =	shalt  }
0x86: {  	_ =	shalt  }
0x87: {  	_ =	shalt  }
.Lfunc_end0:
.L_simem_size_0:
called_computation.2_lowered:
.L_overlay_start_0:
0x88: {  	s2 =	sld [smem:$0x3FD9]  }
0x89: {  	s3 =	sld [smem:$0x3FFE];
	_ =	sdelay $0x1  }
0x8a: {  	s1 =	srdreg.scid  }
0x8b: {  	s0 =	sand.u32 $0x1, s1  }
0x8c: {  	s16 =	sshll.u32 s0, $0xA;
	s2 =	sadd.s32 s3, s2  }
0x8d: {  	s2 =	sadd.s32 s2, s16  }
0x8e: {  	[smem:$0x3FBA] =	sst s2  }
0x8f: {  	_ = 	snop  }
0x90: {  	(tm) =	ssettm $0x1  }
0x91: {  	s17 =	sld [smem:$0x3FFB];
	_ =	sdelay $0x3  }
0x92: {  	_ =	strace s17  }
0x93: {  	s2 =	sld [smem:$0x3FFC];
	_ =	sdelay $0x3  }
0x94: {  	_ =	strace s2  }
0x95: {  	s2 =	sld [smem:$0x3FFD];
	_ =	sdelay $0x3  }
0x96: {  	_ =	strace s2  }
0x97: {  	_ =	strace $0x8FFFFFFF  }
0x98: {  	s18 =	sld [smem:$0x3FDB];
	_ =	sdelay $0x1  }
0x99: {  	s19 =	simm.s32 $_scs_section_size  }
0x9a: {  	s4 =	simm.s32 $_size__tile_overlayer_lowered;
	s5 =	simm.s32 $_tile_overlayer_lowered  }
0x9b: {  	s22 =	simm.s32 $0x1BFF;
	s21 =	sshll.u32 s5, $0x1;
	s2 =	sadd.s32 s19, s18  }
0x9c: {  	s6 =	simm.s32 $0x0;
	s20 =	sshll.u32 s4, $0x1;
	s4 =	sadd.s32 s21, s2  }
0x9d: {  	[timem:s6], [sflag:s22] =	dma.local [hbm:s4], s20  }
0x9e: {  	_ =	swait.ge [sflag:s22], s20  }
0x9f: {  	s3 =	ssub.s32 $0x0, s20;
	[sflag:s22] =	ssyncset.done $0x0  }
0xa0: {  	[sflag:s22] =	ssyncadd.s32 s3;
	_ =	sdelay $0x1  }
0xa1: {  	s23 =	simm.s32 $0x1B8B  }
0xa2: {  	_ =	swait.ge [sflag:s23], $0x1  }
0xa3: {  	[sflag:s23] =	ssyncset.done $0x0  }
0xa4: {  	s25 =	simm.s32 $0x1B8E;
	s24 =	sld [smem:$0x3FFE];
	[sflag:s23] =	ssyncadd.s32 $0xFFFFFFFF  }
0xa5: {  	s26 =	simm.s32 $execute0_lowered;
	[smem:$0x3FD2] =	sst s25  }
0xa6: {  	s4 =	sshll.u32 s26, $0x1;
	_ =	strace $0x8000004C;
	[dreg:$0x1] =	wrdreg $0xFFFFFFFF  }
0xa7: {  	s28 =	simm.s32 $_size_execute0_lowered;
	s2 =	sadd.s32 s2, s4;
	[dreg:$0x0] =	wrdreg $0x0  }
0xa8: {  	s4 =	sshll.u32 s28, $0x1;
	[dreg:$0x2] =	wrdreg s2  }
0xa9: {  	[dreg:$0x3] =	wrdreg s4  }
0xaa: {  	[dreg:$0x4] =	wrdreg $0xC0  }
0xab: {  	_ =	task [dreg:s6], $0x5FFFF  }
0xac: {  	[dreg:$0x1] =	wrdreg $0xFFFFFFFF  }
0xad: {  	[dreg:$0x0] =	wrdreg $0x60  }
0xae: {  	[dreg:$0x2] =	wrdreg s24  }
0xaf: {  	[dreg:$0x3] =	wrdreg $0xAE200  }
0xb0: {  	[dreg:$0x4] =	wrdreg $0x9  }
0xb1: {  	_ =	task.clear_ibuf [dreg:s6], $0x5FFFF;
	_ =	strace $0x9000004C  }
0xb2: {  	s29 =	simm.s32 $0x9;
	_ =	strace $0x8000004E  }
0xb3: {  	_ =	swait.ge [sflag:s29], $0x1  }
0xb4: {  	[sflag:s29] =	ssyncadd.s32 $0xFFFFFFFF  }
0xb5: {  	_ =	strace $0x9000004E  }
0xb6: {  	_ =	sfence  }
0xb7: {  	s30 =	sld [smem:$0x0];
	_ =	sdelay $0x2  }
0xb8: {  	s31 =	sshll.u32 s1, $0xD;
	s1 =	sshrl.u32 s1, $0x2  }
0xb9: {  	s3 =	sand.u32 $0x4000, s31;
	s1 =	sadd.s32 s1, s30  }
0xba: {  	s0 =	sor.u32 s3, s0;
	s1 =	sshll.u32 s1, $0x11  }
0xbb: {  	s0 =	sor.u32 s1, s0  }
0xbc: {  	s0 =	sadd.s32 $0x8F2B, s0  }
0xbd: {  	[sflag:s0] =	ssyncadd.remote.s32 $0x1  }
0xbe: {  	_ =	sfence.sel $0xFFFF  }
0xbf: {  	[dreg:$0x0] =	wrdreg $0xFFFFFFFF;
	(pc) =	sbr.abs _section_cstart, $3  }
0xc0: {  	[dreg:$0x1] =	wrdreg $0xFFFFFFFF  }
0xc1: {  	_ =	task.clear_ibuf [dreg:s6], $0x2FFFF;
	_ =	strace $0x9FFFFFFF  }
0xc2: {  	(tm) =	ssettm $0x7FFFFFFF  }
0xc3: {  	_ =	shalt  }
tec
execute0_lowered:
.L_overlay_start_1:
0x0: {  	(tag) =	ssettag $0x1  }
0x1: {  	s0 =	srdreg.scid;
	s2 =	rddreg [dreg:$0x0]  }
0x2: {  	s1 =	rddreg [dreg:$0x1];
	s4 =	stileid.u32;
	s5 =	simm.s32 $0x0  }
0x3: {  	s30 =	simm.s32 $0x1;
	s31 =	simm.s32 $0x2;
	s29 =	simm.s32 $0x50  }
0x4: {  	s0 =	sand.u32 $0x1, s0;
	[smem:$0x7FF] =	sst s5;
	s8 =	smul.u32 $0x50000, s4  }
0x5: {  	p0 =	sne.s32 s4, $0x0;
	s3 =	sshll.u32 s0, $0x4;
	_ =	strace $0x8000004D  }
0x6: {  	s6 =	smul.u32 $0x27100, s0;
	s0 =	ssub.s32 $0x2, s0;
	s3 =	sor.u32 s4, s3  }
0x7: {  	s7 =	sshrl.u32 s0, $0x1;
	s24 =	sshrl.u32 s8, $0x2;
	s22 =	smul.u32 $0x4E2, s3  }
0x8: {  	s4 =	simm.s32 $0x7620;
	s3 =	sadd.s32 $0x17600, s2;
	s0 =	ssub.s32 s0, s7  }
0x9: {  	s7 =	simm.s32 $0x0;
	s0 =	smax.u32 s0, $0x1;
	s5 =	sadd.s32 s22, s2  }
0xa: {  	s2 =	sadd.s32 s6, s2;
	s6 =	sadd.s32 s24, s1;
	[dreg:$0x6] =	wrdreg s0  }
0xb: {  	s0 =	simm.s32 $0x9E20;
	s23 =	sadd.s32 $0x3A00, s5;
	s5 =	sadd.s32 $0xD800, s5  }
0xc: {  	s2 =	sadd.s32 $0x96800, s2;
	s25 =	sadd.s32 $0x1000, s6;
	s26 =	sadd.s32 $0x2000, s6  }
0xd: {  	s11 =	sadd.s32 $0x3000, s6;
	s12 =	sadd.s32 $0x4000, s6;
	s13 =	sadd.s32 $0x5000, s6  }
0xe: {  	s14 =	sadd.s32 $0x6000, s6;
	s15 =	sadd.s32 $0x7000, s6;
	s16 =	sadd.s32 $0x8000, s6  }
0xf: {  	s17 =	sadd.s32 $0x9000, s6;
	s18 =	sadd.s32 $0xA000, s6;
	[dreg:$0x3] =	wrdreg s23  }
0x10: {  	s19 =	sadd.s32 $0xB000, s6;
	s20 =	sadd.s32 $0xC000, s6;
	[dreg:$0x4] =	wrdreg s5  }
0x11: {  	s21 =	sadd.s32 $0xD000, s6;
	s22 =	sadd.s32 $0xE000, s6;
	[dreg:$0x5] =	wrdreg s2  }
0x12: {  	s24 =	sadd.s32 $0x10000, s6;
	s28 =	sadd.s32 $0x13000, s6;
	[dreg:$0x7] =	wrdreg s25  }
0x13: {  	[dreg:$0x8] =	wrdreg s26;
	s23 =	sadd.s32 $0xF000, s6;
	s25 =	sadd.s32 $0x11000, s6  }
0x14: {  	v0 =	vimm.f32 $0.0e+00;
	s26 =	sadd.s32 $0x12000, s6;
	s2 =	simm.s32 $0x4E20;
	s5 =	simm.s32 $0x3  }
.LBB2_1:
0x15: {  	s8 =	simm.s32 $0x0;
	s9 =	rddreg [dreg:$0x3]  }
0x16: {  	[tilespmem:s8], [sflag:$0x1] =	stream.linear.gather [hbm4b:s9+s8], $0x2710, $0x38;
	[tilespmem:$0x1EE20] =	vst v63  }
0x17: {  	s10 =	simm.s32 $0x2710;
	s9 =	rddreg [dreg:$0x4]  }
0x18: {  	[tilespmem:s10], [sflag:$0x2] =	stream.linear.gather [hbm4b:s9+s8], $0x2710, $0x38;
	[tilespmem:$0x1EE20] =	vst v63  }
0x19: {  	s8 =	simm.s32 $0x0;
	s9 =	simm.s32 $0x200  }
.LBB2_2:
0x1a: {  	p1 =	sne.s32 s9, $0x3E00;
	[tilespmem:s8+$0x9E90] =	vst v0  }
0x1b: {  	[tilespmem:s8+$0x9E20] =	vst v0  }
0x1c: {  	[tilespmem:s8+$0x9E30] =	vst v0  }
.Ltmp0:
0x1d: {  	[tilespmem:s8+$0x9E40] =	vst v0;
	(pc) =	sbr.rel @p1 .LBB2_2-.Ltmp0, $4  }
0x1e: {  	[tilespmem:s8+$0x9E50] =	vst v0  }
0x1f: {  	[tilespmem:s8+$0x9E60] =	vst v0  }
0x20: {  	[tilespmem:s8+$0x9E70] =	vst v0  }
0x21: {  	[tilespmem:s8+$0x9E80] =	vst v0;
	s8 =	sshra.s32 s9, $0x2;
	s9 =	sadd.s32 $0x200, s9  }
0x22: {  	[tilespmem:s8+$0x9E90] =	vst v0  }
0x23: {  	[tilespmem:s8+$0x9E20] =	vst v0  }
0x24: {  	[tilespmem:s8+$0x9E30] =	vst v0  }
0x25: {  	[tilespmem:s8+$0x9E40] =	vst v0  }
0x26: {  	[tilespmem:s8+$0x9E50] =	vst v0  }
0x27: {  	[tilespmem:s8+$0x9E60] =	vst v0  }
0x28: {  	[tilespmem:s8+$0x9E70] =	vst v0  }
0x29: {  	[tilespmem:s8+$0x9E80] =	vst v0  }
0x2a: {  	_ =	swait.ge [sflag:s30], $0x2710  }
0x2b: {  	[sflag:s30] =	ssyncset.done $0x0  }
0x2c: {  	[sflag:s30] =	ssyncadd.s32 $0xFFFFD8F0  }
0x2d: {  	_ =	swait.ge [sflag:s31], $0x2710  }
0x2e: {  	[sflag:s31] =	ssyncset.done $0x0  }
0x2f: {  	[sflag:s31] =	ssyncadd.s32 $0xFFFFD8F0  }
0x30: {  	[spmem:s6] =	stream.linear.scatter [tilespmem:s0], [sflag:$0x1], $0x1000, $0x38;
	[tilespmem:$0x1EE20] =	vst v63  }
0x31: {  	s9 =	rddreg [dreg:$0x7]  }
0x32: {  	[spmem:s9] =	stream.linear.scatter [tilespmem:s0], [sflag:$0x1], $0x1000, $0x38;
	[tilespmem:$0x1EE20] =	vst v63  }
0x33: {  	s10 =	rddreg [dreg:$0x8]  }
0x34: {  	[spmem:s10] =	stream.linear.scatter [tilespmem:s0], [sflag:$0x1], $0x1000, $0x38;
	[tilespmem:$0x1EE20] =	vst v63  }
0x35: {  	_ = 	snop  }
0x36: {  	[spmem:s11] =	stream.linear.scatter [tilespmem:s0], [sflag:$0x1], $0x1000, $0x38;
	[tilespmem:$0x1EE20] =	vst v63  }
0x37: {  	_ = 	snop  }
0x38: {  	[spmem:s12] =	stream.linear.scatter [tilespmem:s0], [sflag:$0x1], $0x1000, $0x38;
	[tilespmem:$0x1EE20] =	vst v63  }
0x39: {  	_ = 	snop  }
0x3a: {  	[spmem:s13] =	stream.linear.scatter [tilespmem:s0], [sflag:$0x1], $0x1000, $0x38;
	[tilespmem:$0x1EE20] =	vst v63  }
0x3b: {  	_ = 	snop  }
0x3c: {  	[spmem:s14] =	stream.linear.scatter [tilespmem:s0], [sflag:$0x1], $0x1000, $0x38;
	[tilespmem:$0x1EE20] =	vst v63  }
0x3d: {  	_ = 	snop  }
0x3e: {  	[spmem:s15] =	stream.linear.scatter [tilespmem:s0], [sflag:$0x1], $0x1000, $0x38;
	[tilespmem:$0x1EE20] =	vst v63  }
0x3f: {  	_ = 	snop  }
0x40: {  	[spmem:s16] =	stream.linear.scatter [tilespmem:s0], [sflag:$0x1], $0x1000, $0x38;
	[tilespmem:$0x1EE20] =	vst v63  }
0x41: {  	_ = 	snop  }
0x42: {  	[spmem:s17] =	stream.linear.scatter [tilespmem:s0], [sflag:$0x1], $0x1000, $0x38;
	[tilespmem:$0x1EE20] =	vst v63  }
0x43: {  	_ = 	snop  }
0x44: {  	[spmem:s18] =	stream.linear.scatter [tilespmem:s0], [sflag:$0x1], $0x1000, $0x38;
	[tilespmem:$0x1EE20] =	vst v63  }
0x45: {  	_ = 	snop  }
0x46: {  	[spmem:s19] =	stream.linear.scatter [tilespmem:s0], [sflag:$0x1], $0x1000, $0x38;
	[tilespmem:$0x1EE20] =	vst v63  }
0x47: {  	_ = 	snop  }
0x48: {  	[spmem:s20] =	stream.linear.scatter [tilespmem:s0], [sflag:$0x1], $0x1000, $0x38;
	[tilespmem:$0x1EE20] =	vst v63  }
0x49: {  	_ = 	snop  }
0x4a: {  	[spmem:s21] =	stream.linear.scatter [tilespmem:s0], [sflag:$0x1], $0x1000, $0x38;
	[tilespmem:$0x1EE20] =	vst v63  }
0x4b: {  	_ = 	snop  }
0x4c: {  	[spmem:s22] =	stream.linear.scatter [tilespmem:s0], [sflag:$0x1], $0x1000, $0x38;
	[tilespmem:$0x1EE20] =	vst v63  }
0x4d: {  	_ = 	snop  }
0x4e: {  	[spmem:s23] =	stream.linear.scatter [tilespmem:s0], [sflag:$0x1], $0x1000, $0x38;
	[tilespmem:$0x1EE20] =	vst v63  }
0x4f: {  	_ = 	snop  }
0x50: {  	[spmem:s24] =	stream.linear.scatter [tilespmem:s0], [sflag:$0x1], $0x1000, $0x38;
	[tilespmem:$0x1EE20] =	vst v63  }
0x51: {  	_ = 	snop  }
0x52: {  	[spmem:s25] =	stream.linear.scatter [tilespmem:s0], [sflag:$0x1], $0x1000, $0x38;
	[tilespmem:$0x1EE20] =	vst v63  }
0x53: {  	_ = 	snop  }
0x54: {  	[spmem:s26] =	stream.linear.scatter [tilespmem:s0], [sflag:$0x1], $0x1000, $0x38;
	[tilespmem:$0x1EE20] =	vst v63  }
0x55: {  	_ = 	snop  }
0x56: {  	[spmem:s28] =	stream.linear.scatter [tilespmem:s0], [sflag:$0x1], $0x1000, $0x38;
	[tilespmem:$0x1EE20] =	vst v63  }
0x57: {  	_ =	swait.ge [sflag:s30], $0x1000  }
0x58: {  	[sflag:s30] =	ssyncset.done $0x0  }
0x59: {  	[sflag:s30] =	ssyncadd.s32 $0xFFFFF000  }
0x5a: {  	_ =	swait.ge [sflag:s30], $0x1000  }
0x5b: {  	[sflag:s30] =	ssyncset.done $0x0  }
0x5c: {  	[sflag:s30] =	ssyncadd.s32 $0xFFFFF000  }
0x5d: {  	_ =	swait.ge [sflag:s30], $0x1000  }
0x5e: {  	[sflag:s30] =	ssyncset.done $0x0  }
0x5f: {  	[sflag:s30] =	ssyncadd.s32 $0xFFFFF000  }
0x60: {  	_ =	swait.ge [sflag:s30], $0x1000  }
0x61: {  	[sflag:s30] =	ssyncset.done $0x0  }
0x62: {  	[sflag:s30] =	ssyncadd.s32 $0xFFFFF000  }
0x63: {  	_ =	swait.ge [sflag:s30], $0x1000  }
0x64: {  	[sflag:s30] =	ssyncset.done $0x0  }
0x65: {  	[sflag:s30] =	ssyncadd.s32 $0xFFFFF000  }
0x66: {  	_ =	swait.ge [sflag:s30], $0x1000  }
0x67: {  	[sflag:s30] =	ssyncset.done $0x0  }
0x68: {  	[sflag:s30] =	ssyncadd.s32 $0xFFFFF000  }
0x69: {  	_ =	swait.ge [sflag:s30], $0x1000  }
0x6a: {  	[sflag:s30] =	ssyncset.done $0x0  }
0x6b: {  	[sflag:s30] =	ssyncadd.s32 $0xFFFFF000  }
0x6c: {  	_ =	swait.ge [sflag:s30], $0x1000  }
0x6d: {  	[sflag:s30] =	ssyncset.done $0x0  }
0x6e: {  	[sflag:s30] =	ssyncadd.s32 $0xFFFFF000  }
0x6f: {  	_ =	swait.ge [sflag:s30], $0x1000  }
0x70: {  	[sflag:s30] =	ssyncset.done $0x0  }
0x71: {  	[sflag:s30] =	ssyncadd.s32 $0xFFFFF000  }
0x72: {  	_ =	swait.ge [sflag:s30], $0x1000  }
0x73: {  	[sflag:s30] =	ssyncset.done $0x0  }
0x74: {  	[sflag:s30] =	ssyncadd.s32 $0xFFFFF000  }
0x75: {  	_ =	swait.ge [sflag:s30], $0x1000  }
0x76: {  	[sflag:s30] =	ssyncset.done $0x0  }
0x77: {  	[sflag:s30] =	ssyncadd.s32 $0xFFFFF000  }
0x78: {  	_ =	swait.ge [sflag:s30], $0x1000  }
0x79: {  	[sflag:s30] =	ssyncset.done $0x0  }
0x7a: {  	[sflag:s30] =	ssyncadd.s32 $0xFFFFF000  }
0x7b: {  	_ =	swait.ge [sflag:s30], $0x1000  }
0x7c: {  	[sflag:s30] =	ssyncset.done $0x0  }
0x7d: {  	[sflag:s30] =	ssyncadd.s32 $0xFFFFF000  }
0x7e: {  	_ =	swait.ge [sflag:s30], $0x1000  }
0x7f: {  	[sflag:s30] =	ssyncset.done $0x0  }
0x80: {  	[sflag:s30] =	ssyncadd.s32 $0xFFFFF000  }
0x81: {  	_ =	swait.ge [sflag:s30], $0x1000  }
0x82: {  	[sflag:s30] =	ssyncset.done $0x0  }
0x83: {  	[sflag:s30] =	ssyncadd.s32 $0xFFFFF000  }
0x84: {  	_ =	swait.ge [sflag:s30], $0x1000  }
0x85: {  	[sflag:s30] =	ssyncset.done $0x0  }
0x86: {  	[sflag:s30] =	ssyncadd.s32 $0xFFFFF000  }
0x87: {  	_ =	swait.ge [sflag:s30], $0x1000  }
0x88: {  	[sflag:s30] =	ssyncset.done $0x0  }
0x89: {  	[sflag:s30] =	ssyncadd.s32 $0xFFFFF000  }
0x8a: {  	_ =	swait.ge [sflag:s30], $0x1000  }
0x8b: {  	[sflag:s30] =	ssyncset.done $0x0  }
0x8c: {  	[sflag:s30] =	ssyncadd.s32 $0xFFFFF000  }
0x8d: {  	_ =	swait.ge [sflag:s30], $0x1000  }
0x8e: {  	[sflag:s30] =	ssyncset.done $0x0  }
0x8f: {  	[sflag:s30] =	ssyncadd.s32 $0xFFFFF000  }
0x90: {  	_ =	swait.ge [sflag:s30], $0x1000  }
0x91: {  	[sflag:s30] =	ssyncset.done $0x0  }
0x92: {  	[sflag:s30] =	ssyncadd.s32 $0xFFFFF000  }
0x93: {  	s9 =	simm.s32 $0x0;
	[bflag:$0x0] =	sbarrier.arrive $0xFFFF  }
0x94: {  	[tilespmem:s2], [sflag:$0x1] =	stream.indirect.gather [hbm4b:s3+s29], $0x80, s9, s29, $0xb8;
	[tilespmem:$0x1EE20] =	vst v63  }
0x95: {  	_ = 	snop  }
0x96: {  	[tilespmem:s4], [sflag:$0x2] =	stream.indirect.gather [hbm4b:s3+s29], $0x80, s29, s29, $0xb8;
	[tilespmem:$0x1EE20] =	vst v63  }
0x97: {  	_ =	swait.ge [sflag:s30], $0x2800  }
0x98: {  	[sflag:s30] =	ssyncset.done $0x0  }
0x99: {  	s10 =	simm.s32 $0x2710;
	[sflag:s30] =	ssyncadd.s32 $0xFFFFD800  }
0x9a: {  	[spmem:s1] =	stream.indirect.scatter.add.f32 [tilespmem:s2], [sflag:$0x3], $0x80, s10, s29, $0xb8;
	[tilespmem:$0x1EE20] =	vst v63  }
0x9b: {  	_ =	swait.ge [sflag:s5], $0x2800  }
0x9c: {  	[sflag:s5] =	ssyncset.done $0x0  }
0x9d: {  	s9 =	simm.s32 $0xA0;
	[sflag:s5] =	ssyncadd.s32 $0xFFFFD800  }
0x9e: {  	[tilespmem:s2], [sflag:$0x1] =	stream.indirect.gather [hbm4b:s3+s29], $0x80, s9, s29, $0xb8;
	[tilespmem:$0x1EE20] =	vst v63  }
0x9f: {  	_ =	swait.ge [sflag:s31], $0x2800  }
0xa0: {  	[sflag:s31] =	ssyncset.done $0x0  }
0xa1: {  	s10 =	simm.s32 $0x2760;
	[sflag:s31] =	ssyncadd.s32 $0xFFFFD800  }
0xa2: {  	[spmem:s1] =	stream.indirect.scatter.add.f32 [tilespmem:s4], [sflag:$0x3], $0x80, s10, s29, $0xb8;
	[tilespmem:$0x1EE20] =	vst v63  }
0xa3: {  	_ =	swait.ge [sflag:s5], $0x2800  }
0xa4: {  	[sflag:s5] =	ssyncset.done $0x0  }
0xa5: {  	s8 =	simm.s32 $0x280;
	s9 =	simm.s32 $0xF0;
	[sflag:s5] =	ssyncadd.s32 $0xFFFFD800  }
.LBB2_4:
0xa6: {  	[tilespmem:s4], [sflag:$0x2] =	stream.indirect.gather [hbm4b:s3+s29], $0x80, s9, s29, $0xb8;
	[tilespmem:$0x1EE20] =	vst v63  }
0xa7: {  	s9 =	smov.u32 s8  }
0xa8: {  	p1 =	sne.s32 s8, $0x9600;
	s8 =	sadd.s32 $0x280, s8;
	_ =	swait.ge [sflag:s30], $0x2800  }
0xa9: {  	s9 =	sshra.s32 s9, $0x2;
	[sflag:s30] =	ssyncset.done $0x0  }
0xaa: {  	s10 =	sadd.s32 $0x2710, s9;
	[sflag:s30] =	ssyncadd.s32 $0xFFFFD800  }
0xab: {  	[spmem:s1] =	stream.indirect.scatter.add.f32 [tilespmem:s2], [sflag:$0x3], $0x80, s10, s29, $0xb8;
	[tilespmem:$0x1EE20] =	vst v63  }
0xac: {  	_ =	swait.ge [sflag:s5], $0x2800  }
0xad: {  	[sflag:s5] =	ssyncset.done $0x0  }
0xae: {  	s10 =	sadd.s32 $0xA0, s9;
	[sflag:s5] =	ssyncadd.s32 $0xFFFFD800  }
0xaf: {  	[tilespmem:s2], [sflag:$0x1] =	stream.indirect.gather [hbm4b:s3+s29], $0x80, s10, s29, $0xb8;
	[tilespmem:$0x1EE20] =	vst v63  }
0xb0: {  	_ =	swait.ge [sflag:s31], $0x2800  }
0xb1: {  	[sflag:s31] =	ssyncset.done $0x0  }
.Ltmp1:
0xb2: {  	s10 =	sadd.s32 $0x2760, s9;
	[sflag:s31] =	ssyncadd.s32 $0xFFFFD800;
	(pc) =	sbr.rel @p1 .LBB2_4-.Ltmp1, $4  }
0xb3: {  	[spmem:s1] =	stream.indirect.scatter.add.f32 [tilespmem:s4], [sflag:$0x3], $0x80, s10, s29, $0xb8;
	[tilespmem:$0x1EE20] =	vst v63  }
0xb4: {  	_ =	swait.ge [sflag:s5], $0x2800  }
0xb5: {  	[sflag:s5] =	ssyncset.done $0x0  }
0xb6: {  	s9 =	sadd.s32 $0xF0, s9;
	[sflag:s5] =	ssyncadd.s32 $0xFFFFD800  }
0xb7: {  	[tilespmem:s4], [sflag:$0x2] =	stream.indirect.gather [hbm4b:s3+s29], $0x80, s9, s29, $0xb8;
	[tilespmem:$0x1EE20] =	vst v63  }
0xb8: {  	_ =	swait.ge [sflag:s30], $0x2800  }
0xb9: {  	[sflag:s30] =	ssyncset.done $0x0  }
0xba: {  	s8 =	simm.s32 $0x4D30;
	[sflag:s30] =	ssyncadd.s32 $0xFFFFD800  }
0xbb: {  	[spmem:s1] =	stream.indirect.scatter.add.f32 [tilespmem:s2], [sflag:$0x3], $0x80, s8, s29, $0xb8;
	[tilespmem:$0x1EE20] =	vst v63  }
0xbc: {  	_ =	swait.ge [sflag:s5], $0x2800  }
0xbd: {  	[sflag:s5] =	ssyncset.done $0x0  }
0xbe: {  	s9 =	simm.s32 $0x26C0;
	[sflag:s5] =	ssyncadd.s32 $0xFFFFD800  }
0xbf: {  	[tilespmem:s2], [sflag:$0x1] =	stream.indirect.gather [hbm4b:s3+s29], $0x80, s9, s29, $0xb8;
	[tilespmem:$0x1EE20] =	vst v63  }
0xc0: {  	_ =	swait.ge [sflag:s31], $0x2800  }
0xc1: {  	[sflag:s31] =	ssyncset.done $0x0  }
0xc2: {  	s10 =	simm.s32 $0x4D80;
	[sflag:s31] =	ssyncadd.s32 $0xFFFFD800  }
0xc3: {  	[spmem:s1] =	stream.indirect.scatter.add.f32 [tilespmem:s4], [sflag:$0x3], $0x80, s10, s29, $0xb8;
	[tilespmem:$0x1EE20] =	vst v63  }
0xc4: {  	_ =	swait.ge [sflag:s5], $0x2800  }
0xc5: {  	[sflag:s5] =	ssyncset.done $0x0  }
0xc6: {  	[sflag:s5] =	ssyncadd.s32 $0xFFFFD800  }
0xc7: {  	_ =	swait.ge [sflag:s30], $0x2800  }
0xc8: {  	[sflag:s30] =	ssyncset.done $0x0  }
0xc9: {  	s9 =	simm.s32 $0x4DD0;
	[sflag:s30] =	ssyncadd.s32 $0xFFFFD800  }
0xca: {  	[spmem:s1] =	stream.indirect.scatter.add.f32 [tilespmem:s2], [sflag:$0x3], $0x80, s9, s29, $0xb8;
	[tilespmem:$0x1EE20] =	vst v63  }
0xcb: {  	_ =	swait.ge [sflag:s5], $0x2800  }
0xcc: {  	[sflag:s5] =	ssyncset.done $0x0  }
0xcd: {  	[sflag:s5] =	ssyncadd.s32 $0xFFFFD800  }
0xce: {  	[bflag:$0x0] =	sbarrier.arrive $0xFFFF  }
0xcf: {  	s8 =	sshrl.u32 @!p0 s1, $0x3;
	s9 =	simm.s32 @!p0 $0x1C03;
	s10 =	rddreg [dreg:$0x5]  }
0xd0: {  	[hbm:s10], [sflag:s9] =	dma.local @!p0 [spmem:s8], $0x27100  }
0xd1: {  	s8 =	simm.s32 @!p0 $0x3  }
0xd2: {  	_ =	swait.ge @!p0 [sflag:s8], $0x27100  }
0xd3: {  	s7 =	sadd.s32 $0x1, s7;
	s10 =	rddreg [dreg:$0x6]  }
0xd4: {  	p1 =	sne.s32 s7, s10  }
.Ltmp2:
0xd5: {  	_ = 	snop;
	(pc) =	sbr.rel @p1 .LBB2_1-.Ltmp2, $3  }
0xd6: {  	_ =	sdelay $0x1  }
0xd7: {  	[sflag:s8] =	ssyncset.done @!p0 $0x0  }
0xd8: {  	[sflag:s8] =	ssyncadd.s32 @!p0 $0xFFFD8F00  }
0xd9: {  	_ =	sfence.sel $0x180000  }
0xda: {  	[bflag:$0x0] =	sbarrier.arrive $0xFFFF  }
0xdb: {  	_ =	strace $0x9000004D  }
0xdc: {  	[bflag:$0x2] =	sbarrier.arrive $0xFFFF  }
0xdd: {  	s0 =	rddreg [dreg:$0x2]  }
0xde: {  	s0 =	sadd.s32 @!p0 $0x100000, s0  }
0xdf: {  	[sflag:s0] =	ssyncadd.tile.s32 @!p0 $0x1;
	_ =	shalt  }
.Lfunc_end2:
_tile_overlayer_lowered:
.L_overlay_start_2:
0xe0: {  	(tag) =	ssettag $0x2  }
0xe1: {  	s0 =	rddreg [dreg:$0x0];
	s2 =	stileid.u32  }
0xe2: {  	s1 =	rddreg [dreg:$0x1];
	p0 =	sne.s32 s2, $0x0  }
0xe3: {  	s3 =	rddreg [dreg:$0x2];
	[bflag:$0x3] =	sbarrier.arrive $0xFFFF;
	s2 =	simm.s32 @!p0 $0x1C03  }
0xe4: {  	[timem:s3], [sflag:s2] =	dma.local @!p0 [hbm:s0], s1  }
0xe5: {  	s0 =	simm.s32 @!p0 $0x3  }
0xe6: {  	_ =	swait.ge @!p0 [sflag:s0], s1  }
0xe7: {  	s1 =	ssub.s32 @!p0 $0x0, s1;
	[sflag:s0] =	ssyncset.done @!p0 $0x0  }
0xe8: {  	[sflag:s0] =	ssyncadd.s32 @!p0 s1  }
0xe9: {  	[bflag:$0x3] =	sbarrier.arrive $0xFFFF  }
0xea: {  	_ =	shalt  }

// kernel: kernel.21.cloned.1.call-start
scs
__scs_entry_jumppad:
0x0: {  	(pc) =	sbr.rel $0x88, $3  }
0x1: {  	(tag) =	ssettag $0x0;
	lr =	simm.s32 $0x1  }
0x2: {  	[smem:$0x3F93] =	sst lr;
	_ =	strace $0xD0000000  }
0x3: {  	_ = 	snop  }
0x4: {  	_ = 	snop  }
0x5: {  	_ = 	snop  }
0x6: {  	_ = 	snop  }
0x7: {  	_ = 	snop  }
__scs_overlays_trampoline_lowered:
0x8: {  	[smem:$0x3FA2] =	sst s0  }
0x9: {  	[smem:$0x3FA3] =	sst s1  }
0xa: {  	[smem:$0x3FA4] =	sst s2  }
0xb: {  	[smem:$0x3FA5] =	sst s3  }
0xc: {  	[smem:$0x3FA6] =	sst s4  }
0xd: {  	[smem:$0x3FA7] =	sst s5  }
0xe: {  	[smem:$0x3FA8] =	sst s6  }
0xf: {  	[smem:$0x3FA9] =	sst s7  }
0x10: {  	[smem:$0x3FAA] =	sst s8  }
0x11: {  	[smem:$0x3FAB] =	sst s9;
	s0 =	simm.s32 @!p0 $0x0  }
0x12: {  	s1 =	sld [smem:$0x3F91];
	s0 =	simm.s32 @p0 $0x1  }
0x13: {  	[smem:$0x3FAC] =	sst s0;
	s0 =	simm.s32 @!p1 $0x0  }
0x14: {  	s2 =	sld [smem:$0x3F90];
	s0 =	simm.s32 @p1 $0x1  }
0x15: {  	[smem:$0x3FAD] =	sst s0;
	s0 =	simm.s32 @!p2 $0x0  }
0x16: {  	s3 =	sld [smem:$0x3FDB];
	s0 =	simm.s32 @p2 $0x1  }
0x17: {  	s4 =	simm.s32 $0x1BF5;
	[smem:$0x3FAF] =	sst s0  }
0x18: {  	s0 =	sld [smem:$0x3F92];
	_ =	swait.ge [sflag:s4], $0x0  }
0x19: {  	s7 =	sld [smem:$0x3F93]  }
0x1a: {  	s8 =	sadd.s32 $0xFFFFE003, lr  }
0x1b: {  	s9 =	sadd.s32 $0xFFFFFEF7, lr;
	s5 =	simm.s32 $0xFFFFFFFF;
	p2 =	slt.u32 s8, $0xFFFFF086  }
0x1c: {  	p1 =	slt.u32 s9, $0xF7A;
	s5 =	simm.s32 @!p2 $0x0  }
0x1d: {  	s5 =	simm.s32 @p1 $0x1;
	p0 =	seq.s32 s7, s2  }
0x1e: {  	s7 =	smul.u32 @!p0 $0xF7A, s2;
	p2 =	seq.s32 @!p0 s5, $0x0  }
0x1f: {  	s9 =	smul.u32 $0xF7A, s1;
	s8 =	simm.s32 @!p0 $0x1BF5;
	p2 =	por !p2, p0  }
0x20: {  	[sflag:s8] =	ssyncset.s32 @!p0 $0xFFFFF086;
	s6 =	sadd.s32 @!p0 s3, s7;
	s7 =	simm.s32 @!p0 $0x108  }
0x21: {  	s3 =	sadd.s32 s3, s9;
	s6 =	sadd.s32 @!p0 $0x88, s6;
	s7 =	simm.s32 @p2 $0x1082  }
0x22: {  	[simem:s7], [sflag:s8] =	dma.local @!p0 [hbm:s6], $0xF7A  }
0x23: {  	s9 =	sor.u32 $0xD0000000, s2;
	s6 =	simm.s32 $0x108;
	_ =	swait.ge @!p0 [sflag:s8], $0x0  }
0x24: {  	s3 =	sadd.s32 $0x88, s3;
	s6 =	simm.s32 @!p1 $0x1082;
	[sflag:s4] =	ssyncset.s32 $0xFFFFF086  }
0x25: {  	[simem:s6], [sflag:s4] =	dma.local [hbm:s3], $0xF7A  }
0x26: {  	[smem:$0x3F93] =	sst s1;
	(tag) =	ssettag s2;
	_ =	strace s9  }
0x27: {  	s1 =	sld [smem:$0x3FA3]  }
0x28: {  	s2 =	sld [smem:$0x3FA4]  }
0x29: {  	s4 =	sld [smem:$0x3FA6]  }
0x2a: {  	p0 =	seq.s32 s5, $0x0;
	s5 =	sld [smem:$0x3FA7]  }
0x2b: {  	s6 =	sld [smem:$0x3FA8]  }
0x2c: {  	s7 =	sld [smem:$0x3FA9]  }
0x2d: {  	s3 =	simm.s32 $0x108;
	s8 =	sld [smem:$0x3FAA]  }
0x2e: {  	s3 =	simm.s32 @!p0 $0x1082;
	s9 =	sld [smem:$0x3FAB]  }
0x2f: {  	lr =	sadd.s32 s0, s3;
	s0 =	sld [smem:$0x3FA2]  }
0x30: {  	s3 =	sld [smem:$0x3FA5]  }
0x31: {  	[smem:$0x3FAE] =	sst s10  }
0x32: {  	s10 =	sld [smem:$0x3FAC];
	_ =	sdelay $0x3  }
0x33: {  	p0 =	seq.s32 s10, $0x1;
	s10 =	sld [smem:$0x3FAE];
	_ =	sdelay $0x3  }
0x34: {  	[smem:$0x3FAE] =	sst s10  }
0x35: {  	s10 =	sld [smem:$0x3FAD];
	_ =	sdelay $0x3  }
0x36: {  	p1 =	seq.s32 s10, $0x1;
	s10 =	sld [smem:$0x3FAE];
	_ =	sdelay $0x3  }
0x37: {  	[smem:$0x3FAE] =	sst s10  }
0x38: {  	s10 =	sld [smem:$0x3FAF]  }
0x39: {  	_ = 	snop;
	(pc) =	sbr.ind lr, $3  }
0x3a: {  	_ = 	snop  }
0x3b: {  	_ = 	snop  }
0x3c: {  	p2 =	seq.s32 s10, $0x1;
	s10 =	sld [smem:$0x3FAE]  }
0x3d: {  	_ =	shalt  }
0x3e: {  	_ =	shalt  }
0x3f: {  	_ =	shalt  }
0x40: {  	_ =	shalt  }
0x41: {  	_ =	shalt  }
0x42: {  	_ =	shalt  }
0x43: {  	_ =	shalt  }
0x44: {  	_ =	shalt  }
0x45: {  	_ =	shalt  }
0x46: {  	_ =	shalt  }
0x47: {  	_ =	shalt  }
0x48: {  	_ =	shalt  }
0x49: {  	_ =	shalt  }
0x4a: {  	_ =	shalt  }
0x4b: {  	_ =	shalt  }
0x4c: {  	_ =	shalt  }
0x4d: {  	_ =	shalt  }
0x4e: {  	_ =	shalt  }
0x4f: {  	_ =	shalt  }
0x50: {  	_ =	shalt  }
0x51: {  	_ =	shalt  }
0x52: {  	_ =	shalt  }
0x53: {  	_ =	shalt  }
0x54: {  	_ =	shalt  }
0x55: {  	_ =	shalt  }
0x56: {  	_ =	shalt  }
0x57: {  	_ =	shalt  }
0x58: {  	_ =	shalt  }
0x59: {  	_ =	shalt  }
0x5a: {  	_ =	shalt  }
0x5b: {  	_ =	shalt  }
0x5c: {  	_ =	shalt  }
0x5d: {  	_ =	shalt  }
0x5e: {  	_ =	shalt  }
0x5f: {  	_ =	shalt  }
0x60: {  	_ =	shalt  }
0x61: {  	_ =	shalt  }
0x62: {  	_ =	shalt  }
0x63: {  	_ =	shalt  }
0x64: {  	_ =	shalt  }
0x65: {  	_ =	shalt  }
0x66: {  	_ =	shalt  }
0x67: {  	_ =	shalt  }
0x68: {  	_ =	shalt  }
0x69: {  	_ =	shalt  }
0x6a: {  	_ =	shalt  }
0x6b: {  	_ =	shalt  }
0x6c: {  	_ =	shalt  }
0x6d: {  	_ =	shalt  }
0x6e: {  	_ =	shalt  }
0x6f: {  	_ =	shalt  }
0x70: {  	_ =	shalt  }
0x71: {  	_ =	shalt  }
0x72: {  	_ =	shalt  }
0x73: {  	_ =	shalt  }
0x74: {  	_ =	shalt  }
0x75: {  	_ =	shalt  }
0x76: {  	_ =	shalt  }
0x77: {  	_ =	shalt  }
0x78: {  	_ =	shalt  }
0x79: {  	_ =	shalt  }
0x7a: {  	_ =	shalt  }
0x7b: {  	_ =	shalt  }
0x7c: {  	_ =	shalt  }
0x7d: {  	_ =	shalt  }
0x7e: {  	_ =	shalt  }
0x7f: {  	_ =	shalt  }
0x80: {  	_ =	shalt  }
0x81: {  	_ =	shalt  }
0x82: {  	_ =	shalt  }
0x83: {  	_ =	shalt  }
0x84: {  	_ =	shalt  }
0x85: {  	_ =	shalt  }
0x86: {  	_ =	shalt  }
0x87: {  	_ =	shalt  }
.Lfunc_end0:
.L_simem_size_0:
called_computation.3_lowered:
.L_overlay_start_0:
0x88: {  	s2 =	sld [smem:$0x3FD9]  }
0x89: {  	s3 =	sld [smem:$0x3FFE];
	_ =	sdelay $0x1  }
0x8a: {  	s1 =	srdreg.scid  }
0x8b: {  	s0 =	sand.u32 $0x1, s1  }
0x8c: {  	s16 =	sshll.u32 s0, $0xA;
	s2 =	sadd.s32 s3, s2  }
0x8d: {  	s2 =	sadd.s32 s2, s16  }
0x8e: {  	[smem:$0x3FBA] =	sst s2  }
0x8f: {  	_ = 	snop  }
0x90: {  	(tm) =	ssettm $0x1  }
0x91: {  	s17 =	sld [smem:$0x3FFB];
	_ =	sdelay $0x3  }
0x92: {  	_ =	strace s17  }
0x93: {  	s2 =	sld [smem:$0x3FFC];
	_ =	sdelay $0x3  }
0x94: {  	_ =	strace s2  }
0x95: {  	s2 =	sld [smem:$0x3FFD];
	_ =	sdelay $0x3  }
0x96: {  	_ =	strace s2  }
0x97: {  	_ =	strace $0x8FFFFFFF  }
0x98: {  	s18 =	sld [smem:$0x3FDB];
	_ =	sdelay $0x1  }
0x99: {  	s19 =	simm.s32 $_scs_section_size  }
0x9a: {  	s4 =	simm.s32 $_size__tile_overlayer_lowered;
	s5 =	simm.s32 $_tile_overlayer_lowered  }
0x9b: {  	s22 =	simm.s32 $0x1BFF;
	s21 =	sshll.u32 s5, $0x1;
	s2 =	sadd.s32 s19, s18  }
0x9c: {  	s6 =	simm.s32 $0x0;
	s20 =	sshll.u32 s4, $0x1;
	s4 =	sadd.s32 s21, s2  }
0x9d: {  	[timem:s6], [sflag:s22] =	dma.local [hbm:s4], s20  }
0x9e: {  	_ =	swait.ge [sflag:s22], s20  }
0x9f: {  	s3 =	ssub.s32 $0x0, s20;
	[sflag:s22] =	ssyncset.done $0x0  }
0xa0: {  	[sflag:s22] =	ssyncadd.s32 s3;
	_ =	sdelay $0x1  }
0xa1: {  	s23 =	simm.s32 $0x1B8B  }
0xa2: {  	_ =	swait.ge [sflag:s23], $0x1  }
0xa3: {  	[sflag:s23] =	ssyncset.done $0x0  }
0xa4: {  	s25 =	simm.s32 $0x1B8E;
	s24 =	sld [smem:$0x3FFE];
	[sflag:s23] =	ssyncadd.s32 $0xFFFFFFFF  }
0xa5: {  	s26 =	simm.s32 $execute0_lowered;
	[smem:$0x3FD2] =	sst s25  }
0xa6: {  	s4 =	sshll.u32 s26, $0x1;
	_ =	strace $0x8000004F;
	[dreg:$0x1] =	wrdreg $0xFFFFFFFF  }
0xa7: {  	s28 =	simm.s32 $_size_execute0_lowered;
	s2 =	sadd.s32 s2, s4;
	[dreg:$0x0] =	wrdreg $0x0  }
0xa8: {  	s4 =	sshll.u32 s28, $0x1;
	[dreg:$0x2] =	wrdreg s2  }
0xa9: {  	[dreg:$0x3] =	wrdreg s4  }
0xaa: {  	[dreg:$0x4] =	wrdreg $0xC0  }
0xab: {  	_ =	task [dreg:s6], $0x5FFFF  }
0xac: {  	[dreg:$0x1] =	wrdreg $0xFFFFFFFF  }
0xad: {  	[dreg:$0x0] =	wrdreg $0x60  }
0xae: {  	[dreg:$0x2] =	wrdreg s24  }
0xaf: {  	[dreg:$0x3] =	wrdreg $0xAE200  }
0xb0: {  	[dreg:$0x4] =	wrdreg $0x9  }
0xb1: {  	_ =	task.clear_ibuf [dreg:s6], $0x5FFFF;
	_ =	strace $0x9000004F  }
0xb2: {  	s29 =	simm.s32 $0x9;
	_ =	strace $0x80000051  }
0xb3: {  	_ =	swait.ge [sflag:s29], $0x1  }
0xb4: {  	[sflag:s29] =	ssyncadd.s32 $0xFFFFFFFF  }
0xb5: {  	_ =	strace $0x90000051  }
0xb6: {  	_ =	sfence  }
0xb7: {  	s30 =	sld [smem:$0x0];
	_ =	sdelay $0x2  }
0xb8: {  	s31 =	sshll.u32 s1, $0xD;
	s1 =	sshrl.u32 s1, $0x2  }
0xb9: {  	s3 =	sand.u32 $0x4000, s31;
	s1 =	sadd.s32 s1, s30  }
0xba: {  	s0 =	sor.u32 s3, s0;
	s1 =	sshll.u32 s1, $0x11  }
0xbb: {  	s0 =	sor.u32 s1, s0  }
0xbc: {  	s0 =	sadd.s32 $0x8F2B, s0  }
0xbd: {  	[sflag:s0] =	ssyncadd.remote.s32 $0x1  }
0xbe: {  	_ =	sfence.sel $0xFFFF  }
0xbf: {  	[dreg:$0x0] =	wrdreg $0xFFFFFFFF;
	(pc) =	sbr.abs _section_cstart, $3  }
0xc0: {  	[dreg:$0x1] =	wrdreg $0xFFFFFFFF  }
0xc1: {  	_ =	task.clear_ibuf [dreg:s6], $0x2FFFF;
	_ =	strace $0x9FFFFFFF  }
0xc2: {  	(tm) =	ssettm $0x7FFFFFFF  }
0xc3: {  	_ =	shalt  }
tec
execute0_lowered:
.L_overlay_start_1:
0x0: {  	(tag) =	ssettag $0x1  }
0x1: {  	s0 =	srdreg.scid;
	s2 =	rddreg [dreg:$0x0]  }
0x2: {  	s1 =	rddreg [dreg:$0x1];
	s4 =	stileid.u32;
	s5 =	simm.s32 $0x0  }
0x3: {  	s30 =	simm.s32 $0x1;
	s31 =	simm.s32 $0x2;
	s29 =	simm.s32 $0x50  }
0x4: {  	s0 =	sand.u32 $0x1, s0;
	[smem:$0x7FF] =	sst s5;
	s8 =	smul.u32 $0x50000, s4  }
0x5: {  	p0 =	sne.s32 s4, $0x0;
	s3 =	sshll.u32 s0, $0x4;
	_ =	strace $0x80000050  }
0x6: {  	s6 =	smul.u32 $0x27100, s0;
	s0 =	ssub.s32 $0x2, s0;
	s3 =	sor.u32 s4, s3  }
0x7: {  	s7 =	sshrl.u32 s0, $0x1;
	s24 =	sshrl.u32 s8, $0x2;
	s22 =	smul.u32 $0x4E2, s3  }
0x8: {  	s4 =	simm.s32 $0x7620;
	s3 =	sadd.s32 $0x17600, s2;
	s0 =	ssub.s32 s0, s7  }
0x9: {  	s7 =	simm.s32 $0x0;
	s0 =	smax.u32 s0, $0x1;
	s5 =	sadd.s32 s22, s2  }
0xa: {  	s2 =	sadd.s32 s6, s2;
	s6 =	sadd.s32 s24, s1;
	[dreg:$0x6] =	wrdreg s0  }
0xb: {  	s0 =	simm.s32 $0x9E20;
	s23 =	sadd.s32 $0x3A00, s5;
	s5 =	sadd.s32 $0xD800, s5  }
0xc: {  	s2 =	sadd.s32 $0x96800, s2;
	s25 =	sadd.s32 $0x1000, s6;
	s26 =	sadd.s32 $0x2000, s6  }
0xd: {  	s11 =	sadd.s32 $0x3000, s6;
	s12 =	sadd.s32 $0x4000, s6;
	s13 =	sadd.s32 $0x5000, s6  }
0xe: {  	s14 =	sadd.s32 $0x6000, s6;
	s15 =	sadd.s32 $0x7000, s6;
	s16 =	sadd.s32 $0x8000, s6  }
0xf: {  	s17 =	sadd.s32 $0x9000, s6;
	s18 =	sadd.s32 $0xA000, s6;
	[dreg:$0x3] =	wrdreg s23  }
0x10: {  	s19 =	sadd.s32 $0xB000, s6;
	s20 =	sadd.s32 $0xC000, s6;
	[dreg:$0x4] =	wrdreg s5  }
0x11: {  	s21 =	sadd.s32 $0xD000, s6;
	s22 =	sadd.s32 $0xE000, s6;
	[dreg:$0x5] =	wrdreg s2  }
0x12: {  	s24 =	sadd.s32 $0x10000, s6;
	s28 =	sadd.s32 $0x13000, s6;
	[dreg:$0x7] =	wrdreg s25  }
0x13: {  	[dreg:$0x8] =	wrdreg s26;
	s23 =	sadd.s32 $0xF000, s6;
	s25 =	sadd.s32 $0x11000, s6  }
0x14: {  	v0 =	vimm.f32 $0.0e+00;
	s26 =	sadd.s32 $0x12000, s6;
	s2 =	simm.s32 $0x4E20;
	s5 =	simm.s32 $0x3  }
.LBB2_1:
0x15: {  	s8 =	simm.s32 $0x0;
	s9 =	rddreg [dreg:$0x3]  }
0x16: {  	[tilespmem:s8], [sflag:$0x1] =	stream.linear.gather [hbm4b:s9+s8], $0x2710, $0x38;
	[tilespmem:$0x1EE20] =	vst v63  }
0x17: {  	s10 =	simm.s32 $0x2710;
	s9 =	rddreg [dreg:$0x4]  }
0x18: {  	[tilespmem:s10], [sflag:$0x2] =	stream.linear.gather [hbm4b:s9+s8], $0x2710, $0x38;
	[tilespmem:$0x1EE20] =	vst v63  }
0x19: {  	s8 =	simm.s32 $0x0;
	s9 =	simm.s32 $0x200  }
.LBB2_2:
0x1a: {  	p1 =	sne.s32 s9, $0x3E00;
	[tilespmem:s8+$0x9E90] =	vst v0  }
0x1b: {  	[tilespmem:s8+$0x9E20] =	vst v0  }
0x1c: {  	[tilespmem:s8+$0x9E30] =	vst v0  }
.Ltmp0:
0x1d: {  	[tilespmem:s8+$0x9E40] =	vst v0;
	(pc) =	sbr.rel @p1 .LBB2_2-.Ltmp0, $4  }
0x1e: {  	[tilespmem:s8+$0x9E50] =	vst v0  }
0x1f: {  	[tilespmem:s8+$0x9E60] =	vst v0  }
0x20: {  	[tilespmem:s8+$0x9E70] =	vst v0  }
0x21: {  	[tilespmem:s8+$0x9E80] =	vst v0;
	s8 =	sshra.s32 s9, $0x2;
	s9 =	sadd.s32 $0x200, s9  }
0x22: {  	[tilespmem:s8+$0x9E90] =	vst v0  }
0x23: {  	[tilespmem:s8+$0x9E20] =	vst v0  }
0x24: {  	[tilespmem:s8+$0x9E30] =	vst v0  }
0x25: {  	[tilespmem:s8+$0x9E40] =	vst v0  }
0x26: {  	[tilespmem:s8+$0x9E50] =	vst v0  }
0x27: {  	[tilespmem:s8+$0x9E60] =	vst v0  }
0x28: {  	[tilespmem:s8+$0x9E70] =	vst v0  }
0x29: {  	[tilespmem:s8+$0x9E80] =	vst v0  }
0x2a: {  	_ =	swait.ge [sflag:s30], $0x2710  }
0x2b: {  	[sflag:s30] =	ssyncset.done $0x0  }
0x2c: {  	[sflag:s30] =	ssyncadd.s32 $0xFFFFD8F0  }
0x2d: {  	_ =	swait.ge [sflag:s31], $0x2710  }
0x2e: {  	[sflag:s31] =	ssyncset.done $0x0  }
0x2f: {  	[sflag:s31] =	ssyncadd.s32 $0xFFFFD8F0  }
0x30: {  	[spmem:s6] =	stream.linear.scatter [tilespmem:s0], [sflag:$0x1], $0x1000, $0x38;
	[tilespmem:$0x1EE20] =	vst v63  }
0x31: {  	s9 =	rddreg [dreg:$0x7]  }
0x32: {  	[spmem:s9] =	stream.linear.scatter [tilespmem:s0], [sflag:$0x1], $0x1000, $0x38;
	[tilespmem:$0x1EE20] =	vst v63  }
0x33: {  	s10 =	rddreg [dreg:$0x8]  }
0x34: {  	[spmem:s10] =	stream.linear.scatter [tilespmem:s0], [sflag:$0x1], $0x1000, $0x38;
	[tilespmem:$0x1EE20] =	vst v63  }
0x35: {  	_ = 	snop  }
0x36: {  	[spmem:s11] =	stream.linear.scatter [tilespmem:s0], [sflag:$0x1], $0x1000, $0x38;
	[tilespmem:$0x1EE20] =	vst v63  }
0x37: {  	_ = 	snop  }
0x38: {  	[spmem:s12] =	stream.linear.scatter [tilespmem:s0], [sflag:$0x1], $0x1000, $0x38;
	[tilespmem:$0x1EE20] =	vst v63  }
0x39: {  	_ = 	snop  }
0x3a: {  	[spmem:s13] =	stream.linear.scatter [tilespmem:s0], [sflag:$0x1], $0x1000, $0x38;
	[tilespmem:$0x1EE20] =	vst v63  }
0x3b: {  	_ = 	snop  }
0x3c: {  	[spmem:s14] =	stream.linear.scatter [tilespmem:s0], [sflag:$0x1], $0x1000, $0x38;
	[tilespmem:$0x1EE20] =	vst v63  }
0x3d: {  	_ = 	snop  }
0x3e: {  	[spmem:s15] =	stream.linear.scatter [tilespmem:s0], [sflag:$0x1], $0x1000, $0x38;
	[tilespmem:$0x1EE20] =	vst v63  }
0x3f: {  	_ = 	snop  }
0x40: {  	[spmem:s16] =	stream.linear.scatter [tilespmem:s0], [sflag:$0x1], $0x1000, $0x38;
	[tilespmem:$0x1EE20] =	vst v63  }
0x41: {  	_ = 	snop  }
0x42: {  	[spmem:s17] =	stream.linear.scatter [tilespmem:s0], [sflag:$0x1], $0x1000, $0x38;
	[tilespmem:$0x1EE20] =	vst v63  }
0x43: {  	_ = 	snop  }
0x44: {  	[spmem:s18] =	stream.linear.scatter [tilespmem:s0], [sflag:$0x1], $0x1000, $0x38;
	[tilespmem:$0x1EE20] =	vst v63  }
0x45: {  	_ = 	snop  }
0x46: {  	[spmem:s19] =	stream.linear.scatter [tilespmem:s0], [sflag:$0x1], $0x1000, $0x38;
	[tilespmem:$0x1EE20] =	vst v63  }
0x47: {  	_ = 	snop  }
0x48: {  	[spmem:s20] =	stream.linear.scatter [tilespmem:s0], [sflag:$0x1], $0x1000, $0x38;
	[tilespmem:$0x1EE20] =	vst v63  }
0x49: {  	_ = 	snop  }
0x4a: {  	[spmem:s21] =	stream.linear.scatter [tilespmem:s0], [sflag:$0x1], $0x1000, $0x38;
	[tilespmem:$0x1EE20] =	vst v63  }
0x4b: {  	_ = 	snop  }
0x4c: {  	[spmem:s22] =	stream.linear.scatter [tilespmem:s0], [sflag:$0x1], $0x1000, $0x38;
	[tilespmem:$0x1EE20] =	vst v63  }
0x4d: {  	_ = 	snop  }
0x4e: {  	[spmem:s23] =	stream.linear.scatter [tilespmem:s0], [sflag:$0x1], $0x1000, $0x38;
	[tilespmem:$0x1EE20] =	vst v63  }
0x4f: {  	_ = 	snop  }
0x50: {  	[spmem:s24] =	stream.linear.scatter [tilespmem:s0], [sflag:$0x1], $0x1000, $0x38;
	[tilespmem:$0x1EE20] =	vst v63  }
0x51: {  	_ = 	snop  }
0x52: {  	[spmem:s25] =	stream.linear.scatter [tilespmem:s0], [sflag:$0x1], $0x1000, $0x38;
	[tilespmem:$0x1EE20] =	vst v63  }
0x53: {  	_ = 	snop  }
0x54: {  	[spmem:s26] =	stream.linear.scatter [tilespmem:s0], [sflag:$0x1], $0x1000, $0x38;
	[tilespmem:$0x1EE20] =	vst v63  }
0x55: {  	_ = 	snop  }
0x56: {  	[spmem:s28] =	stream.linear.scatter [tilespmem:s0], [sflag:$0x1], $0x1000, $0x38;
	[tilespmem:$0x1EE20] =	vst v63  }
0x57: {  	_ =	swait.ge [sflag:s30], $0x1000  }
0x58: {  	[sflag:s30] =	ssyncset.done $0x0  }
0x59: {  	[sflag:s30] =	ssyncadd.s32 $0xFFFFF000  }
0x5a: {  	_ =	swait.ge [sflag:s30], $0x1000  }
0x5b: {  	[sflag:s30] =	ssyncset.done $0x0  }
0x5c: {  	[sflag:s30] =	ssyncadd.s32 $0xFFFFF000  }
0x5d: {  	_ =	swait.ge [sflag:s30], $0x1000  }
0x5e: {  	[sflag:s30] =	ssyncset.done $0x0  }
0x5f: {  	[sflag:s30] =	ssyncadd.s32 $0xFFFFF000  }
0x60: {  	_ =	swait.ge [sflag:s30], $0x1000  }
0x61: {  	[sflag:s30] =	ssyncset.done $0x0  }
0x62: {  	[sflag:s30] =	ssyncadd.s32 $0xFFFFF000  }
0x63: {  	_ =	swait.ge [sflag:s30], $0x1000  }
0x64: {  	[sflag:s30] =	ssyncset.done $0x0  }
0x65: {  	[sflag:s30] =	ssyncadd.s32 $0xFFFFF000  }
0x66: {  	_ =	swait.ge [sflag:s30], $0x1000  }
0x67: {  	[sflag:s30] =	ssyncset.done $0x0  }
0x68: {  	[sflag:s30] =	ssyncadd.s32 $0xFFFFF000  }
0x69: {  	_ =	swait.ge [sflag:s30], $0x1000  }
0x6a: {  	[sflag:s30] =	ssyncset.done $0x0  }
0x6b: {  	[sflag:s30] =	ssyncadd.s32 $0xFFFFF000  }
0x6c: {  	_ =	swait.ge [sflag:s30], $0x1000  }
0x6d: {  	[sflag:s30] =	ssyncset.done $0x0  }
0x6e: {  	[sflag:s30] =	ssyncadd.s32 $0xFFFFF000  }
0x6f: {  	_ =	swait.ge [sflag:s30], $0x1000  }
0x70: {  	[sflag:s30] =	ssyncset.done $0x0  }
0x71: {  	[sflag:s30] =	ssyncadd.s32 $0xFFFFF000  }
0x72: {  	_ =	swait.ge [sflag:s30], $0x1000  }
0x73: {  	[sflag:s30] =	ssyncset.done $0x0  }
0x74: {  	[sflag:s30] =	ssyncadd.s32 $0xFFFFF000  }
0x75: {  	_ =	swait.ge [sflag:s30], $0x1000  }
0x76: {  	[sflag:s30] =	ssyncset.done $0x0  }
0x77: {  	[sflag:s30] =	ssyncadd.s32 $0xFFFFF000  }
0x78: {  	_ =	swait.ge [sflag:s30], $0x1000  }
0x79: {  	[sflag:s30] =	ssyncset.done $0x0  }
0x7a: {  	[sflag:s30] =	ssyncadd.s32 $0xFFFFF000  }
0x7b: {  	_ =	swait.ge [sflag:s30], $0x1000  }
0x7c: {  	[sflag:s30] =	ssyncset.done $0x0  }
0x7d: {  	[sflag:s30] =	ssyncadd.s32 $0xFFFFF000  }
0x7e: {  	_ =	swait.ge [sflag:s30], $0x1000  }
0x7f: {  	[sflag:s30] =	ssyncset.done $0x0  }
0x80: {  	[sflag:s30] =	ssyncadd.s32 $0xFFFFF000  }
0x81: {  	_ =	swait.ge [sflag:s30], $0x1000  }
0x82: {  	[sflag:s30] =	ssyncset.done $0x0  }
0x83: {  	[sflag:s30] =	ssyncadd.s32 $0xFFFFF000  }
0x84: {  	_ =	swait.ge [sflag:s30], $0x1000  }
0x85: {  	[sflag:s30] =	ssyncset.done $0x0  }
0x86: {  	[sflag:s30] =	ssyncadd.s32 $0xFFFFF000  }
0x87: {  	_ =	swait.ge [sflag:s30], $0x1000  }
0x88: {  	[sflag:s30] =	ssyncset.done $0x0  }
0x89: {  	[sflag:s30] =	ssyncadd.s32 $0xFFFFF000  }
0x8a: {  	_ =	swait.ge [sflag:s30], $0x1000  }
0x8b: {  	[sflag:s30] =	ssyncset.done $0x0  }
0x8c: {  	[sflag:s30] =	ssyncadd.s32 $0xFFFFF000  }
0x8d: {  	_ =	swait.ge [sflag:s30], $0x1000  }
0x8e: {  	[sflag:s30] =	ssyncset.done $0x0  }
0x8f: {  	[sflag:s30] =	ssyncadd.s32 $0xFFFFF000  }
0x90: {  	_ =	swait.ge [sflag:s30], $0x1000  }
0x91: {  	[sflag:s30] =	ssyncset.done $0x0  }
0x92: {  	[sflag:s30] =	ssyncadd.s32 $0xFFFFF000  }
0x93: {  	s9 =	simm.s32 $0x0;
	[bflag:$0x0] =	sbarrier.arrive $0xFFFF  }
0x94: {  	[tilespmem:s2], [sflag:$0x1] =	stream.indirect.gather [hbm4b:s3+s29], $0x80, s9, s29, $0xb8;
	[tilespmem:$0x1EE20] =	vst v63  }
0x95: {  	_ = 	snop  }
0x96: {  	[tilespmem:s4], [sflag:$0x2] =	stream.indirect.gather [hbm4b:s3+s29], $0x80, s29, s29, $0xb8;
	[tilespmem:$0x1EE20] =	vst v63  }
0x97: {  	_ =	swait.ge [sflag:s30], $0x2800  }
0x98: {  	[sflag:s30] =	ssyncset.done $0x0  }
0x99: {  	s10 =	simm.s32 $0x2710;
	[sflag:s30] =	ssyncadd.s32 $0xFFFFD800  }
0x9a: {  	[spmem:s1] =	stream.indirect.scatter.add.f32 [tilespmem:s2], [sflag:$0x3], $0x80, s10, s29, $0xb8;
	[tilespmem:$0x1EE20] =	vst v63  }
0x9b: {  	_ =	swait.ge [sflag:s5], $0x2800  }
0x9c: {  	[sflag:s5] =	ssyncset.done $0x0  }
0x9d: {  	s9 =	simm.s32 $0xA0;
	[sflag:s5] =	ssyncadd.s32 $0xFFFFD800  }
0x9e: {  	[tilespmem:s2], [sflag:$0x1] =	stream.indirect.gather [hbm4b:s3+s29], $0x80, s9, s29, $0xb8;
	[tilespmem:$0x1EE20] =	vst v63  }
0x9f: {  	_ =	swait.ge [sflag:s31], $0x2800  }
0xa0: {  	[sflag:s31] =	ssyncset.done $0x0  }
0xa1: {  	s10 =	simm.s32 $0x2760;
	[sflag:s31] =	ssyncadd.s32 $0xFFFFD800  }
0xa2: {  	[spmem:s1] =	stream.indirect.scatter.add.f32 [tilespmem:s4], [sflag:$0x3], $0x80, s10, s29, $0xb8;
	[tilespmem:$0x1EE20] =	vst v63  }
0xa3: {  	_ =	swait.ge [sflag:s5], $0x2800  }
0xa4: {  	[sflag:s5] =	ssyncset.done $0x0  }
0xa5: {  	s8 =	simm.s32 $0x280;
	s9 =	simm.s32 $0xF0;
	[sflag:s5] =	ssyncadd.s32 $0xFFFFD800  }
.LBB2_4:
0xa6: {  	[tilespmem:s4], [sflag:$0x2] =	stream.indirect.gather [hbm4b:s3+s29], $0x80, s9, s29, $0xb8;
	[tilespmem:$0x1EE20] =	vst v63  }
0xa7: {  	s9 =	smov.u32 s8  }
0xa8: {  	p1 =	sne.s32 s8, $0x9600;
	s8 =	sadd.s32 $0x280, s8;
	_ =	swait.ge [sflag:s30], $0x2800  }
0xa9: {  	s9 =	sshra.s32 s9, $0x2;
	[sflag:s30] =	ssyncset.done $0x0  }
0xaa: {  	s10 =	sadd.s32 $0x2710, s9;
	[sflag:s30] =	ssyncadd.s32 $0xFFFFD800  }
0xab: {  	[spmem:s1] =	stream.indirect.scatter.add.f32 [tilespmem:s2], [sflag:$0x3], $0x80, s10, s29, $0xb8;
	[tilespmem:$0x1EE20] =	vst v63  }
0xac: {  	_ =	swait.ge [sflag:s5], $0x2800  }
0xad: {  	[sflag:s5] =	ssyncset.done $0x0  }
0xae: {  	s10 =	sadd.s32 $0xA0, s9;
	[sflag:s5] =	ssyncadd.s32 $0xFFFFD800  }
0xaf: {  	[tilespmem:s2], [sflag:$0x1] =	stream.indirect.gather [hbm4b:s3+s29], $0x80, s10, s29, $0xb8;
	[tilespmem:$0x1EE20] =	vst v63  }
0xb0: {  	_ =	swait.ge [sflag:s31], $0x2800  }
0xb1: {  	[sflag:s31] =	ssyncset.done $0x0  }
.Ltmp1:
0xb2: {  	s10 =	sadd.s32 $0x2760, s9;
	[sflag:s31] =	ssyncadd.s32 $0xFFFFD800;
	(pc) =	sbr.rel @p1 .LBB2_4-.Ltmp1, $4  }
0xb3: {  	[spmem:s1] =	stream.indirect.scatter.add.f32 [tilespmem:s4], [sflag:$0x3], $0x80, s10, s29, $0xb8;
	[tilespmem:$0x1EE20] =	vst v63  }
0xb4: {  	_ =	swait.ge [sflag:s5], $0x2800  }
0xb5: {  	[sflag:s5] =	ssyncset.done $0x0  }
0xb6: {  	s9 =	sadd.s32 $0xF0, s9;
	[sflag:s5] =	ssyncadd.s32 $0xFFFFD800  }
0xb7: {  	[tilespmem:s4], [sflag:$0x2] =	stream.indirect.gather [hbm4b:s3+s29], $0x80, s9, s29, $0xb8;
	[tilespmem:$0x1EE20] =	vst v63  }
0xb8: {  	_ =	swait.ge [sflag:s30], $0x2800  }
0xb9: {  	[sflag:s30] =	ssyncset.done $0x0  }
0xba: {  	s8 =	simm.s32 $0x4D30;
	[sflag:s30] =	ssyncadd.s32 $0xFFFFD800  }
0xbb: {  	[spmem:s1] =	stream.indirect.scatter.add.f32 [tilespmem:s2], [sflag:$0x3], $0x80, s8, s29, $0xb8;
	[tilespmem:$0x1EE20] =	vst v63  }
0xbc: {  	_ =	swait.ge [sflag:s5], $0x2800  }
0xbd: {  	[sflag:s5] =	ssyncset.done $0x0  }
0xbe: {  	s9 =	simm.s32 $0x26C0;
	[sflag:s5] =	ssyncadd.s32 $0xFFFFD800  }
0xbf: {  	[tilespmem:s2], [sflag:$0x1] =	stream.indirect.gather [hbm4b:s3+s29], $0x80, s9, s29, $0xb8;
	[tilespmem:$0x1EE20] =	vst v63  }
0xc0: {  	_ =	swait.ge [sflag:s31], $0x2800  }
0xc1: {  	[sflag:s31] =	ssyncset.done $0x0  }
0xc2: {  	s10 =	simm.s32 $0x4D80;
	[sflag:s31] =	ssyncadd.s32 $0xFFFFD800  }
0xc3: {  	[spmem:s1] =	stream.indirect.scatter.add.f32 [tilespmem:s4], [sflag:$0x3], $0x80, s10, s29, $0xb8;
	[tilespmem:$0x1EE20] =	vst v63  }
0xc4: {  	_ =	swait.ge [sflag:s5], $0x2800  }
0xc5: {  	[sflag:s5] =	ssyncset.done $0x0  }
0xc6: {  	[sflag:s5] =	ssyncadd.s32 $0xFFFFD800  }
0xc7: {  	_ =	swait.ge [sflag:s30], $0x2800  }
0xc8: {  	[sflag:s30] =	ssyncset.done $0x0  }
0xc9: {  	s9 =	simm.s32 $0x4DD0;
	[sflag:s30] =	ssyncadd.s32 $0xFFFFD800  }
0xca: {  	[spmem:s1] =	stream.indirect.scatter.add.f32 [tilespmem:s2], [sflag:$0x3], $0x80, s9, s29, $0xb8;
	[tilespmem:$0x1EE20] =	vst v63  }
0xcb: {  	_ =	swait.ge [sflag:s5], $0x2800  }
0xcc: {  	[sflag:s5] =	ssyncset.done $0x0  }
0xcd: {  	[sflag:s5] =	ssyncadd.s32 $0xFFFFD800  }
0xce: {  	[bflag:$0x0] =	sbarrier.arrive $0xFFFF  }
0xcf: {  	s8 =	sshrl.u32 @!p0 s1, $0x3;
	s9 =	simm.s32 @!p0 $0x1C03;
	s10 =	rddreg [dreg:$0x5]  }
0xd0: {  	[hbm:s10], [sflag:s9] =	dma.local @!p0 [spmem:s8], $0x27100  }
0xd1: {  	s8 =	simm.s32 @!p0 $0x3  }
0xd2: {  	_ =	swait.ge @!p0 [sflag:s8], $0x27100  }
0xd3: {  	s7 =	sadd.s32 $0x1, s7;
	s10 =	rddreg [dreg:$0x6]  }
0xd4: {  	p1 =	sne.s32 s7, s10  }
.Ltmp2:
0xd5: {  	_ = 	snop;
	(pc) =	sbr.rel @p1 .LBB2_1-.Ltmp2, $3  }
0xd6: {  	_ =	sdelay $0x1  }
0xd7: {  	[sflag:s8] =	ssyncset.done @!p0 $0x0  }
0xd8: {  	[sflag:s8] =	ssyncadd.s32 @!p0 $0xFFFD8F00  }
0xd9: {  	_ =	sfence.sel $0x180000  }
0xda: {  	[bflag:$0x0] =	sbarrier.arrive $0xFFFF  }
0xdb: {  	_ =	strace $0x90000050  }
0xdc: {  	[bflag:$0x2] =	sbarrier.arrive $0xFFFF  }
0xdd: {  	s0 =	rddreg [dreg:$0x2]  }
0xde: {  	s0 =	sadd.s32 @!p0 $0x100000, s0  }
0xdf: {  	[sflag:s0] =	ssyncadd.tile.s32 @!p0 $0x1;
	_ =	shalt  }
.Lfunc_end2:
_tile_overlayer_lowered:
.L_overlay_start_2:
0xe0: {  	(tag) =	ssettag $0x2  }
0xe1: {  	s0 =	rddreg [dreg:$0x0];
	s2 =	stileid.u32  }
0xe2: {  	s1 =	rddreg [dreg:$0x1];
	p0 =	sne.s32 s2, $0x0  }
0xe3: {  	s3 =	rddreg [dreg:$0x2];
	[bflag:$0x3] =	sbarrier.arrive $0xFFFF;
	s2 =	simm.s32 @!p0 $0x1C03  }
0xe4: {  	[timem:s3], [sflag:s2] =	dma.local @!p0 [hbm:s0], s1  }
0xe5: {  	s0 =	simm.s32 @!p0 $0x3  }
0xe6: {  	_ =	swait.ge @!p0 [sflag:s0], s1  }
0xe7: {  	s1 =	ssub.s32 @!p0 $0x0, s1;
	[sflag:s0] =	ssyncset.done @!p0 $0x0  }
0xe8: {  	[sflag:s0] =	ssyncadd.s32 @!p0 s1  }
0xe9: {  	[bflag:$0x3] =	sbarrier.arrive $0xFFFF  }
0xea: {  	_ =	shalt  }

// kernel: kernel.24.cloned.1.call-start
scs
__scs_entry_jumppad:
0x0: {  	(pc) =	sbr.rel $0x88, $3  }
0x1: {  	(tag) =	ssettag $0x0;
	lr =	simm.s32 $0x1  }
0x2: {  	[smem:$0x3F93] =	sst lr;
	_ =	strace $0xD0000000  }
0x3: {  	_ = 	snop  }
0x4: {  	_ = 	snop  }
0x5: {  	_ = 	snop  }
0x6: {  	_ = 	snop  }
0x7: {  	_ = 	snop  }
__scs_overlays_trampoline_lowered:
0x8: {  	[smem:$0x3FA2] =	sst s0  }
0x9: {  	[smem:$0x3FA3] =	sst s1  }
0xa: {  	[smem:$0x3FA4] =	sst s2  }
0xb: {  	[smem:$0x3FA5] =	sst s3  }
0xc: {  	[smem:$0x3FA6] =	sst s4  }
0xd: {  	[smem:$0x3FA7] =	sst s5  }
0xe: {  	[smem:$0x3FA8] =	sst s6  }
0xf: {  	[smem:$0x3FA9] =	sst s7  }
0x10: {  	[smem:$0x3FAA] =	sst s8  }
0x11: {  	[smem:$0x3FAB] =	sst s9;
	s0 =	simm.s32 @!p0 $0x0  }
0x12: {  	s1 =	sld [smem:$0x3F91];
	s0 =	simm.s32 @p0 $0x1  }
0x13: {  	[smem:$0x3FAC] =	sst s0;
	s0 =	simm.s32 @!p1 $0x0  }
0x14: {  	s2 =	sld [smem:$0x3F90];
	s0 =	simm.s32 @p1 $0x1  }
0x15: {  	[smem:$0x3FAD] =	sst s0;
	s0 =	simm.s32 @!p2 $0x0  }
0x16: {  	s3 =	sld [smem:$0x3FDB];
	s0 =	simm.s32 @p2 $0x1  }
0x17: {  	s4 =	simm.s32 $0x1BF5;
	[smem:$0x3FAF] =	sst s0  }
0x18: {  	s0 =	sld [smem:$0x3F92];
	_ =	swait.ge [sflag:s4], $0x0  }
0x19: {  	s7 =	sld [smem:$0x3F93]  }
0x1a: {  	s8 =	sadd.s32 $0xFFFFE003, lr  }
0x1b: {  	s9 =	sadd.s32 $0xFFFFFEF7, lr;
	s5 =	simm.s32 $0xFFFFFFFF;
	p2 =	slt.u32 s8, $0xFFFFF086  }
0x1c: {  	p1 =	slt.u32 s9, $0xF7A;
	s5 =	simm.s32 @!p2 $0x0  }
0x1d: {  	s5 =	simm.s32 @p1 $0x1;
	p0 =	seq.s32 s7, s2  }
0x1e: {  	s7 =	smul.u32 @!p0 $0xF7A, s2;
	p2 =	seq.s32 @!p0 s5, $0x0  }
0x1f: {  	s9 =	smul.u32 $0xF7A, s1;
	s8 =	simm.s32 @!p0 $0x1BF5;
	p2 =	por !p2, p0  }
0x20: {  	[sflag:s8] =	ssyncset.s32 @!p0 $0xFFFFF086;
	s6 =	sadd.s32 @!p0 s3, s7;
	s7 =	simm.s32 @!p0 $0x108  }
0x21: {  	s3 =	sadd.s32 s3, s9;
	s6 =	sadd.s32 @!p0 $0x88, s6;
	s7 =	simm.s32 @p2 $0x1082  }
0x22: {  	[simem:s7], [sflag:s8] =	dma.local @!p0 [hbm:s6], $0xF7A  }
0x23: {  	s9 =	sor.u32 $0xD0000000, s2;
	s6 =	simm.s32 $0x108;
	_ =	swait.ge @!p0 [sflag:s8], $0x0  }
0x24: {  	s3 =	sadd.s32 $0x88, s3;
	s6 =	simm.s32 @!p1 $0x1082;
	[sflag:s4] =	ssyncset.s32 $0xFFFFF086  }
0x25: {  	[simem:s6], [sflag:s4] =	dma.local [hbm:s3], $0xF7A  }
0x26: {  	[smem:$0x3F93] =	sst s1;
	(tag) =	ssettag s2;
	_ =	strace s9  }
0x27: {  	s1 =	sld [smem:$0x3FA3]  }
0x28: {  	s2 =	sld [smem:$0x3FA4]  }
0x29: {  	s4 =	sld [smem:$0x3FA6]  }
0x2a: {  	p0 =	seq.s32 s5, $0x0;
	s5 =	sld [smem:$0x3FA7]  }
0x2b: {  	s6 =	sld [smem:$0x3FA8]  }
0x2c: {  	s7 =	sld [smem:$0x3FA9]  }
0x2d: {  	s3 =	simm.s32 $0x108;
	s8 =	sld [smem:$0x3FAA]  }
0x2e: {  	s3 =	simm.s32 @!p0 $0x1082;
	s9 =	sld [smem:$0x3FAB]  }
0x2f: {  	lr =	sadd.s32 s0, s3;
	s0 =	sld [smem:$0x3FA2]  }
0x30: {  	s3 =	sld [smem:$0x3FA5]  }
0x31: {  	[smem:$0x3FAE] =	sst s10  }
0x32: {  	s10 =	sld [smem:$0x3FAC];
	_ =	sdelay $0x3  }
0x33: {  	p0 =	seq.s32 s10, $0x1;
	s10 =	sld [smem:$0x3FAE];
	_ =	sdelay $0x3  }
0x34: {  	[smem:$0x3FAE] =	sst s10  }
0x35: {  	s10 =	sld [smem:$0x3FAD];
	_ =	sdelay $0x3  }
0x36: {  	p1 =	seq.s32 s10, $0x1;
	s10 =	sld [smem:$0x3FAE];
	_ =	sdelay $0x3  }
0x37: {  	[smem:$0x3FAE] =	sst s10  }
0x38: {  	s10 =	sld [smem:$0x3FAF]  }
0x39: {  	_ = 	snop;
	(pc) =	sbr.ind lr, $3  }
0x3a: {  	_ = 	snop  }
0x3b: {  	_ = 	snop  }
0x3c: {  	p2 =	seq.s32 s10, $0x1;
	s10 =	sld [smem:$0x3FAE]  }
0x3d: {  	_ =	shalt  }
0x3e: {  	_ =	shalt  }
0x3f: {  	_ =	shalt  }
0x40: {  	_ =	shalt  }
0x41: {  	_ =	shalt  }
0x42: {  	_ =	shalt  }
0x43: {  	_ =	shalt  }
0x44: {  	_ =	shalt  }
0x45: {  	_ =	shalt  }
0x46: {  	_ =	shalt  }
0x47: {  	_ =	shalt  }
0x48: {  	_ =	shalt  }
0x49: {  	_ =	shalt  }
0x4a: {  	_ =	shalt  }
0x4b: {  	_ =	shalt  }
0x4c: {  	_ =	shalt  }
0x4d: {  	_ =	shalt  }
0x4e: {  	_ =	shalt  }
0x4f: {  	_ =	shalt  }
0x50: {  	_ =	shalt  }
0x51: {  	_ =	shalt  }
0x52: {  	_ =	shalt  }
0x53: {  	_ =	shalt  }
0x54: {  	_ =	shalt  }
0x55: {  	_ =	shalt  }
0x56: {  	_ =	shalt  }
0x57: {  	_ =	shalt  }
0x58: {  	_ =	shalt  }
0x59: {  	_ =	shalt  }
0x5a: {  	_ =	shalt  }
0x5b: {  	_ =	shalt  }
0x5c: {  	_ =	shalt  }
0x5d: {  	_ =	shalt  }
0x5e: {  	_ =	shalt  }
0x5f: {  	_ =	shalt  }
0x60: {  	_ =	shalt  }
0x61: {  	_ =	shalt  }
0x62: {  	_ =	shalt  }
0x63: {  	_ =	shalt  }
0x64: {  	_ =	shalt  }
0x65: {  	_ =	shalt  }
0x66: {  	_ =	shalt  }
0x67: {  	_ =	shalt  }
0x68: {  	_ =	shalt  }
0x69: {  	_ =	shalt  }
0x6a: {  	_ =	shalt  }
0x6b: {  	_ =	shalt  }
0x6c: {  	_ =	shalt  }
0x6d: {  	_ =	shalt  }
0x6e: {  	_ =	shalt  }
0x6f: {  	_ =	shalt  }
0x70: {  	_ =	shalt  }
0x71: {  	_ =	shalt  }
0x72: {  	_ =	shalt  }
0x73: {  	_ =	shalt  }
0x74: {  	_ =	shalt  }
0x75: {  	_ =	shalt  }
0x76: {  	_ =	shalt  }
0x77: {  	_ =	shalt  }
0x78: {  	_ =	shalt  }
0x79: {  	_ =	shalt  }
0x7a: {  	_ =	shalt  }
0x7b: {  	_ =	shalt  }
0x7c: {  	_ =	shalt  }
0x7d: {  	_ =	shalt  }
0x7e: {  	_ =	shalt  }
0x7f: {  	_ =	shalt  }
0x80: {  	_ =	shalt  }
0x81: {  	_ =	shalt  }
0x82: {  	_ =	shalt  }
0x83: {  	_ =	shalt  }
0x84: {  	_ =	shalt  }
0x85: {  	_ =	shalt  }
0x86: {  	_ =	shalt  }
0x87: {  	_ =	shalt  }
.Lfunc_end0:
.L_simem_size_0:
called_computation.4_lowered:
.L_overlay_start_0:
0x88: {  	s2 =	sld [smem:$0x3FD9]  }
0x89: {  	s3 =	sld [smem:$0x3FFE];
	_ =	sdelay $0x1  }
0x8a: {  	s1 =	srdreg.scid  }
0x8b: {  	s0 =	sand.u32 $0x1, s1  }
0x8c: {  	s16 =	sshll.u32 s0, $0xA;
	s2 =	sadd.s32 s3, s2  }
0x8d: {  	s2 =	sadd.s32 s2, s16  }
0x8e: {  	[smem:$0x3FBA] =	sst s2  }
0x8f: {  	_ = 	snop  }
0x90: {  	(tm) =	ssettm $0x1  }
0x91: {  	s17 =	sld [smem:$0x3FFB];
	_ =	sdelay $0x3  }
0x92: {  	_ =	strace s17  }
0x93: {  	s2 =	sld [smem:$0x3FFC];
	_ =	sdelay $0x3  }
0x94: {  	_ =	strace s2  }
0x95: {  	s2 =	sld [smem:$0x3FFD];
	_ =	sdelay $0x3  }
0x96: {  	_ =	strace s2  }
0x97: {  	_ =	strace $0x8FFFFFFF  }
0x98: {  	s18 =	sld [smem:$0x3FDB];
	_ =	sdelay $0x1  }
0x99: {  	s19 =	simm.s32 $_scs_section_size  }
0x9a: {  	s4 =	simm.s32 $_size__tile_overlayer_lowered;
	s5 =	simm.s32 $_tile_overlayer_lowered  }
0x9b: {  	s22 =	simm.s32 $0x1BFF;
	s21 =	sshll.u32 s5, $0x1;
	s2 =	sadd.s32 s19, s18  }
0x9c: {  	s6 =	simm.s32 $0x0;
	s20 =	sshll.u32 s4, $0x1;
	s4 =	sadd.s32 s21, s2  }
0x9d: {  	[timem:s6], [sflag:s22] =	dma.local [hbm:s4], s20  }
0x9e: {  	_ =	swait.ge [sflag:s22], s20  }
0x9f: {  	s3 =	ssub.s32 $0x0, s20;
	[sflag:s22] =	ssyncset.done $0x0  }
0xa0: {  	[sflag:s22] =	ssyncadd.s32 s3;
	_ =	sdelay $0x1  }
0xa1: {  	s23 =	simm.s32 $0x1B8B  }
0xa2: {  	_ =	swait.ge [sflag:s23], $0x1  }
0xa3: {  	[sflag:s23] =	ssyncset.done $0x0  }
0xa4: {  	s25 =	simm.s32 $0x1B8E;
	s24 =	sld [smem:$0x3FFE];
	[sflag:s23] =	ssyncadd.s32 $0xFFFFFFFF  }
0xa5: {  	s26 =	simm.s32 $execute0_lowered;
	[smem:$0x3FD2] =	sst s25  }
0xa6: {  	s4 =	sshll.u32 s26, $0x1;
	_ =	strace $0x80000052;
	[dreg:$0x1] =	wrdreg $0xFFFFFFFF  }
0xa7: {  	s28 =	simm.s32 $_size_execute0_lowered;
	s2 =	sadd.s32 s2, s4;
	[dreg:$0x0] =	wrdreg $0x0  }
0xa8: {  	s4 =	sshll.u32 s28, $0x1;
	[dreg:$0x2] =	wrdreg s2  }
0xa9: {  	[dreg:$0x3] =	wrdreg s4  }
0xaa: {  	[dreg:$0x4] =	wrdreg $0xC0  }
0xab: {  	_ =	task [dreg:s6], $0x5FFFF  }
0xac: {  	[dreg:$0x1] =	wrdreg $0xFFFFFFFF  }
0xad: {  	[dreg:$0x0] =	wrdreg $0x60  }
0xae: {  	[dreg:$0x2] =	wrdreg s24  }
0xaf: {  	[dreg:$0x3] =	wrdreg $0xAE200  }
0xb0: {  	[dreg:$0x4] =	wrdreg $0x9  }
0xb1: {  	_ =	task.clear_ibuf [dreg:s6], $0x5FFFF;
	_ =	strace $0x90000052  }
0xb2: {  	s29 =	simm.s32 $0x9;
	_ =	strace $0x80000054  }
0xb3: {  	_ =	swait.ge [sflag:s29], $0x1  }
0xb4: {  	[sflag:s29] =	ssyncadd.s32 $0xFFFFFFFF  }
0xb5: {  	_ =	strace $0x90000054  }
0xb6: {  	_ =	sfence  }
0xb7: {  	s30 =	sld [smem:$0x0];
	_ =	sdelay $0x2  }
0xb8: {  	s31 =	sshll.u32 s1, $0xD;
	s1 =	sshrl.u32 s1, $0x2  }
0xb9: {  	s3 =	sand.u32 $0x4000, s31;
	s1 =	sadd.s32 s1, s30  }
0xba: {  	s0 =	sor.u32 s3, s0;
	s1 =	sshll.u32 s1, $0x11  }
0xbb: {  	s0 =	sor.u32 s1, s0  }
0xbc: {  	s0 =	sadd.s32 $0x8F2B, s0  }
0xbd: {  	[sflag:s0] =	ssyncadd.remote.s32 $0x1  }
0xbe: {  	_ =	sfence.sel $0xFFFF  }
0xbf: {  	[dreg:$0x0] =	wrdreg $0xFFFFFFFF;
	(pc) =	sbr.abs _section_cstart, $3  }
0xc0: {  	[dreg:$0x1] =	wrdreg $0xFFFFFFFF  }
0xc1: {  	_ =	task.clear_ibuf [dreg:s6], $0x2FFFF;
	_ =	strace $0x9FFFFFFF  }
0xc2: {  	(tm) =	ssettm $0x7FFFFFFF  }
0xc3: {  	_ =	shalt  }
tec
execute0_lowered:
.L_overlay_start_1:
0x0: {  	(tag) =	ssettag $0x1  }
0x1: {  	s0 =	srdreg.scid;
	s2 =	rddreg [dreg:$0x0]  }
0x2: {  	s1 =	rddreg [dreg:$0x1];
	s4 =	stileid.u32;
	s5 =	simm.s32 $0x0  }
0x3: {  	s30 =	simm.s32 $0x1;
	s31 =	simm.s32 $0x2;
	s29 =	simm.s32 $0x50  }
0x4: {  	s0 =	sand.u32 $0x1, s0;
	[smem:$0x7FF] =	sst s5;
	s8 =	smul.u32 $0x50000, s4  }
0x5: {  	p0 =	sne.s32 s4, $0x0;
	s3 =	sshll.u32 s0, $0x4;
	_ =	strace $0x80000053  }
0x6: {  	s6 =	smul.u32 $0x27100, s0;
	s0 =	ssub.s32 $0x2, s0;
	s3 =	sor.u32 s4, s3  }
0x7: {  	s7 =	sshrl.u32 s0, $0x1;
	s24 =	sshrl.u32 s8, $0x2;
	s22 =	smul.u32 $0x4E2, s3  }
0x8: {  	s4 =	simm.s32 $0x7620;
	s3 =	sadd.s32 $0x17600, s2;
	s0 =	ssub.s32 s0, s7  }
0x9: {  	s7 =	simm.s32 $0x0;
	s0 =	smax.u32 s0, $0x1;
	s5 =	sadd.s32 s22, s2  }
0xa: {  	s2 =	sadd.s32 s6, s2;
	s6 =	sadd.s32 s24, s1;
	[dreg:$0x6] =	wrdreg s0  }
0xb: {  	s0 =	simm.s32 $0x9E20;
	s23 =	sadd.s32 $0x3A00, s5;
	s5 =	sadd.s32 $0xD800, s5  }
0xc: {  	s2 =	sadd.s32 $0x96800, s2;
	s25 =	sadd.s32 $0x1000, s6;
	s26 =	sadd.s32 $0x2000, s6  }
0xd: {  	s11 =	sadd.s32 $0x3000, s6;
	s12 =	sadd.s32 $0x4000, s6;
	s13 =	sadd.s32 $0x5000, s6  }
0xe: {  	s14 =	sadd.s32 $0x6000, s6;
	s15 =	sadd.s32 $0x7000, s6;
	s16 =	sadd.s32 $0x8000, s6  }
0xf: {  	s17 =	sadd.s32 $0x9000, s6;
	s18 =	sadd.s32 $0xA000, s6;
	[dreg:$0x3] =	wrdreg s23  }
0x10: {  	s19 =	sadd.s32 $0xB000, s6;
	s20 =	sadd.s32 $0xC000, s6;
	[dreg:$0x4] =	wrdreg s5  }
0x11: {  	s21 =	sadd.s32 $0xD000, s6;
	s22 =	sadd.s32 $0xE000, s6;
	[dreg:$0x5] =	wrdreg s2  }
0x12: {  	s24 =	sadd.s32 $0x10000, s6;
	s28 =	sadd.s32 $0x13000, s6;
	[dreg:$0x7] =	wrdreg s25  }
0x13: {  	[dreg:$0x8] =	wrdreg s26;
	s23 =	sadd.s32 $0xF000, s6;
	s25 =	sadd.s32 $0x11000, s6  }
0x14: {  	v0 =	vimm.f32 $0.0e+00;
	s26 =	sadd.s32 $0x12000, s6;
	s2 =	simm.s32 $0x4E20;
	s5 =	simm.s32 $0x3  }
.LBB2_1:
0x15: {  	s8 =	simm.s32 $0x0;
	s9 =	rddreg [dreg:$0x3]  }
0x16: {  	[tilespmem:s8], [sflag:$0x1] =	stream.linear.gather [hbm4b:s9+s8], $0x2710, $0x38;
	[tilespmem:$0x1EE20] =	vst v63  }
0x17: {  	s10 =	simm.s32 $0x2710;
	s9 =	rddreg [dreg:$0x4]  }
0x18: {  	[tilespmem:s10], [sflag:$0x2] =	stream.linear.gather [hbm4b:s9+s8], $0x2710, $0x38;
	[tilespmem:$0x1EE20] =	vst v63  }
0x19: {  	s8 =	simm.s32 $0x0;
	s9 =	simm.s32 $0x200  }
.LBB2_2:
0x1a: {  	p1 =	sne.s32 s9, $0x3E00;
	[tilespmem:s8+$0x9E90] =	vst v0  }
0x1b: {  	[tilespmem:s8+$0x9E20] =	vst v0  }
0x1c: {  	[tilespmem:s8+$0x9E30] =	vst v0  }
.Ltmp0:
0x1d: {  	[tilespmem:s8+$0x9E40] =	vst v0;
	(pc) =	sbr.rel @p1 .LBB2_2-.Ltmp0, $4  }
0x1e: {  	[tilespmem:s8+$0x9E50] =	vst v0  }
0x1f: {  	[tilespmem:s8+$0x9E60] =	vst v0  }
0x20: {  	[tilespmem:s8+$0x9E70] =	vst v0  }
0x21: {  	[tilespmem:s8+$0x9E80] =	vst v0;
	s8 =	sshra.s32 s9, $0x2;
	s9 =	sadd.s32 $0x200, s9  }
0x22: {  	[tilespmem:s8+$0x9E90] =	vst v0  }
0x23: {  	[tilespmem:s8+$0x9E20] =	vst v0  }
0x24: {  	[tilespmem:s8+$0x9E30] =	vst v0  }
0x25: {  	[tilespmem:s8+$0x9E40] =	vst v0  }
0x26: {  	[tilespmem:s8+$0x9E50] =	vst v0  }
0x27: {  	[tilespmem:s8+$0x9E60] =	vst v0  }
0x28: {  	[tilespmem:s8+$0x9E70] =	vst v0  }
0x29: {  	[tilespmem:s8+$0x9E80] =	vst v0  }
0x2a: {  	_ =	swait.ge [sflag:s30], $0x2710  }
0x2b: {  	[sflag:s30] =	ssyncset.done $0x0  }
0x2c: {  	[sflag:s30] =	ssyncadd.s32 $0xFFFFD8F0  }
0x2d: {  	_ =	swait.ge [sflag:s31], $0x2710  }
0x2e: {  	[sflag:s31] =	ssyncset.done $0x0  }
0x2f: {  	[sflag:s31] =	ssyncadd.s32 $0xFFFFD8F0  }
0x30: {  	[spmem:s6] =	stream.linear.scatter [tilespmem:s0], [sflag:$0x1], $0x1000, $0x38;
	[tilespmem:$0x1EE20] =	vst v63  }
0x31: {  	s9 =	rddreg [dreg:$0x7]  }
0x32: {  	[spmem:s9] =	stream.linear.scatter [tilespmem:s0], [sflag:$0x1], $0x1000, $0x38;
	[tilespmem:$0x1EE20] =	vst v63  }
0x33: {  	s10 =	rddreg [dreg:$0x8]  }
0x34: {  	[spmem:s10] =	stream.linear.scatter [tilespmem:s0], [sflag:$0x1], $0x1000, $0x38;
	[tilespmem:$0x1EE20] =	vst v63  }
0x35: {  	_ = 	snop  }
0x36: {  	[spmem:s11] =	stream.linear.scatter [tilespmem:s0], [sflag:$0x1], $0x1000, $0x38;
	[tilespmem:$0x1EE20] =	vst v63  }
0x37: {  	_ = 	snop  }
0x38: {  	[spmem:s12] =	stream.linear.scatter [tilespmem:s0], [sflag:$0x1], $0x1000, $0x38;
	[tilespmem:$0x1EE20] =	vst v63  }
0x39: {  	_ = 	snop  }
0x3a: {  	[spmem:s13] =	stream.linear.scatter [tilespmem:s0], [sflag:$0x1], $0x1000, $0x38;
	[tilespmem:$0x1EE20] =	vst v63  }
0x3b: {  	_ = 	snop  }
0x3c: {  	[spmem:s14] =	stream.linear.scatter [tilespmem:s0], [sflag:$0x1], $0x1000, $0x38;
	[tilespmem:$0x1EE20] =	vst v63  }
0x3d: {  	_ = 	snop  }
0x3e: {  	[spmem:s15] =	stream.linear.scatter [tilespmem:s0], [sflag:$0x1], $0x1000, $0x38;
	[tilespmem:$0x1EE20] =	vst v63  }
0x3f: {  	_ = 	snop  }
0x40: {  	[spmem:s16] =	stream.linear.scatter [tilespmem:s0], [sflag:$0x1], $0x1000, $0x38;
	[tilespmem:$0x1EE20] =	vst v63  }
0x41: {  	_ = 	snop  }
0x42: {  	[spmem:s17] =	stream.linear.scatter [tilespmem:s0], [sflag:$0x1], $0x1000, $0x38;
	[tilespmem:$0x1EE20] =	vst v63  }
0x43: {  	_ = 	snop  }
0x44: {  	[spmem:s18] =	stream.linear.scatter [tilespmem:s0], [sflag:$0x1], $0x1000, $0x38;
	[tilespmem:$0x1EE20] =	vst v63  }
0x45: {  	_ = 	snop  }
0x46: {  	[spmem:s19] =	stream.linear.scatter [tilespmem:s0], [sflag:$0x1], $0x1000, $0x38;
	[tilespmem:$0x1EE20] =	vst v63  }
0x47: {  	_ = 	snop  }
0x48: {  	[spmem:s20] =	stream.linear.scatter [tilespmem:s0], [sflag:$0x1], $0x1000, $0x38;
	[tilespmem:$0x1EE20] =	vst v63  }
0x49: {  	_ = 	snop  }
0x4a: {  	[spmem:s21] =	stream.linear.scatter [tilespmem:s0], [sflag:$0x1], $0x1000, $0x38;
	[tilespmem:$0x1EE20] =	vst v63  }
0x4b: {  	_ = 	snop  }
0x4c: {  	[spmem:s22] =	stream.linear.scatter [tilespmem:s0], [sflag:$0x1], $0x1000, $0x38;
	[tilespmem:$0x1EE20] =	vst v63  }
0x4d: {  	_ = 	snop  }
0x4e: {  	[spmem:s23] =	stream.linear.scatter [tilespmem:s0], [sflag:$0x1], $0x1000, $0x38;
	[tilespmem:$0x1EE20] =	vst v63  }
0x4f: {  	_ = 	snop  }
0x50: {  	[spmem:s24] =	stream.linear.scatter [tilespmem:s0], [sflag:$0x1], $0x1000, $0x38;
	[tilespmem:$0x1EE20] =	vst v63  }
0x51: {  	_ = 	snop  }
0x52: {  	[spmem:s25] =	stream.linear.scatter [tilespmem:s0], [sflag:$0x1], $0x1000, $0x38;
	[tilespmem:$0x1EE20] =	vst v63  }
0x53: {  	_ = 	snop  }
0x54: {  	[spmem:s26] =	stream.linear.scatter [tilespmem:s0], [sflag:$0x1], $0x1000, $0x38;
	[tilespmem:$0x1EE20] =	vst v63  }
0x55: {  	_ = 	snop  }
0x56: {  	[spmem:s28] =	stream.linear.scatter [tilespmem:s0], [sflag:$0x1], $0x1000, $0x38;
	[tilespmem:$0x1EE20] =	vst v63  }
0x57: {  	_ =	swait.ge [sflag:s30], $0x1000  }
0x58: {  	[sflag:s30] =	ssyncset.done $0x0  }
0x59: {  	[sflag:s30] =	ssyncadd.s32 $0xFFFFF000  }
0x5a: {  	_ =	swait.ge [sflag:s30], $0x1000  }
0x5b: {  	[sflag:s30] =	ssyncset.done $0x0  }
0x5c: {  	[sflag:s30] =	ssyncadd.s32 $0xFFFFF000  }
0x5d: {  	_ =	swait.ge [sflag:s30], $0x1000  }
0x5e: {  	[sflag:s30] =	ssyncset.done $0x0  }
0x5f: {  	[sflag:s30] =	ssyncadd.s32 $0xFFFFF000  }
0x60: {  	_ =	swait.ge [sflag:s30], $0x1000  }
0x61: {  	[sflag:s30] =	ssyncset.done $0x0  }
0x62: {  	[sflag:s30] =	ssyncadd.s32 $0xFFFFF000  }
0x63: {  	_ =	swait.ge [sflag:s30], $0x1000  }
0x64: {  	[sflag:s30] =	ssyncset.done $0x0  }
0x65: {  	[sflag:s30] =	ssyncadd.s32 $0xFFFFF000  }
0x66: {  	_ =	swait.ge [sflag:s30], $0x1000  }
0x67: {  	[sflag:s30] =	ssyncset.done $0x0  }
0x68: {  	[sflag:s30] =	ssyncadd.s32 $0xFFFFF000  }
0x69: {  	_ =	swait.ge [sflag:s30], $0x1000  }
0x6a: {  	[sflag:s30] =	ssyncset.done $0x0  }
0x6b: {  	[sflag:s30] =	ssyncadd.s32 $0xFFFFF000  }
0x6c: {  	_ =	swait.ge [sflag:s30], $0x1000  }
0x6d: {  	[sflag:s30] =	ssyncset.done $0x0  }
0x6e: {  	[sflag:s30] =	ssyncadd.s32 $0xFFFFF000  }
0x6f: {  	_ =	swait.ge [sflag:s30], $0x1000  }
0x70: {  	[sflag:s30] =	ssyncset.done $0x0  }
0x71: {  	[sflag:s30] =	ssyncadd.s32 $0xFFFFF000  }
0x72: {  	_ =	swait.ge [sflag:s30], $0x1000  }
0x73: {  	[sflag:s30] =	ssyncset.done $0x0  }
0x74: {  	[sflag:s30] =	ssyncadd.s32 $0xFFFFF000  }
0x75: {  	_ =	swait.ge [sflag:s30], $0x1000  }
0x76: {  	[sflag:s30] =	ssyncset.done $0x0  }
0x77: {  	[sflag:s30] =	ssyncadd.s32 $0xFFFFF000  }
0x78: {  	_ =	swait.ge [sflag:s30], $0x1000  }
0x79: {  	[sflag:s30] =	ssyncset.done $0x0  }
0x7a: {  	[sflag:s30] =	ssyncadd.s32 $0xFFFFF000  }
0x7b: {  	_ =	swait.ge [sflag:s30], $0x1000  }
0x7c: {  	[sflag:s30] =	ssyncset.done $0x0  }
0x7d: {  	[sflag:s30] =	ssyncadd.s32 $0xFFFFF000  }
0x7e: {  	_ =	swait.ge [sflag:s30], $0x1000  }
0x7f: {  	[sflag:s30] =	ssyncset.done $0x0  }
0x80: {  	[sflag:s30] =	ssyncadd.s32 $0xFFFFF000  }
0x81: {  	_ =	swait.ge [sflag:s30], $0x1000  }
0x82: {  	[sflag:s30] =	ssyncset.done $0x0  }
0x83: {  	[sflag:s30] =	ssyncadd.s32 $0xFFFFF000  }
0x84: {  	_ =	swait.ge [sflag:s30], $0x1000  }
0x85: {  	[sflag:s30] =	ssyncset.done $0x0  }
0x86: {  	[sflag:s30] =	ssyncadd.s32 $0xFFFFF000  }
0x87: {  	_ =	swait.ge [sflag:s30], $0x1000  }
0x88: {  	[sflag:s30] =	ssyncset.done $0x0  }
0x89: {  	[sflag:s30] =	ssyncadd.s32 $0xFFFFF000  }
0x8a: {  	_ =	swait.ge [sflag:s30], $0x1000  }
0x8b: {  	[sflag:s30] =	ssyncset.done $0x0  }
0x8c: {  	[sflag:s30] =	ssyncadd.s32 $0xFFFFF000  }
0x8d: {  	_ =	swait.ge [sflag:s30], $0x1000  }
0x8e: {  	[sflag:s30] =	ssyncset.done $0x0  }
0x8f: {  	[sflag:s30] =	ssyncadd.s32 $0xFFFFF000  }
0x90: {  	_ =	swait.ge [sflag:s30], $0x1000  }
0x91: {  	[sflag:s30] =	ssyncset.done $0x0  }
0x92: {  	[sflag:s30] =	ssyncadd.s32 $0xFFFFF000  }
0x93: {  	s9 =	simm.s32 $0x0;
	[bflag:$0x0] =	sbarrier.arrive $0xFFFF  }
0x94: {  	[tilespmem:s2], [sflag:$0x1] =	stream.indirect.gather [hbm4b:s3+s29], $0x80, s9, s29, $0xb8;
	[tilespmem:$0x1EE20] =	vst v63  }
0x95: {  	_ = 	snop  }
0x96: {  	[tilespmem:s4], [sflag:$0x2] =	stream.indirect.gather [hbm4b:s3+s29], $0x80, s29, s29, $0xb8;
	[tilespmem:$0x1EE20] =	vst v63  }
0x97: {  	_ =	swait.ge [sflag:s30], $0x2800  }
0x98: {  	[sflag:s30] =	ssyncset.done $0x0  }
0x99: {  	s10 =	simm.s32 $0x2710;
	[sflag:s30] =	ssyncadd.s32 $0xFFFFD800  }
0x9a: {  	[spmem:s1] =	stream.indirect.scatter.add.f32 [tilespmem:s2], [sflag:$0x3], $0x80, s10, s29, $0xb8;
	[tilespmem:$0x1EE20] =	vst v63  }
0x9b: {  	_ =	swait.ge [sflag:s5], $0x2800  }
0x9c: {  	[sflag:s5] =	ssyncset.done $0x0  }
0x9d: {  	s9 =	simm.s32 $0xA0;
	[sflag:s5] =	ssyncadd.s32 $0xFFFFD800  }
0x9e: {  	[tilespmem:s2], [sflag:$0x1] =	stream.indirect.gather [hbm4b:s3+s29], $0x80, s9, s29, $0xb8;
	[tilespmem:$0x1EE20] =	vst v63  }
0x9f: {  	_ =	swait.ge [sflag:s31], $0x2800  }
0xa0: {  	[sflag:s31] =	ssyncset.done $0x0  }
0xa1: {  	s10 =	simm.s32 $0x2760;
	[sflag:s31] =	ssyncadd.s32 $0xFFFFD800  }
0xa2: {  	[spmem:s1] =	stream.indirect.scatter.add.f32 [tilespmem:s4], [sflag:$0x3], $0x80, s10, s29, $0xb8;
	[tilespmem:$0x1EE20] =	vst v63  }
0xa3: {  	_ =	swait.ge [sflag:s5], $0x2800  }
0xa4: {  	[sflag:s5] =	ssyncset.done $0x0  }
0xa5: {  	s8 =	simm.s32 $0x280;
	s9 =	simm.s32 $0xF0;
	[sflag:s5] =	ssyncadd.s32 $0xFFFFD800  }
.LBB2_4:
0xa6: {  	[tilespmem:s4], [sflag:$0x2] =	stream.indirect.gather [hbm4b:s3+s29], $0x80, s9, s29, $0xb8;
	[tilespmem:$0x1EE20] =	vst v63  }
0xa7: {  	s9 =	smov.u32 s8  }
0xa8: {  	p1 =	sne.s32 s8, $0x9600;
	s8 =	sadd.s32 $0x280, s8;
	_ =	swait.ge [sflag:s30], $0x2800  }
0xa9: {  	s9 =	sshra.s32 s9, $0x2;
	[sflag:s30] =	ssyncset.done $0x0  }
0xaa: {  	s10 =	sadd.s32 $0x2710, s9;
	[sflag:s30] =	ssyncadd.s32 $0xFFFFD800  }
0xab: {  	[spmem:s1] =	stream.indirect.scatter.add.f32 [tilespmem:s2], [sflag:$0x3], $0x80, s10, s29, $0xb8;
	[tilespmem:$0x1EE20] =	vst v63  }
0xac: {  	_ =	swait.ge [sflag:s5], $0x2800  }
0xad: {  	[sflag:s5] =	ssyncset.done $0x0  }
0xae: {  	s10 =	sadd.s32 $0xA0, s9;
	[sflag:s5] =	ssyncadd.s32 $0xFFFFD800  }
0xaf: {  	[tilespmem:s2], [sflag:$0x1] =	stream.indirect.gather [hbm4b:s3+s29], $0x80, s10, s29, $0xb8;
	[tilespmem:$0x1EE20] =	vst v63  }
0xb0: {  	_ =	swait.ge [sflag:s31], $0x2800  }
0xb1: {  	[sflag:s31] =	ssyncset.done $0x0  }
.Ltmp1:
0xb2: {  	s10 =	sadd.s32 $0x2760, s9;
	[sflag:s31] =	ssyncadd.s32 $0xFFFFD800;
	(pc) =	sbr.rel @p1 .LBB2_4-.Ltmp1, $4  }
0xb3: {  	[spmem:s1] =	stream.indirect.scatter.add.f32 [tilespmem:s4], [sflag:$0x3], $0x80, s10, s29, $0xb8;
	[tilespmem:$0x1EE20] =	vst v63  }
0xb4: {  	_ =	swait.ge [sflag:s5], $0x2800  }
0xb5: {  	[sflag:s5] =	ssyncset.done $0x0  }
0xb6: {  	s9 =	sadd.s32 $0xF0, s9;
	[sflag:s5] =	ssyncadd.s32 $0xFFFFD800  }
0xb7: {  	[tilespmem:s4], [sflag:$0x2] =	stream.indirect.gather [hbm4b:s3+s29], $0x80, s9, s29, $0xb8;
	[tilespmem:$0x1EE20] =	vst v63  }
0xb8: {  	_ =	swait.ge [sflag:s30], $0x2800  }
0xb9: {  	[sflag:s30] =	ssyncset.done $0x0  }
0xba: {  	s8 =	simm.s32 $0x4D30;
	[sflag:s30] =	ssyncadd.s32 $0xFFFFD800  }
0xbb: {  	[spmem:s1] =	stream.indirect.scatter.add.f32 [tilespmem:s2], [sflag:$0x3], $0x80, s8, s29, $0xb8;
	[tilespmem:$0x1EE20] =	vst v63  }
0xbc: {  	_ =	swait.ge [sflag:s5], $0x2800  }
0xbd: {  	[sflag:s5] =	ssyncset.done $0x0  }
0xbe: {  	s9 =	simm.s32 $0x26C0;
	[sflag:s5] =	ssyncadd.s32 $0xFFFFD800  }
0xbf: {  	[tilespmem:s2], [sflag:$0x1] =	stream.indirect.gather [hbm4b:s3+s29], $0x80, s9, s29, $0xb8;
	[tilespmem:$0x1EE20] =	vst v63  }
0xc0: {  	_ =	swait.ge [sflag:s31], $0x2800  }
0xc1: {  	[sflag:s31] =	ssyncset.done $0x0  }
0xc2: {  	s10 =	simm.s32 $0x4D80;
	[sflag:s31] =	ssyncadd.s32 $0xFFFFD800  }
0xc3: {  	[spmem:s1] =	stream.indirect.scatter.add.f32 [tilespmem:s4], [sflag:$0x3], $0x80, s10, s29, $0xb8;
	[tilespmem:$0x1EE20] =	vst v63  }
0xc4: {  	_ =	swait.ge [sflag:s5], $0x2800  }
0xc5: {  	[sflag:s5] =	ssyncset.done $0x0  }
0xc6: {  	[sflag:s5] =	ssyncadd.s32 $0xFFFFD800  }
0xc7: {  	_ =	swait.ge [sflag:s30], $0x2800  }
0xc8: {  	[sflag:s30] =	ssyncset.done $0x0  }
0xc9: {  	s9 =	simm.s32 $0x4DD0;
	[sflag:s30] =	ssyncadd.s32 $0xFFFFD800  }
0xca: {  	[spmem:s1] =	stream.indirect.scatter.add.f32 [tilespmem:s2], [sflag:$0x3], $0x80, s9, s29, $0xb8;
	[tilespmem:$0x1EE20] =	vst v63  }
0xcb: {  	_ =	swait.ge [sflag:s5], $0x2800  }
0xcc: {  	[sflag:s5] =	ssyncset.done $0x0  }
0xcd: {  	[sflag:s5] =	ssyncadd.s32 $0xFFFFD800  }
0xce: {  	[bflag:$0x0] =	sbarrier.arrive $0xFFFF  }
0xcf: {  	s8 =	sshrl.u32 @!p0 s1, $0x3;
	s9 =	simm.s32 @!p0 $0x1C03;
	s10 =	rddreg [dreg:$0x5]  }
0xd0: {  	[hbm:s10], [sflag:s9] =	dma.local @!p0 [spmem:s8], $0x27100  }
0xd1: {  	s8 =	simm.s32 @!p0 $0x3  }
0xd2: {  	_ =	swait.ge @!p0 [sflag:s8], $0x27100  }
0xd3: {  	s7 =	sadd.s32 $0x1, s7;
	s10 =	rddreg [dreg:$0x6]  }
0xd4: {  	p1 =	sne.s32 s7, s10  }
.Ltmp2:
0xd5: {  	_ = 	snop;
	(pc) =	sbr.rel @p1 .LBB2_1-.Ltmp2, $3  }
0xd6: {  	_ =	sdelay $0x1  }
0xd7: {  	[sflag:s8] =	ssyncset.done @!p0 $0x0  }
0xd8: {  	[sflag:s8] =	ssyncadd.s32 @!p0 $0xFFFD8F00  }
0xd9: {  	_ =	sfence.sel $0x180000  }
0xda: {  	[bflag:$0x0] =	sbarrier.arrive $0xFFFF  }
0xdb: {  	_ =	strace $0x90000053  }
0xdc: {  	[bflag:$0x2] =	sbarrier.arrive $0xFFFF  }
0xdd: {  	s0 =	rddreg [dreg:$0x2]  }
0xde: {  	s0 =	sadd.s32 @!p0 $0x100000, s0  }
0xdf: {  	[sflag:s0] =	ssyncadd.tile.s32 @!p0 $0x1;
	_ =	shalt  }
.Lfunc_end2:
_tile_overlayer_lowered:
.L_overlay_start_2:
0xe0: {  	(tag) =	ssettag $0x2  }
0xe1: {  	s0 =	rddreg [dreg:$0x0];
	s2 =	stileid.u32  }
0xe2: {  	s1 =	rddreg [dreg:$0x1];
	p0 =	sne.s32 s2, $0x0  }
0xe3: {  	s3 =	rddreg [dreg:$0x2];
	[bflag:$0x3] =	sbarrier.arrive $0xFFFF;
	s2 =	simm.s32 @!p0 $0x1C03  }
0xe4: {  	[timem:s3], [sflag:s2] =	dma.local @!p0 [hbm:s0], s1  }
0xe5: {  	s0 =	simm.s32 @!p0 $0x3  }
0xe6: {  	_ =	swait.ge @!p0 [sflag:s0], s1  }
0xe7: {  	s1 =	ssub.s32 @!p0 $0x0, s1;
	[sflag:s0] =	ssyncset.done @!p0 $0x0  }
0xe8: {  	[sflag:s0] =	ssyncadd.s32 @!p0 s1  }
0xe9: {  	[bflag:$0x3] =	sbarrier.arrive $0xFFFF  }
0xea: {  	_ =	shalt  }

</sc_bundles>
